<compile_context>
chip_gen: v7x
topology: tpu7x:2x2x1
jax: 0.10.2.dev20260603
libtpu: 0.0.44.dev20260713+nightly
codegen_flags: <defaults>
</compile_context>

<pallas_src>
import functools

import jax
import jax.numpy as jnp
from jax import lax
from jax.experimental import pallas as pl
from jax.experimental.pallas import tpu as pltpu
from jax.experimental.pallas import tpu_sc as plsc

N = 10000
E = 320000
D = 128
NPAD = 10240
NT = 16
NC = 2
ROWS_PER_TILE = NPAD // NT
EPT = 20480
EPAD = NT * EPT

CHUNK = 80
KB = 16
NBLK = 16

DCH = 160
DCHUNK = 128

NB = 10
RB = N // NB


def _mesh():
    return plsc.VectorSubcoreMesh(
        core_axis_name="c", subcore_axis_name="s", num_cores=NC,
        num_subcores=NT)


def _sc_degree(sidx_deg, ones_rows):
    @functools.partial(
        pl.kernel,
        out_type=jax.ShapeDtypeStruct((NC, NPAD), jnp.float32),
        mesh=_mesh(),
        scratch_types=[
            pltpu.VMEM_SHARED((NPAD,), jnp.float32),
            pltpu.VMEM((DCH, DCHUNK), jnp.int32),
            pltpu.VMEM((DCHUNK,), jnp.float32),
            [pltpu.SemaphoreType.DMA] * 2,
        ],
    )
    def deg_kernel(sidx_hbm, ones_hbm, deg_hbm, deg_sp, idx_v, ones_v,
                   dsem):
        c = lax.axis_index("c")
        s = lax.axis_index("s")
        pltpu.sync_copy(ones_hbm, deg_sp.at[pl.ds(s * ROWS_PER_TILE,
                                                  ROWS_PER_TILE)])
        pltpu.sync_copy(sidx_hbm.at[c, s], idx_v)
        for i in range(DCHUNK // 16):
            ones_v[pl.ds(i * 16, 16)] = jnp.ones((16,), jnp.float32)
        plsc.subcore_barrier()

        def scat(j, u):
            pltpu.async_copy(ones_v, deg_sp.at[idx_v.at[j]], dsem[u],
                             add=True)

        def wait_scat(j, u):
            pltpu.make_async_copy(ones_v, deg_sp.at[idx_v.at[j]],
                                  dsem[u]).wait()

        scat(0, 0)
        scat(1, 1)

        def body(i, carry):
            for u in range(2):
                j = 2 * i + 2 + u
                wait_scat(j - 2, u)
                scat(j, u)
            return carry
        lax.fori_loop(0, (DCH - 2) // 2, body, None)
        for u in range(2):
            wait_scat(DCH - 2 + u, u)
        plsc.subcore_barrier()

        @pl.when(s == 0)
        def _():
            pltpu.sync_copy(deg_sp, deg_hbm.at[c])

    return deg_kernel(sidx_deg, ones_rows)


def _tc_scale(s, t, deg):
    def body(s_ref, t_ref, deg_ref, tbl_ref, inv_ref):
        inv = lax.rsqrt(deg_ref[...])
        tbl_ref[0] = inv[1] * t_ref[...]
        tbl_ref[1] = inv[0] * s_ref[...]
        inv_ref[...] = inv

    return pl.pallas_call(
        body,
        grid=(NB,),
        in_specs=[
            pl.BlockSpec((RB, D), lambda i: (i, 0)),
            pl.BlockSpec((RB, D), lambda i: (i, 0)),
            pl.BlockSpec((NC, RB, 1), lambda i: (0, i, 0)),
        ],
        out_specs=[
            pl.BlockSpec((NC, RB, D), lambda i: (0, i, 0)),
            pl.BlockSpec((NC, RB, 1), lambda i: (0, i, 0)),
        ],
        out_shape=[
            jax.ShapeDtypeStruct((NC, NPAD, D), jnp.float32),
            jax.ShapeDtypeStruct((NC, NPAD, 1), jnp.float32),
        ],
    )(s, t, deg)


def _sc_spmm(tables, sidx):
    @functools.partial(
        pl.kernel,
        out_type=jax.ShapeDtypeStruct((NC, NPAD, D), jnp.float32),
        mesh=_mesh(),
        scratch_types=[
            pltpu.VMEM_SHARED((NPAD, D), jnp.float32),
            pltpu.VMEM((2, KB, CHUNK), jnp.int32),
            pltpu.VMEM((2, KB, CHUNK), jnp.int32),
            pltpu.VMEM((4, CHUNK, D), jnp.float32),
            [pltpu.SemaphoreType.DMA] * 4,
            [pltpu.SemaphoreType.DMA] * 4,
            [pltpu.SemaphoreType.DMA] * 2,
        ],
    )
    def spmm_kernel(tbl_hbm, sidx_hbm, acc_hbm,
                    acc_sp, gi_v, si_v, rows_v, gsem, ssem, isem):
        c = lax.axis_index("c")
        s = lax.axis_index("s")
        r0 = s * ROWS_PER_TILE
        pltpu.sync_copy(tbl_hbm.at[c, pl.ds(r0, ROWS_PER_TILE)],
                        acc_sp.at[pl.ds(r0, ROWS_PER_TILE)])
        plsc.subcore_barrier()

        def load_idx_block(ob, p):
            pltpu.async_copy(sidx_hbm.at[1 - c, s, ob], gi_v.at[p], isem[p])
            pltpu.async_copy(sidx_hbm.at[c, s, ob], si_v.at[p], isem[p])

        def wait_idx_block(ob, p):
            pltpu.make_async_copy(
                sidx_hbm.at[1 - c, s, ob], gi_v.at[p], isem[p]).wait()
            pltpu.make_async_copy(
                sidx_hbm.at[c, s, ob], si_v.at[p], isem[p]).wait()

        def gather(p, k, b):
            pltpu.async_copy(tbl_hbm.at[c].at[gi_v.at[p, k]], rows_v.at[b],
                             gsem[b])

        def wait_gather(p, k, b):
            pltpu.make_async_copy(tbl_hbm.at[c].at[gi_v.at[p, k]],
                                  rows_v.at[b], gsem[b]).wait()

        def scatter(p, k, b):
            pltpu.async_copy(rows_v.at[b], acc_sp.at[si_v.at[p, k]], ssem[b],
                             add=True)

        def wait_scatter(p, k, b):
            pltpu.make_async_copy(rows_v.at[b], acc_sp.at[si_v.at[p, k]],
                                  ssem[b]).wait()

        for p in range(2):
            load_idx_block(p, p)

        def run_block(ob, p):
            wait_idx_block(ob, p)
            for b in range(3):
                gather(p, b, b)
            wait_gather(p, 0, 0)
            scatter(p, 0, 0)
            gather(p, 3, 3)

            def quad(q, carry):
                for u in range(4):
                    k = 4 * q + 1 + u
                    b = (1 + u) % 4
                    wait_gather(p, k, b)
                    scatter(p, k, b)
                    wait_scatter(p, k - 1, (b + 3) % 4)
                    gather(p, k + 3, (b + 3) % 4)
                return carry
            lax.fori_loop(0, (KB - 4) // 4, quad, None)

            for k in range(KB - 3, KB):
                b = k % 4
                wait_gather(p, k, b)
                scatter(p, k, b)
                wait_scatter(p, k - 1, (k + 3) % 4)
            wait_scatter(p, KB - 1, (KB - 1) % 4)

            @pl.when(ob + 2 < NBLK)
            def _():
                load_idx_block(ob + 2, p)

        def outer(q, carry):
            for p in range(2):
                run_block(2 * q + p, p)
            return carry
        lax.fori_loop(0, NBLK // 2, outer, None)
        plsc.subcore_barrier()
        pltpu.sync_copy(acc_sp.at[pl.ds(r0, ROWS_PER_TILE)],
                        acc_hbm.at[c, pl.ds(r0, ROWS_PER_TILE)])

    return spmm_kernel(tables, sidx)


def _tc_combine(weights, s, t, acc, inv):
    def body(w_ref, s_ref, t_ref, acc_ref, inv_ref, rs_ref, rt_ref):
        rs_ref[...] = s_ref[...] + w_ref[0] * (inv_ref[0] * acc_ref[0])
        rt_ref[...] = t_ref[...] + w_ref[1] * (inv_ref[1] * acc_ref[1])

    return pl.pallas_call(
        body,
        grid=(NB,),
        in_specs=[
            pl.BlockSpec(memory_space=pltpu.SMEM),
            pl.BlockSpec((RB, D), lambda i: (i, 0)),
            pl.BlockSpec((RB, D), lambda i: (i, 0)),
            pl.BlockSpec((NC, RB, D), lambda i: (0, i, 0)),
            pl.BlockSpec((NC, RB, 1), lambda i: (0, i, 0)),
        ],
        out_specs=[
            pl.BlockSpec((RB, D), lambda i: (i, 0)),
            pl.BlockSpec((RB, D), lambda i: (i, 0)),
        ],
        out_shape=[
            jax.ShapeDtypeStruct((N, D), jnp.float32),
            jax.ShapeDtypeStruct((N, D), jnp.float32),
        ],
    )(weights, s, t, acc, inv)


def kernel(s, t, edge_index, weights):
    row = edge_index[0].astype(jnp.int32)
    col = edge_index[1].astype(jnp.int32)
    pad = EPAD - E
    rowp = jnp.concatenate([row, jnp.full((pad,), N, jnp.int32)])
    colp = jnp.concatenate([col, jnp.full((pad,), N, jnp.int32)])
    sidx = jnp.stack([rowp, colp]).reshape(NC, NT, NBLK, KB, CHUNK)
    ones_rows = jnp.ones((ROWS_PER_TILE,), jnp.float32)

    deg = _sc_degree(sidx.reshape(NC, NT, DCH, DCHUNK), ones_rows)
    tables, inv = _tc_scale(s, t, deg.reshape(NC, NPAD, 1))
    acc = _sc_spmm(tables, sidx)
    return _tc_combine(weights.astype(jnp.float32), s, t, acc, inv)

# --- scband reference (transcript-rebuilt; emitter-appended) ---
"""Pipeline reference for scband-simple-conv-43611097924234 (READ-ONLY COPY).

The authoritative reference and input builder live on the scoring server;
editing this copy changes nothing except your own understanding.
"""

import jax, jax.numpy as jnp
import numpy as np

N_NODES = 10000
N_EDGES = 320000
D_FEAT = 128


def setup_inputs(seed: int = 0) -> dict:
    key = jax.random.key(seed)
    k1, k2, k3 = jax.random.split(key, 3)
    s = jax.random.normal(k1, (N_NODES, D_FEAT), dtype=jnp.float32)
    t = jax.random.normal(k2, (N_NODES, D_FEAT), dtype=jnp.float32)
    edge_index = jax.random.randint(k3, (2, N_EDGES), 0, N_NODES, dtype=jnp.int64)
    weights = jnp.ones((2,), dtype=jnp.float32)
    return {"s": s, "t": t, "edge_index": edge_index, "weights": weights}


def _directed_norm_vals(row, col, num_nodes):
    # D_out^{-1/2} A D_in^{-1/2}: per-edge value = out_deg_inv_sqrt[row] * in_deg_inv_sqrt[col]
    ones = jnp.ones(row.shape[0], dtype=jnp.float32)
    in_deg = jnp.zeros((num_nodes,), dtype=jnp.float32).at[col].add(ones)   # sum over dim=0
    out_deg = jnp.zeros((num_nodes,), dtype=jnp.float32).at[row].add(ones)  # sum over dim=1
    in_inv = jnp.where(in_deg > 0, in_deg ** -0.5, 0.0)
    out_inv = jnp.where(out_deg > 0, out_deg ** -0.5, 0.0)
    return out_inv[row] * in_inv[col]


def _spmm(row, col, vals, x, num_nodes):
    # out[row] += vals * x[col]
    msgs = vals[:, None] * jnp.take(x, col, axis=0)
    return jnp.zeros((num_nodes, x.shape[1]), dtype=x.dtype).at[row].add(msgs)


def reference(s, t, edge_index, weights):
    num_nodes = s.shape[0]
    # add self loops (applied once to edge_index; reused for adj and adj_t)
    loop = jnp.arange(num_nodes, dtype=edge_index.dtype)
    row = jnp.concatenate([edge_index[0], loop])
    col = jnp.concatenate([edge_index[1], loop])
    # adj = SparseTensor(row=row, col=col)
    adj_vals = _directed_norm_vals(row, col, num_nodes)
    # adj_t = SparseTensor(row=col, col=row)
    adj_t_vals = _directed_norm_vals(col, row, num_nodes)
    s_res = s + weights[0] * _spmm(row, col, adj_vals, t, num_nodes)
    t_res = t + weights[1] * _spmm(col, row, adj_t_vals, s, num_nodes)
    return (s_res, t_res)

if __name__ == "__main__":
    import jax
    _d = setup_inputs()
    print(jax.jit(kernel)(*tuple(_d.values())))

</pallas_src>

<mosaic_0001>
#map = affine_map<(d0, d1) -> (0, 0, 0)>
#map1 = affine_map<(d0, d1) -> (0, 0, 0, 0, 0)>
module attributes {stable_mosaic.version = 14 : i64} {
  func.func @spmm_kernel(%arg0: i32, %arg1: i32, %arg2: memref<2x10240x128xf32, #tpu.memory_space<hbm>>, %arg3: memref<2x16x16x16x80xi32, #tpu.memory_space<hbm>>, %arg4: memref<2x10240x128xf32, #tpu.memory_space<hbm>>, %arg5: memref<10240x128xf32, #tpu.memory_space<vmem_shared>>, %arg6: memref<2x16x80xi32, #tpu.memory_space<vmem>>, %arg7: memref<2x16x80xi32, #tpu.memory_space<vmem>>, %arg8: memref<4x80x128xf32, #tpu.memory_space<vmem>>, %arg9: memref<!tpu.dma_semaphore, #tpu.memory_space<semaphore_mem>>, %arg10: memref<!tpu.dma_semaphore, #tpu.memory_space<semaphore_mem>>, %arg11: memref<!tpu.dma_semaphore, #tpu.memory_space<semaphore_mem>>, %arg12: memref<!tpu.dma_semaphore, #tpu.memory_space<semaphore_mem>>, %arg13: memref<!tpu.dma_semaphore, #tpu.memory_space<semaphore_mem>>, %arg14: memref<!tpu.dma_semaphore, #tpu.memory_space<semaphore_mem>>, %arg15: memref<!tpu.dma_semaphore, #tpu.memory_space<semaphore_mem>>, %arg16: memref<!tpu.dma_semaphore, #tpu.memory_space<semaphore_mem>>, %arg17: memref<!tpu.dma_semaphore, #tpu.memory_space<semaphore_mem>>, %arg18: memref<!tpu.dma_semaphore, #tpu.memory_space<semaphore_mem>>) attributes {dimension_semantics = [#tpu.dimension_semantics<core_parallel>, #tpu.dimension_semantics<subcore_parallel>], iteration_bounds = array<i64: 2, 16>, scalar_prefetch = 0 : i64, scratch_operands = 14 : i64, tpu.core_type = #tpu.core_type<sc_vector_subcore>, window_params = [{transform_indices = #map}, {transform_indices = #map1}, {transform_indices = #map}]} {
    %mul3A = arith.constant 640 : i32
    %mul3A_0 = arith.muli %arg1, %mul3A : i32
    "tpu.region"() ({
      %run_scoped3A = tpu.sem_alloc : memref<!tpu.dma_semaphore, #tpu.memory_space<semaphore_mem>>
      %dma_start3A_80 = arith.constant 0 : i32
      %dma_start3A_81 = tpu.memref_slice %arg5[%mul3A_0, %dma_start3A_80] : memref<10240x128xf32, #tpu.memory_space<vmem_shared>> -> memref<640x128xf32, #tpu.memory_space<vmem_shared>>
      %dma_start3A_82 = arith.constant 0 : i32
      %dma_start3A_83 = tpu.memref_slice %arg2[%arg0, %mul3A_0, %dma_start3A_82] : memref<2x10240x128xf32, #tpu.memory_space<hbm>> -> memref<1x640x128xf32, #tpu.memory_space<hbm>>
      %dma_start3A_84 = tpu.memref_squeeze %dma_start3A_83 : memref<1x640x128xf32, #tpu.memory_space<hbm>> -> memref<640x128xf32, #tpu.memory_space<hbm>>
      tpu.enqueue_dma source(%dma_start3A_84 : memref<640x128xf32, #tpu.memory_space<hbm>>) target(%dma_start3A_81 : memref<640x128xf32, #tpu.memory_space<vmem_shared>>) target_semaphore(%run_scoped3A : memref<!tpu.dma_semaphore, #tpu.memory_space<semaphore_mem>>)
      %dma_wait3A = arith.constant 0 : i32
      %dma_wait3A_85 = tpu.memref_slice %arg5[%mul3A_0, %dma_wait3A] : memref<10240x128xf32, #tpu.memory_space<vmem_shared>> -> memref<640x128xf32, #tpu.memory_space<vmem_shared>>
      %dma_wait3A_86 = arith.constant 0 : i32
      %dma_wait3A_87 = tpu.memref_slice %arg2[%arg0, %mul3A_0, %dma_wait3A_86] : memref<2x10240x128xf32, #tpu.memory_space<hbm>> -> memref<1x640x128xf32, #tpu.memory_space<hbm>>
      %dma_wait3A_88 = tpu.memref_squeeze %dma_wait3A_87 : memref<1x640x128xf32, #tpu.memory_space<hbm>> -> memref<640x128xf32, #tpu.memory_space<hbm>>
      tpu.wait_dma2 semaphore(%run_scoped3A : memref<!tpu.dma_semaphore, #tpu.memory_space<semaphore_mem>>) src(%dma_wait3A_88 : memref<640x128xf32, #tpu.memory_space<hbm>>) dst(%dma_wait3A_85 : memref<640x128xf32, #tpu.memory_space<vmem_shared>>)
      tpu.yield
    }) : () -> ()
    %barrier3A = arith.constant 0 : index
    tpu.barrier barrier_id(%barrier3A)
    %sub3A = arith.constant 1 : i32
    %sub3A_1 = arith.subi %sub3A, %arg0 : i32
    %dma_start3A = arith.constant 0 : i32
    %dma_start3A_2 = arith.constant 0 : i32
    %dma_start3A_3 = arith.constant 0 : i32
    %dma_start3A_4 = arith.constant 0 : i32
    %dma_start3A_5 = tpu.memref_slice %arg6[%dma_start3A_2, %dma_start3A_3, %dma_start3A_4] : memref<2x16x80xi32, #tpu.memory_space<vmem>> -> memref<1x16x80xi32, #tpu.memory_space<vmem>>
    %dma_start3A_6 = tpu.memref_squeeze %dma_start3A_5 : memref<1x16x80xi32, #tpu.memory_space<vmem>> -> memref<16x80xi32, #tpu.memory_space<vmem>>
    %dma_start3A_7 = arith.constant 0 : i32
    %dma_start3A_8 = arith.constant 0 : i32
    %dma_start3A_9 = tpu.memref_slice %arg3[%sub3A_1, %arg1, %dma_start3A, %dma_start3A_7, %dma_start3A_8] : memref<2x16x16x16x80xi32, #tpu.memory_space<hbm>> -> memref<1x1x1x16x80xi32, #tpu.memory_space<hbm>>
    %dma_start3A_10 = tpu.memref_squeeze %dma_start3A_9 : memref<1x1x1x16x80xi32, #tpu.memory_space<hbm>> -> memref<16x80xi32, #tpu.memory_space<hbm>>
    %dma_start3A_11 = arith.constant 0 : i32
    %dma_start3A_12 = arith.constant 0 : i32
    %dma_start3A_13 = tpu.memref_slice %arg6[%dma_start3A_2, %dma_start3A_11, %dma_start3A_12] : memref<2x16x80xi32, #tpu.memory_space<vmem>> -> memref<1x16x80xi32, #tpu.memory_space<vmem>>
    %dma_start3A_14 = tpu.memref_squeeze %dma_start3A_13 : memref<1x16x80xi32, #tpu.memory_space<vmem>> -> memref<16x80xi32, #tpu.memory_space<vmem>>
    %dma_start3A_15 = arith.constant 0 : i32
    %dma_start3A_16 = arith.constant 0 : i32
    %dma_start3A_17 = tpu.memref_slice %arg3[%sub3A_1, %arg1, %dma_start3A, %dma_start3A_15, %dma_start3A_16] : memref<2x16x16x16x80xi32, #tpu.memory_space<hbm>> -> memref<1x1x1x16x80xi32, #tpu.memory_space<hbm>>
    %dma_start3A_18 = tpu.memref_squeeze %dma_start3A_17 : memref<1x1x1x16x80xi32, #tpu.memory_space<hbm>> -> memref<16x80xi32, #tpu.memory_space<hbm>>
    tpu.enqueue_dma source(%dma_start3A_18 : memref<16x80xi32, #tpu.memory_space<hbm>>) target(%dma_start3A_14 : memref<16x80xi32, #tpu.memory_space<vmem>>) target_semaphore(%arg17 : memref<!tpu.dma_semaphore, #tpu.memory_space<semaphore_mem>>)
    %dma_start3A_19 = arith.constant 0 : i32
    %dma_start3A_20 = arith.constant 0 : i32
    %dma_start3A_21 = arith.constant 0 : i32
    %dma_start3A_22 = arith.constant 0 : i32
    %dma_start3A_23 = tpu.memref_slice %arg7[%dma_start3A_20, %dma_start3A_21, %dma_start3A_22] : memref<2x16x80xi32, #tpu.memory_space<vmem>> -> memref<1x16x80xi32, #tpu.memory_space<vmem>>
    %dma_start3A_24 = tpu.memref_squeeze %dma_start3A_23 : memref<1x16x80xi32, #tpu.memory_space<vmem>> -> memref<16x80xi32, #tpu.memory_space<vmem>>
    %dma_start3A_25 = arith.constant 0 : i32
    %dma_start3A_26 = arith.constant 0 : i32
    %dma_start3A_27 = tpu.memref_slice %arg3[%arg0, %arg1, %dma_start3A_19, %dma_start3A_25, %dma_start3A_26] : memref<2x16x16x16x80xi32, #tpu.memory_space<hbm>> -> memref<1x1x1x16x80xi32, #tpu.memory_space<hbm>>
    %dma_start3A_28 = tpu.memref_squeeze %dma_start3A_27 : memref<1x1x1x16x80xi32, #tpu.memory_space<hbm>> -> memref<16x80xi32, #tpu.memory_space<hbm>>
    %dma_start3A_29 = arith.constant 0 : i32
    %dma_start3A_30 = arith.constant 0 : i32
    %dma_start3A_31 = tpu.memref_slice %arg7[%dma_start3A_20, %dma_start3A_29, %dma_start3A_30] : memref<2x16x80xi32, #tpu.memory_space<vmem>> -> memref<1x16x80xi32, #tpu.memory_space<vmem>>
    %dma_start3A_32 = tpu.memref_squeeze %dma_start3A_31 : memref<1x16x80xi32, #tpu.memory_space<vmem>> -> memref<16x80xi32, #tpu.memory_space<vmem>>
    %dma_start3A_33 = arith.constant 0 : i32
    %dma_start3A_34 = arith.constant 0 : i32
    %dma_start3A_35 = tpu.memref_slice %arg3[%arg0, %arg1, %dma_start3A_19, %dma_start3A_33, %dma_start3A_34] : memref<2x16x16x16x80xi32, #tpu.memory_space<hbm>> -> memref<1x1x1x16x80xi32, #tpu.memory_space<hbm>>
    %dma_start3A_36 = tpu.memref_squeeze %dma_start3A_35 : memref<1x1x1x16x80xi32, #tpu.memory_space<hbm>> -> memref<16x80xi32, #tpu.memory_space<hbm>>
    tpu.enqueue_dma source(%dma_start3A_36 : memref<16x80xi32, #tpu.memory_space<hbm>>) target(%dma_start3A_32 : memref<16x80xi32, #tpu.memory_space<vmem>>) target_semaphore(%arg17 : memref<!tpu.dma_semaphore, #tpu.memory_space<semaphore_mem>>)
    %sub3A_37 = arith.constant 1 : i32
    %sub3A_38 = arith.subi %sub3A_37, %arg0 : i32
    %dma_start3A_39 = arith.constant 1 : i32
    %dma_start3A_40 = arith.constant 1 : i32
    %dma_start3A_41 = arith.constant 0 : i32
    %dma_start3A_42 = arith.constant 0 : i32
    %dma_start3A_43 = tpu.memref_slice %arg6[%dma_start3A_40, %dma_start3A_41, %dma_start3A_42] : memref<2x16x80xi32, #tpu.memory_space<vmem>> -> memref<1x16x80xi32, #tpu.memory_space<vmem>>
    %dma_start3A_44 = tpu.memref_squeeze %dma_start3A_43 : memref<1x16x80xi32, #tpu.memory_space<vmem>> -> memref<16x80xi32, #tpu.memory_space<vmem>>
    %dma_start3A_45 = arith.constant 0 : i32
    %dma_start3A_46 = arith.constant 0 : i32
    %dma_start3A_47 = tpu.memref_slice %arg3[%sub3A_38, %arg1, %dma_start3A_39, %dma_start3A_45, %dma_start3A_46] : memref<2x16x16x16x80xi32, #tpu.memory_space<hbm>> -> memref<1x1x1x16x80xi32, #tpu.memory_space<hbm>>
    %dma_start3A_48 = tpu.memref_squeeze %dma_start3A_47 : memref<1x1x1x16x80xi32, #tpu.memory_space<hbm>> -> memref<16x80xi32, #tpu.memory_space<hbm>>
    %dma_start3A_49 = arith.constant 0 : i32
    %dma_start3A_50 = arith.constant 0 : i32
    %dma_start3A_51 = tpu.memref_slice %arg6[%dma_start3A_40, %dma_start3A_49, %dma_start3A_50] : memref<2x16x80xi32, #tpu.memory_space<vmem>> -> memref<1x16x80xi32, #tpu.memory_space<vmem>>
    %dma_start3A_52 = tpu.memref_squeeze %dma_start3A_51 : memref<1x16x80xi32, #tpu.memory_space<vmem>> -> memref<16x80xi32, #tpu.memory_space<vmem>>
    %dma_start3A_53 = arith.constant 0 : i32
    %dma_start3A_54 = arith.constant 0 : i32
    %dma_start3A_55 = tpu.memref_slice %arg3[%sub3A_38, %arg1, %dma_start3A_39, %dma_start3A_53, %dma_start3A_54] : memref<2x16x16x16x80xi32, #tpu.memory_space<hbm>> -> memref<1x1x1x16x80xi32, #tpu.memory_space<hbm>>
    %dma_start3A_56 = tpu.memref_squeeze %dma_start3A_55 : memref<1x1x1x16x80xi32, #tpu.memory_space<hbm>> -> memref<16x80xi32, #tpu.memory_space<hbm>>
    tpu.enqueue_dma source(%dma_start3A_56 : memref<16x80xi32, #tpu.memory_space<hbm>>) target(%dma_start3A_52 : memref<16x80xi32, #tpu.memory_space<vmem>>) target_semaphore(%arg18 : memref<!tpu.dma_semaphore, #tpu.memory_space<semaphore_mem>>)
    %dma_start3A_57 = arith.constant 1 : i32
    %dma_start3A_58 = arith.constant 1 : i32
    %dma_start3A_59 = arith.constant 0 : i32
    %dma_start3A_60 = arith.constant 0 : i32
    %dma_start3A_61 = tpu.memref_slice %arg7[%dma_start3A_58, %dma_start3A_59, %dma_start3A_60] : memref<2x16x80xi32, #tpu.memory_space<vmem>> -> memref<1x16x80xi32, #tpu.memory_space<vmem>>
    %dma_start3A_62 = tpu.memref_squeeze %dma_start3A_61 : memref<1x16x80xi32, #tpu.memory_space<vmem>> -> memref<16x80xi32, #tpu.memory_space<vmem>>
    %dma_start3A_63 = arith.constant 0 : i32
    %dma_start3A_64 = arith.constant 0 : i32
    %dma_start3A_65 = tpu.memref_slice %arg3[%arg0, %arg1, %dma_start3A_57, %dma_start3A_63, %dma_start3A_64] : memref<2x16x16x16x80xi32, #tpu.memory_space<hbm>> -> memref<1x1x1x16x80xi32, #tpu.memory_space<hbm>>
    %dma_start3A_66 = tpu.memref_squeeze %dma_start3A_65 : memref<1x1x1x16x80xi32, #tpu.memory_space<hbm>> -> memref<16x80xi32, #tpu.memory_space<hbm>>
    %dma_start3A_67 = arith.constant 0 : i32
    %dma_start3A_68 = arith.constant 0 : i32
    %dma_start3A_69 = tpu.memref_slice %arg7[%dma_start3A_58, %dma_start3A_67, %dma_start3A_68] : memref<2x16x80xi32, #tpu.memory_space<vmem>> -> memref<1x16x80xi32, #tpu.memory_space<vmem>>
    %dma_start3A_70 = tpu.memref_squeeze %dma_start3A_69 : memref<1x16x80xi32, #tpu.memory_space<vmem>> -> memref<16x80xi32, #tpu.memory_space<vmem>>
    %dma_start3A_71 = arith.constant 0 : i32
    %dma_start3A_72 = arith.constant 0 : i32
    %dma_start3A_73 = tpu.memref_slice %arg3[%arg0, %arg1, %dma_start3A_57, %dma_start3A_71, %dma_start3A_72] : memref<2x16x16x16x80xi32, #tpu.memory_space<hbm>> -> memref<1x1x1x16x80xi32, #tpu.memory_space<hbm>>
    %dma_start3A_74 = tpu.memref_squeeze %dma_start3A_73 : memref<1x1x1x16x80xi32, #tpu.memory_space<hbm>> -> memref<16x80xi32, #tpu.memory_space<hbm>>
    tpu.enqueue_dma source(%dma_start3A_74 : memref<16x80xi32, #tpu.memory_space<hbm>>) target(%dma_start3A_70 : memref<16x80xi32, #tpu.memory_space<vmem>>) target_semaphore(%arg18 : memref<!tpu.dma_semaphore, #tpu.memory_space<semaphore_mem>>)
    %scan3A = arith.constant 0 : i32
    %scan3A_75 = arith.constant 8 : i32
    %scan3A_76 = arith.addi %scan3A, %scan3A_75 : i32
    %scan3A_77 = arith.constant 1 : i32
    scf.for %scan3A_80 = %scan3A to %scan3A_76 step %scan3A_77  : i32 {
      %mul3A_81 = arith.constant 2 : i32
      %mul3A_82 = arith.muli %mul3A_81, %scan3A_80 : i32
      %add3A = arith.constant 0 : i32
      %add3A_83 = arith.addi %mul3A_82, %add3A : i32
      %sub3A_84 = arith.constant 1 : i32
      %sub3A_85 = arith.subi %sub3A_84, %arg0 : i32
      %dma_wait3A = arith.constant 0 : i32
      %dma_wait3A_86 = arith.constant 0 : i32
      %dma_wait3A_87 = arith.constant 0 : i32
      %dma_wait3A_88 = tpu.memref_slice %arg6[%dma_wait3A, %dma_wait3A_86, %dma_wait3A_87] : memref<2x16x80xi32, #tpu.memory_space<vmem>> -> memref<1x16x80xi32, #tpu.memory_space<vmem>>
      %dma_wait3A_89 = tpu.memref_squeeze %dma_wait3A_88 : memref<1x16x80xi32, #tpu.memory_space<vmem>> -> memref<16x80xi32, #tpu.memory_space<vmem>>
      %dma_wait3A_90 = arith.constant 0 : i32
      %dma_wait3A_91 = arith.constant 0 : i32
      %dma_wait3A_92 = tpu.memref_slice %arg3[%sub3A_85, %arg1, %add3A_83, %dma_wait3A_90, %dma_wait3A_91] : memref<2x16x16x16x80xi32, #tpu.memory_space<hbm>> -> memref<1x1x1x16x80xi32, #tpu.memory_space<hbm>>
      %dma_wait3A_93 = tpu.memref_squeeze %dma_wait3A_92 : memref<1x1x1x16x80xi32, #tpu.memory_space<hbm>> -> memref<16x80xi32, #tpu.memory_space<hbm>>
      %dma_wait3A_94 = arith.constant 0 : i32
      %dma_wait3A_95 = arith.constant 0 : i32
      %dma_wait3A_96 = tpu.memref_slice %arg6[%dma_wait3A, %dma_wait3A_94, %dma_wait3A_95] : memref<2x16x80xi32, #tpu.memory_space<vmem>> -> memref<1x16x80xi32, #tpu.memory_space<vmem>>
      %dma_wait3A_97 = tpu.memref_squeeze %dma_wait3A_96 : memref<1x16x80xi32, #tpu.memory_space<vmem>> -> memref<16x80xi32, #tpu.memory_space<vmem>>
      %dma_wait3A_98 = arith.constant 0 : i32
      %dma_wait3A_99 = arith.constant 0 : i32
      %dma_wait3A_100 = tpu.memref_slice %arg3[%sub3A_85, %arg1, %add3A_83, %dma_wait3A_98, %dma_wait3A_99] : memref<2x16x16x16x80xi32, #tpu.memory_space<hbm>> -> memref<1x1x1x16x80xi32, #tpu.memory_space<hbm>>
      %dma_wait3A_101 = tpu.memref_squeeze %dma_wait3A_100 : memref<1x1x1x16x80xi32, #tpu.memory_space<hbm>> -> memref<16x80xi32, #tpu.memory_space<hbm>>
      tpu.wait_dma2 semaphore(%arg17 : memref<!tpu.dma_semaphore, #tpu.memory_space<semaphore_mem>>) src(%dma_wait3A_101 : memref<16x80xi32, #tpu.memory_space<hbm>>) dst(%dma_wait3A_97 : memref<16x80xi32, #tpu.memory_space<vmem>>)
      %dma_wait3A_102 = arith.constant 0 : i32
      %dma_wait3A_103 = arith.constant 0 : i32
      %dma_wait3A_104 = arith.constant 0 : i32
      %dma_wait3A_105 = tpu.memref_slice %arg7[%dma_wait3A_102, %dma_wait3A_103, %dma_wait3A_104] : memref<2x16x80xi32, #tpu.memory_space<vmem>> -> memref<1x16x80xi32, #tpu.memory_space<vmem>>
      %dma_wait3A_106 = tpu.memref_squeeze %dma_wait3A_105 : memref<1x16x80xi32, #tpu.memory_space<vmem>> -> memref<16x80xi32, #tpu.memory_space<vmem>>
      %dma_wait3A_107 = arith.constant 0 : i32
      %dma_wait3A_108 = arith.constant 0 : i32
      %dma_wait3A_109 = tpu.memref_slice %arg3[%arg0, %arg1, %add3A_83, %dma_wait3A_107, %dma_wait3A_108] : memref<2x16x16x16x80xi32, #tpu.memory_space<hbm>> -> memref<1x1x1x16x80xi32, #tpu.memory_space<hbm>>
      %dma_wait3A_110 = tpu.memref_squeeze %dma_wait3A_109 : memref<1x1x1x16x80xi32, #tpu.memory_space<hbm>> -> memref<16x80xi32, #tpu.memory_space<hbm>>
      %dma_wait3A_111 = arith.constant 0 : i32
      %dma_wait3A_112 = arith.constant 0 : i32
      %dma_wait3A_113 = tpu.memref_slice %arg7[%dma_wait3A_102, %dma_wait3A_111, %dma_wait3A_112] : memref<2x16x80xi32, #tpu.memory_space<vmem>> -> memref<1x16x80xi32, #tpu.memory_space<vmem>>
      %dma_wait3A_114 = tpu.memref_squeeze %dma_wait3A_113 : memref<1x16x80xi32, #tpu.memory_space<vmem>> -> memref<16x80xi32, #tpu.memory_space<vmem>>
      %dma_wait3A_115 = arith.constant 0 : i32
      %dma_wait3A_116 = arith.constant 0 : i32
      %dma_wait3A_117 = tpu.memref_slice %arg3[%arg0, %arg1, %add3A_83, %dma_wait3A_115, %dma_wait3A_116] : memref<2x16x16x16x80xi32, #tpu.memory_space<hbm>> -> memref<1x1x1x16x80xi32, #tpu.memory_space<hbm>>
      %dma_wait3A_118 = tpu.memref_squeeze %dma_wait3A_117 : memref<1x1x1x16x80xi32, #tpu.memory_space<hbm>> -> memref<16x80xi32, #tpu.memory_space<hbm>>
      tpu.wait_dma2 semaphore(%arg17 : memref<!tpu.dma_semaphore, #tpu.memory_space<semaphore_mem>>) src(%dma_wait3A_118 : memref<16x80xi32, #tpu.memory_space<hbm>>) dst(%dma_wait3A_114 : memref<16x80xi32, #tpu.memory_space<vmem>>)
      %dma_start3A_119 = arith.constant 0 : i32
      %dma_start3A_120 = arith.constant 0 : i32
      %dma_start3A_121 = arith.constant 0 : i32
      %dma_start3A_122 = arith.constant 0 : i32
      %dma_start3A_123 = arith.constant 0 : i32
      %dma_start3A_124 = tpu.memref_slice %arg8[%dma_start3A_121, %dma_start3A_122, %dma_start3A_123] : memref<4x80x128xf32, #tpu.memory_space<vmem>> -> memref<1x80x128xf32, #tpu.memory_space<vmem>>
      %dma_start3A_125 = tpu.memref_squeeze %dma_start3A_124 : memref<1x80x128xf32, #tpu.memory_space<vmem>> -> memref<80x128xf32, #tpu.memory_space<vmem>>
      %dma_start3A_126 = arith.constant 0 : i32
      %dma_start3A_127 = tpu.memref_slice %arg6[%dma_start3A_119, %dma_start3A_120, %dma_start3A_126] : memref<2x16x80xi32, #tpu.memory_space<vmem>> -> memref<1x1x80xi32, #tpu.memory_space<vmem>>
      %dma_start3A_128 = tpu.memref_squeeze %dma_start3A_127 : memref<1x1x80xi32, #tpu.memory_space<vmem>> -> memref<80xi32, #tpu.memory_space<vmem>>
      %dma_start3A_129 = arith.constant 0 : i32
      %dma_start3A_130 = arith.constant 0 : i32
      %dma_start3A_131 = tpu.memref_slice %arg2[%arg0, %dma_start3A_129, %dma_start3A_130] : memref<2x10240x128xf32, #tpu.memory_space<hbm>> -> memref<1x10240x128xf32, #tpu.memory_space<hbm>>
      %dma_start3A_132 = tpu.memref_squeeze %dma_start3A_131 : memref<1x10240x128xf32, #tpu.memory_space<hbm>> -> memref<10240x128xf32, #tpu.memory_space<hbm>>
      %dma_start3A_133 = arith.constant 0 : i32
      %dma_start3A_134 = arith.constant 0 : i32
      %dma_start3A_135 = tpu.memref_slice %dma_start3A_132[%dma_start3A_133, %dma_start3A_134] : memref<10240x128xf32, #tpu.memory_space<hbm>> -> memref<10240x128xf32, #tpu.memory_space<hbm>>
      tpu.enqueue_indirect_dma source(%dma_start3A_135 : memref<10240x128xf32, #tpu.memory_space<hbm>>) target(%dma_start3A_125 : memref<80x128xf32, #tpu.memory_space<vmem>>) offsets(%dma_start3A_128 : memref<80xi32, #tpu.memory_space<vmem>>) semaphore(%arg9 : memref<!tpu.dma_semaphore, #tpu.memory_space<semaphore_mem>>)
      %dma_start3A_136 = arith.constant 0 : i32
      %dma_start3A_137 = arith.constant 1 : i32
      %dma_start3A_138 = arith.constant 1 : i32
      %dma_start3A_139 = arith.constant 0 : i32
      %dma_start3A_140 = arith.constant 0 : i32
      %dma_start3A_141 = tpu.memref_slice %arg8[%dma_start3A_138, %dma_start3A_139, %dma_start3A_140] : memref<4x80x128xf32, #tpu.memory_space<vmem>> -> memref<1x80x128xf32, #tpu.memory_space<vmem>>
      %dma_start3A_142 = tpu.memref_squeeze %dma_start3A_141 : memref<1x80x128xf32, #tpu.memory_space<vmem>> -> memref<80x128xf32, #tpu.memory_space<vmem>>
      %dma_start3A_143 = arith.constant 0 : i32
      %dma_start3A_144 = tpu.memref_slice %arg6[%dma_start3A_136, %dma_start3A_137, %dma_start3A_143] : memref<2x16x80xi32, #tpu.memory_space<vmem>> -> memref<1x1x80xi32, #tpu.memory_space<vmem>>
      %dma_start3A_145 = tpu.memref_squeeze %dma_start3A_144 : memref<1x1x80xi32, #tpu.memory_space<vmem>> -> memref<80xi32, #tpu.memory_space<vmem>>
      %dma_start3A_146 = arith.constant 0 : i32
      %dma_start3A_147 = arith.constant 0 : i32
      %dma_start3A_148 = tpu.memref_slice %arg2[%arg0, %dma_start3A_146, %dma_start3A_147] : memref<2x10240x128xf32, #tpu.memory_space<hbm>> -> memref<1x10240x128xf32, #tpu.memory_space<hbm>>
      %dma_start3A_149 = tpu.memref_squeeze %dma_start3A_148 : memref<1x10240x128xf32, #tpu.memory_space<hbm>> -> memref<10240x128xf32, #tpu.memory_space<hbm>>
      %dma_start3A_150 = arith.constant 0 : i32
      %dma_start3A_151 = arith.constant 0 : i32
      %dma_start3A_152 = tpu.memref_slice %dma_start3A_149[%dma_start3A_150, %dma_start3A_151] : memref<10240x128xf32, #tpu.memory_space<hbm>> -> memref<10240x128xf32, #tpu.memory_space<hbm>>
      tpu.enqueue_indirect_dma source(%dma_start3A_152 : memref<10240x128xf32, #tpu.memory_space<hbm>>) target(%dma_start3A_142 : memref<80x128xf32, #tpu.memory_space<vmem>>) offsets(%dma_start3A_145 : memref<80xi32, #tpu.memory_space<vmem>>) semaphore(%arg10 : memref<!tpu.dma_semaphore, #tpu.memory_space<semaphore_mem>>)
      %dma_start3A_153 = arith.constant 0 : i32
      %dma_start3A_154 = arith.constant 2 : i32
      %dma_start3A_155 = arith.constant 2 : i32
      %dma_start3A_156 = arith.constant 0 : i32
      %dma_start3A_157 = arith.constant 0 : i32
      %dma_start3A_158 = tpu.memref_slice %arg8[%dma_start3A_155, %dma_start3A_156, %dma_start3A_157] : memref<4x80x128xf32, #tpu.memory_space<vmem>> -> memref<1x80x128xf32, #tpu.memory_space<vmem>>
      %dma_start3A_159 = tpu.memref_squeeze %dma_start3A_158 : memref<1x80x128xf32, #tpu.memory_space<vmem>> -> memref<80x128xf32, #tpu.memory_space<vmem>>
      %dma_start3A_160 = arith.constant 0 : i32
      %dma_start3A_161 = tpu.memref_slice %arg6[%dma_start3A_153, %dma_start3A_154, %dma_start3A_160] : memref<2x16x80xi32, #tpu.memory_space<vmem>> -> memref<1x1x80xi32, #tpu.memory_space<vmem>>
      %dma_start3A_162 = tpu.memref_squeeze %dma_start3A_161 : memref<1x1x80xi32, #tpu.memory_space<vmem>> -> memref<80xi32, #tpu.memory_space<vmem>>
      %dma_start3A_163 = arith.constant 0 : i32
      %dma_start3A_164 = arith.constant 0 : i32
      %dma_start3A_165 = tpu.memref_slice %arg2[%arg0, %dma_start3A_163, %dma_start3A_164] : memref<2x10240x128xf32, #tpu.memory_space<hbm>> -> memref<1x10240x128xf32, #tpu.memory_space<hbm>>
      %dma_start3A_166 = tpu.memref_squeeze %dma_start3A_165 : memref<1x10240x128xf32, #tpu.memory_space<hbm>> -> memref<10240x128xf32, #tpu.memory_space<hbm>>
      %dma_start3A_167 = arith.constant 0 : i32
      %dma_start3A_168 = arith.constant 0 : i32
      %dma_start3A_169 = tpu.memref_slice %dma_start3A_166[%dma_start3A_167, %dma_start3A_168] : memref<10240x128xf32, #tpu.memory_space<hbm>> -> memref<10240x128xf32, #tpu.memory_space<hbm>>
      tpu.enqueue_indirect_dma source(%dma_start3A_169 : memref<10240x128xf32, #tpu.memory_space<hbm>>) target(%dma_start3A_159 : memref<80x128xf32, #tpu.memory_space<vmem>>) offsets(%dma_start3A_162 : memref<80xi32, #tpu.memory_space<vmem>>) semaphore(%arg11 : memref<!tpu.dma_semaphore, #tpu.memory_space<semaphore_mem>>)
      %dma_wait3A_170 = arith.constant 0 : i32
      %dma_wait3A_171 = arith.constant 0 : i32
      %dma_wait3A_172 = arith.constant 0 : i32
      %dma_wait3A_173 = arith.constant 0 : i32
      %dma_wait3A_174 = arith.constant 0 : i32
      %dma_wait3A_175 = tpu.memref_slice %arg8[%dma_wait3A_172, %dma_wait3A_173, %dma_wait3A_174] : memref<4x80x128xf32, #tpu.memory_space<vmem>> -> memref<1x80x128xf32, #tpu.memory_space<vmem>>
      %dma_wait3A_176 = tpu.memref_squeeze %dma_wait3A_175 : memref<1x80x128xf32, #tpu.memory_space<vmem>> -> memref<80x128xf32, #tpu.memory_space<vmem>>
      %dma_wait3A_177 = arith.constant 0 : i32
      %dma_wait3A_178 = tpu.memref_slice %arg6[%dma_wait3A_170, %dma_wait3A_171, %dma_wait3A_177] : memref<2x16x80xi32, #tpu.memory_space<vmem>> -> memref<1x1x80xi32, #tpu.memory_space<vmem>>
      %dma_wait3A_179 = tpu.memref_squeeze %dma_wait3A_178 : memref<1x1x80xi32, #tpu.memory_space<vmem>> -> memref<80xi32, #tpu.memory_space<vmem>>
      %dma_wait3A_180 = arith.constant 0 : i32
      %dma_wait3A_181 = arith.constant 0 : i32
      %dma_wait3A_182 = tpu.memref_slice %arg2[%arg0, %dma_wait3A_180, %dma_wait3A_181] : memref<2x10240x128xf32, #tpu.memory_space<hbm>> -> memref<1x10240x128xf32, #tpu.memory_space<hbm>>
      %dma_wait3A_183 = tpu.memref_squeeze %dma_wait3A_182 : memref<1x10240x128xf32, #tpu.memory_space<hbm>> -> memref<10240x128xf32, #tpu.memory_space<hbm>>
      %dma_wait3A_184 = arith.constant 0 : i32
      %dma_wait3A_185 = arith.constant 0 : i32
      %dma_wait3A_186 = tpu.memref_slice %dma_wait3A_183[%dma_wait3A_184, %dma_wait3A_185] : memref<10240x128xf32, #tpu.memory_space<hbm>> -> memref<10240x128xf32, #tpu.memory_space<hbm>>
      tpu.wait_indirect_dma semaphore(%arg9 : memref<!tpu.dma_semaphore, #tpu.memory_space<semaphore_mem>>) src(%dma_wait3A_186 : memref<10240x128xf32, #tpu.memory_space<hbm>>) dst(%dma_wait3A_176 : memref<80x128xf32, #tpu.memory_space<vmem>>)
      %dma_start3A_187 = arith.constant 0 : i32
      %dma_start3A_188 = arith.constant 0 : i32
      %dma_start3A_189 = arith.constant 0 : i32
      %dma_start3A_190 = arith.constant 0 : i32
      %dma_start3A_191 = arith.constant 0 : i32
      %dma_start3A_192 = tpu.memref_slice %arg8[%dma_start3A_187, %dma_start3A_190, %dma_start3A_191] : memref<4x80x128xf32, #tpu.memory_space<vmem>> -> memref<1x80x128xf32, #tpu.memory_space<vmem>>
      %dma_start3A_193 = tpu.memref_squeeze %dma_start3A_192 : memref<1x80x128xf32, #tpu.memory_space<vmem>> -> memref<80x128xf32, #tpu.memory_space<vmem>>
      %dma_start3A_194 = arith.constant 0 : i32
      %dma_start3A_195 = tpu.memref_slice %arg7[%dma_start3A_188, %dma_start3A_189, %dma_start3A_194] : memref<2x16x80xi32, #tpu.memory_space<vmem>> -> memref<1x1x80xi32, #tpu.memory_space<vmem>>
      %dma_start3A_196 = tpu.memref_squeeze %dma_start3A_195 : memref<1x1x80xi32, #tpu.memory_space<vmem>> -> memref<80xi32, #tpu.memory_space<vmem>>
      %dma_start3A_197 = arith.constant 0 : i32
      %dma_start3A_198 = arith.constant 0 : i32
      %dma_start3A_199 = tpu.memref_slice %arg5[%dma_start3A_197, %dma_start3A_198] : memref<10240x128xf32, #tpu.memory_space<vmem_shared>> -> memref<10240x128xf32, #tpu.memory_space<vmem_shared>>
      tpu.enqueue_indirect_dma source(%dma_start3A_193 : memref<80x128xf32, #tpu.memory_space<vmem>>) target(%dma_start3A_199 : memref<10240x128xf32, #tpu.memory_space<vmem_shared>>) offsets(%dma_start3A_196 : memref<80xi32, #tpu.memory_space<vmem>>) semaphore(%arg13 : memref<!tpu.dma_semaphore, #tpu.memory_space<semaphore_mem>>) {add = true}
      %dma_start3A_200 = arith.constant 0 : i32
      %dma_start3A_201 = arith.constant 3 : i32
      %dma_start3A_202 = arith.constant 3 : i32
      %dma_start3A_203 = arith.constant 0 : i32
      %dma_start3A_204 = arith.constant 0 : i32
      %dma_start3A_205 = tpu.memref_slice %arg8[%dma_start3A_202, %dma_start3A_203, %dma_start3A_204] : memref<4x80x128xf32, #tpu.memory_space<vmem>> -> memref<1x80x128xf32, #tpu.memory_space<vmem>>
      %dma_start3A_206 = tpu.memref_squeeze %dma_start3A_205 : memref<1x80x128xf32, #tpu.memory_space<vmem>> -> memref<80x128xf32, #tpu.memory_space<vmem>>
      %dma_start3A_207 = arith.constant 0 : i32
      %dma_start3A_208 = tpu.memref_slice %arg6[%dma_start3A_200, %dma_start3A_201, %dma_start3A_207] : memref<2x16x80xi32, #tpu.memory_space<vmem>> -> memref<1x1x80xi32, #tpu.memory_space<vmem>>
      %dma_start3A_209 = tpu.memref_squeeze %dma_start3A_208 : memref<1x1x80xi32, #tpu.memory_space<vmem>> -> memref<80xi32, #tpu.memory_space<vmem>>
      %dma_start3A_210 = arith.constant 0 : i32
      %dma_start3A_211 = arith.constant 0 : i32
      %dma_start3A_212 = tpu.memref_slice %arg2[%arg0, %dma_start3A_210, %dma_start3A_211] : memref<2x10240x128xf32, #tpu.memory_space<hbm>> -> memref<1x10240x128xf32, #tpu.memory_space<hbm>>
      %dma_start3A_213 = tpu.memref_squeeze %dma_start3A_212 : memref<1x10240x128xf32, #tpu.memory_space<hbm>> -> memref<10240x128xf32, #tpu.memory_space<hbm>>
      %dma_start3A_214 = arith.constant 0 : i32
      %dma_start3A_215 = arith.constant 0 : i32
      %dma_start3A_216 = tpu.memref_slice %dma_start3A_213[%dma_start3A_214, %dma_start3A_215] : memref<10240x128xf32, #tpu.memory_space<hbm>> -> memref<10240x128xf32, #tpu.memory_space<hbm>>
      tpu.enqueue_indirect_dma source(%dma_start3A_216 : memref<10240x128xf32, #tpu.memory_space<hbm>>) target(%dma_start3A_206 : memref<80x128xf32, #tpu.memory_space<vmem>>) offsets(%dma_start3A_209 : memref<80xi32, #tpu.memory_space<vmem>>) semaphore(%arg12 : memref<!tpu.dma_semaphore, #tpu.memory_space<semaphore_mem>>)
      %scan3A_217 = arith.constant 0 : i32
      %scan3A_218 = arith.constant 3 : i32
      %scan3A_219 = arith.addi %scan3A_217, %scan3A_218 : i32
      %scan3A_220 = arith.constant 1 : i32
      scf.for %scan3A_660 = %scan3A_217 to %scan3A_219 step %scan3A_220  : i32 {
        %mul3A_661 = arith.constant 4 : i32
        %mul3A_662 = arith.muli %mul3A_661, %scan3A_660 : i32
        %add3A_663 = arith.constant 1 : i32
        %add3A_664 = arith.addi %mul3A_662, %add3A_663 : i32
        %add3A_665 = arith.constant 0 : i32
        %add3A_666 = arith.addi %add3A_664, %add3A_665 : i32
        %dma_wait3A_667 = arith.constant 0 : i32
        %dma_wait3A_668 = arith.constant 1 : i32
        %dma_wait3A_669 = arith.constant 0 : i32
        %dma_wait3A_670 = arith.constant 0 : i32
        %dma_wait3A_671 = tpu.memref_slice %arg8[%dma_wait3A_668, %dma_wait3A_669, %dma_wait3A_670] : memref<4x80x128xf32, #tpu.memory_space<vmem>> -> memref<1x80x128xf32, #tpu.memory_space<vmem>>
        %dma_wait3A_672 = tpu.memref_squeeze %dma_wait3A_671 : memref<1x80x128xf32, #tpu.memory_space<vmem>> -> memref<80x128xf32, #tpu.memory_space<vmem>>
        %dma_wait3A_673 = arith.constant 0 : i32
        %dma_wait3A_674 = tpu.memref_slice %arg6[%dma_wait3A_667, %add3A_666, %dma_wait3A_673] : memref<2x16x80xi32, #tpu.memory_space<vmem>> -> memref<1x1x80xi32, #tpu.memory_space<vmem>>
        %dma_wait3A_675 = tpu.memref_squeeze %dma_wait3A_674 : memref<1x1x80xi32, #tpu.memory_space<vmem>> -> memref<80xi32, #tpu.memory_space<vmem>>
        %dma_wait3A_676 = arith.constant 0 : i32
        %dma_wait3A_677 = arith.constant 0 : i32
        %dma_wait3A_678 = tpu.memref_slice %arg2[%arg0, %dma_wait3A_676, %dma_wait3A_677] : memref<2x10240x128xf32, #tpu.memory_space<hbm>> -> memref<1x10240x128xf32, #tpu.memory_space<hbm>>
        %dma_wait3A_679 = tpu.memref_squeeze %dma_wait3A_678 : memref<1x10240x128xf32, #tpu.memory_space<hbm>> -> memref<10240x128xf32, #tpu.memory_space<hbm>>
        %dma_wait3A_680 = arith.constant 0 : i32
        %dma_wait3A_681 = arith.constant 0 : i32
        %dma_wait3A_682 = tpu.memref_slice %dma_wait3A_679[%dma_wait3A_680, %dma_wait3A_681] : memref<10240x128xf32, #tpu.memory_space<hbm>> -> memref<10240x128xf32, #tpu.memory_space<hbm>>
        tpu.wait_indirect_dma semaphore(%arg10 : memref<!tpu.dma_semaphore, #tpu.memory_space<semaphore_mem>>) src(%dma_wait3A_682 : memref<10240x128xf32, #tpu.memory_space<hbm>>) dst(%dma_wait3A_672 : memref<80x128xf32, #tpu.memory_space<vmem>>)
        %dma_start3A_683 = arith.constant 1 : i32
        %dma_start3A_684 = arith.constant 0 : i32
        %dma_start3A_685 = arith.constant 0 : i32
        %dma_start3A_686 = arith.constant 0 : i32
        %dma_start3A_687 = tpu.memref_slice %arg8[%dma_start3A_683, %dma_start3A_685, %dma_start3A_686] : memref<4x80x128xf32, #tpu.memory_space<vmem>> -> memref<1x80x128xf32, #tpu.memory_space<vmem>>
        %dma_start3A_688 = tpu.memref_squeeze %dma_start3A_687 : memref<1x80x128xf32, #tpu.memory_space<vmem>> -> memref<80x128xf32, #tpu.memory_space<vmem>>
        %dma_start3A_689 = arith.constant 0 : i32
        %dma_start3A_690 = tpu.memref_slice %arg7[%dma_start3A_684, %add3A_666, %dma_start3A_689] : memref<2x16x80xi32, #tpu.memory_space<vmem>> -> memref<1x1x80xi32, #tpu.memory_space<vmem>>
        %dma_start3A_691 = tpu.memref_squeeze %dma_start3A_690 : memref<1x1x80xi32, #tpu.memory_space<vmem>> -> memref<80xi32, #tpu.memory_space<vmem>>
        %dma_start3A_692 = arith.constant 0 : i32
        %dma_start3A_693 = arith.constant 0 : i32
        %dma_start3A_694 = tpu.memref_slice %arg5[%dma_start3A_692, %dma_start3A_693] : memref<10240x128xf32, #tpu.memory_space<vmem_shared>> -> memref<10240x128xf32, #tpu.memory_space<vmem_shared>>
        tpu.enqueue_indirect_dma source(%dma_start3A_688 : memref<80x128xf32, #tpu.memory_space<vmem>>) target(%dma_start3A_694 : memref<10240x128xf32, #tpu.memory_space<vmem_shared>>) offsets(%dma_start3A_691 : memref<80xi32, #tpu.memory_space<vmem>>) semaphore(%arg14 : memref<!tpu.dma_semaphore, #tpu.memory_space<semaphore_mem>>) {add = true}
        %sub3A_695 = arith.constant 1 : i32
        %sub3A_696 = arith.subi %add3A_666, %sub3A_695 : i32
        %dma_wait3A_697 = arith.constant 0 : i32
        %dma_wait3A_698 = arith.constant 0 : i32
        %dma_wait3A_699 = arith.constant 0 : i32
        %dma_wait3A_700 = arith.constant 0 : i32
        %dma_wait3A_701 = tpu.memref_slice %arg8[%dma_wait3A_697, %dma_wait3A_699, %dma_wait3A_700] : memref<4x80x128xf32, #tpu.memory_space<vmem>> -> memref<1x80x128xf32, #tpu.memory_space<vmem>>
        %dma_wait3A_702 = tpu.memref_squeeze %dma_wait3A_701 : memref<1x80x128xf32, #tpu.memory_space<vmem>> -> memref<80x128xf32, #tpu.memory_space<vmem>>
        %dma_wait3A_703 = arith.constant 0 : i32
        %dma_wait3A_704 = tpu.memref_slice %arg7[%dma_wait3A_698, %sub3A_696, %dma_wait3A_703] : memref<2x16x80xi32, #tpu.memory_space<vmem>> -> memref<1x1x80xi32, #tpu.memory_space<vmem>>
        %dma_wait3A_705 = tpu.memref_squeeze %dma_wait3A_704 : memref<1x1x80xi32, #tpu.memory_space<vmem>> -> memref<80xi32, #tpu.memory_space<vmem>>
        %dma_wait3A_706 = arith.constant 0 : i32
        %dma_wait3A_707 = arith.constant 0 : i32
        %dma_wait3A_708 = tpu.memref_slice %arg5[%dma_wait3A_706, %dma_wait3A_707] : memref<10240x128xf32, #tpu.memory_space<vmem_shared>> -> memref<10240x128xf32, #tpu.memory_space<vmem_shared>>
        tpu.wait_indirect_dma semaphore(%arg13 : memref<!tpu.dma_semaphore, #tpu.memory_space<semaphore_mem>>) src(%dma_wait3A_702 : memref<80x128xf32, #tpu.memory_space<vmem>>) dst(%dma_wait3A_708 : memref<10240x128xf32, #tpu.memory_space<vmem_shared>>)
        %add3A_709 = arith.constant 3 : i32
        %add3A_710 = arith.addi %add3A_666, %add3A_709 : i32
        %dma_start3A_711 = arith.constant 0 : i32
        %dma_start3A_712 = arith.constant 0 : i32
        %dma_start3A_713 = arith.constant 0 : i32
        %dma_start3A_714 = arith.constant 0 : i32
        %dma_start3A_715 = tpu.memref_slice %arg8[%dma_start3A_712, %dma_start3A_713, %dma_start3A_714] : memref<4x80x128xf32, #tpu.memory_space<vmem>> -> memref<1x80x128xf32, #tpu.memory_space<vmem>>
        %dma_start3A_716 = tpu.memref_squeeze %dma_start3A_715 : memref<1x80x128xf32, #tpu.memory_space<vmem>> -> memref<80x128xf32, #tpu.memory_space<vmem>>
        %dma_start3A_717 = arith.constant 0 : i32
        %dma_start3A_718 = tpu.memref_slice %arg6[%dma_start3A_711, %add3A_710, %dma_start3A_717] : memref<2x16x80xi32, #tpu.memory_space<vmem>> -> memref<1x1x80xi32, #tpu.memory_space<vmem>>
        %dma_start3A_719 = tpu.memref_squeeze %dma_start3A_718 : memref<1x1x80xi32, #tpu.memory_space<vmem>> -> memref<80xi32, #tpu.memory_space<vmem>>
        %dma_start3A_720 = arith.constant 0 : i32
        %dma_start3A_721 = arith.constant 0 : i32
        %dma_start3A_722 = tpu.memref_slice %arg2[%arg0, %dma_start3A_720, %dma_start3A_721] : memref<2x10240x128xf32, #tpu.memory_space<hbm>> -> memref<1x10240x128xf32, #tpu.memory_space<hbm>>
        %dma_start3A_723 = tpu.memref_squeeze %dma_start3A_722 : memref<1x10240x128xf32, #tpu.memory_space<hbm>> -> memref<10240x128xf32, #tpu.memory_space<hbm>>
        %dma_start3A_724 = arith.constant 0 : i32
        %dma_start3A_725 = arith.constant 0 : i32
        %dma_start3A_726 = tpu.memref_slice %dma_start3A_723[%dma_start3A_724, %dma_start3A_725] : memref<10240x128xf32, #tpu.memory_space<hbm>> -> memref<10240x128xf32, #tpu.memory_space<hbm>>
        tpu.enqueue_indirect_dma source(%dma_start3A_726 : memref<10240x128xf32, #tpu.memory_space<hbm>>) target(%dma_start3A_716 : memref<80x128xf32, #tpu.memory_space<vmem>>) offsets(%dma_start3A_719 : memref<80xi32, #tpu.memory_space<vmem>>) semaphore(%arg9 : memref<!tpu.dma_semaphore, #tpu.memory_space<semaphore_mem>>)
        %mul3A_727 = arith.constant 4 : i32
        %mul3A_728 = arith.muli %mul3A_727, %scan3A_660 : i32
        %add3A_729 = arith.constant 1 : i32
        %add3A_730 = arith.addi %mul3A_728, %add3A_729 : i32
        %add3A_731 = arith.constant 1 : i32
        %add3A_732 = arith.addi %add3A_730, %add3A_731 : i32
        %dma_wait3A_733 = arith.constant 0 : i32
        %dma_wait3A_734 = arith.constant 2 : i32
        %dma_wait3A_735 = arith.constant 0 : i32
        %dma_wait3A_736 = arith.constant 0 : i32
        %dma_wait3A_737 = tpu.memref_slice %arg8[%dma_wait3A_734, %dma_wait3A_735, %dma_wait3A_736] : memref<4x80x128xf32, #tpu.memory_space<vmem>> -> memref<1x80x128xf32, #tpu.memory_space<vmem>>
        %dma_wait3A_738 = tpu.memref_squeeze %dma_wait3A_737 : memref<1x80x128xf32, #tpu.memory_space<vmem>> -> memref<80x128xf32, #tpu.memory_space<vmem>>
        %dma_wait3A_739 = arith.constant 0 : i32
        %dma_wait3A_740 = tpu.memref_slice %arg6[%dma_wait3A_733, %add3A_732, %dma_wait3A_739] : memref<2x16x80xi32, #tpu.memory_space<vmem>> -> memref<1x1x80xi32, #tpu.memory_space<vmem>>
        %dma_wait3A_741 = tpu.memref_squeeze %dma_wait3A_740 : memref<1x1x80xi32, #tpu.memory_space<vmem>> -> memref<80xi32, #tpu.memory_space<vmem>>
        %dma_wait3A_742 = arith.constant 0 : i32
        %dma_wait3A_743 = arith.constant 0 : i32
        %dma_wait3A_744 = tpu.memref_slice %arg2[%arg0, %dma_wait3A_742, %dma_wait3A_743] : memref<2x10240x128xf32, #tpu.memory_space<hbm>> -> memref<1x10240x128xf32, #tpu.memory_space<hbm>>
        %dma_wait3A_745 = tpu.memref_squeeze %dma_wait3A_744 : memref<1x10240x128xf32, #tpu.memory_space<hbm>> -> memref<10240x128xf32, #tpu.memory_space<hbm>>
        %dma_wait3A_746 = arith.constant 0 : i32
        %dma_wait3A_747 = arith.constant 0 : i32
        %dma_wait3A_748 = tpu.memref_slice %dma_wait3A_745[%dma_wait3A_746, %dma_wait3A_747] : memref<10240x128xf32, #tpu.memory_space<hbm>> -> memref<10240x128xf32, #tpu.memory_space<hbm>>
        tpu.wait_indirect_dma semaphore(%arg11 : memref<!tpu.dma_semaphore, #tpu.memory_space<semaphore_mem>>) src(%dma_wait3A_748 : memref<10240x128xf32, #tpu.memory_space<hbm>>) dst(%dma_wait3A_738 : memref<80x128xf32, #tpu.memory_space<vmem>>)
        %dma_start3A_749 = arith.constant 2 : i32
        %dma_start3A_750 = arith.constant 0 : i32
        %dma_start3A_751 = arith.constant 0 : i32
        %dma_start3A_752 = arith.constant 0 : i32
        %dma_start3A_753 = tpu.memref_slice %arg8[%dma_start3A_749, %dma_start3A_751, %dma_start3A_752] : memref<4x80x128xf32, #tpu.memory_space<vmem>> -> memref<1x80x128xf32, #tpu.memory_space<vmem>>
        %dma_start3A_754 = tpu.memref_squeeze %dma_start3A_753 : memref<1x80x128xf32, #tpu.memory_space<vmem>> -> memref<80x128xf32, #tpu.memory_space<vmem>>
        %dma_start3A_755 = arith.constant 0 : i32
        %dma_start3A_756 = tpu.memref_slice %arg7[%dma_start3A_750, %add3A_732, %dma_start3A_755] : memref<2x16x80xi32, #tpu.memory_space<vmem>> -> memref<1x1x80xi32, #tpu.memory_space<vmem>>
        %dma_start3A_757 = tpu.memref_squeeze %dma_start3A_756 : memref<1x1x80xi32, #tpu.memory_space<vmem>> -> memref<80xi32, #tpu.memory_space<vmem>>
        %dma_start3A_758 = arith.constant 0 : i32
        %dma_start3A_759 = arith.constant 0 : i32
        %dma_start3A_760 = tpu.memref_slice %arg5[%dma_start3A_758, %dma_start3A_759] : memref<10240x128xf32, #tpu.memory_space<vmem_shared>> -> memref<10240x128xf32, #tpu.memory_space<vmem_shared>>
        tpu.enqueue_indirect_dma source(%dma_start3A_754 : memref<80x128xf32, #tpu.memory_space<vmem>>) target(%dma_start3A_760 : memref<10240x128xf32, #tpu.memory_space<vmem_shared>>) offsets(%dma_start3A_757 : memref<80xi32, #tpu.memory_space<vmem>>) semaphore(%arg15 : memref<!tpu.dma_semaphore, #tpu.memory_space<semaphore_mem>>) {add = true}
        %sub3A_761 = arith.constant 1 : i32
        %sub3A_762 = arith.subi %add3A_732, %sub3A_761 : i32
        %dma_wait3A_763 = arith.constant 1 : i32
        %dma_wait3A_764 = arith.constant 0 : i32
        %dma_wait3A_765 = arith.constant 0 : i32
        %dma_wait3A_766 = arith.constant 0 : i32
        %dma_wait3A_767 = tpu.memref_slice %arg8[%dma_wait3A_763, %dma_wait3A_765, %dma_wait3A_766] : memref<4x80x128xf32, #tpu.memory_space<vmem>> -> memref<1x80x128xf32, #tpu.memory_space<vmem>>
        %dma_wait3A_768 = tpu.memref_squeeze %dma_wait3A_767 : memref<1x80x128xf32, #tpu.memory_space<vmem>> -> memref<80x128xf32, #tpu.memory_space<vmem>>
        %dma_wait3A_769 = arith.constant 0 : i32
        %dma_wait3A_770 = tpu.memref_slice %arg7[%dma_wait3A_764, %sub3A_762, %dma_wait3A_769] : memref<2x16x80xi32, #tpu.memory_space<vmem>> -> memref<1x1x80xi32, #tpu.memory_space<vmem>>
        %dma_wait3A_771 = tpu.memref_squeeze %dma_wait3A_770 : memref<1x1x80xi32, #tpu.memory_space<vmem>> -> memref<80xi32, #tpu.memory_space<vmem>>
        %dma_wait3A_772 = arith.constant 0 : i32
        %dma_wait3A_773 = arith.constant 0 : i32
        %dma_wait3A_774 = tpu.memref_slice %arg5[%dma_wait3A_772, %dma_wait3A_773] : memref<10240x128xf32, #tpu.memory_space<vmem_shared>> -> memref<10240x128xf32, #tpu.memory_space<vmem_shared>>
        tpu.wait_indirect_dma semaphore(%arg14 : memref<!tpu.dma_semaphore, #tpu.memory_space<semaphore_mem>>) src(%dma_wait3A_768 : memref<80x128xf32, #tpu.memory_space<vmem>>) dst(%dma_wait3A_774 : memref<10240x128xf32, #tpu.memory_space<vmem_shared>>)
        %add3A_775 = arith.constant 3 : i32
        %add3A_776 = arith.addi %add3A_732, %add3A_775 : i32
        %dma_start3A_777 = arith.constant 0 : i32
        %dma_start3A_778 = arith.constant 1 : i32
        %dma_start3A_779 = arith.constant 0 : i32
        %dma_start3A_780 = arith.constant 0 : i32
        %dma_start3A_781 = tpu.memref_slice %arg8[%dma_start3A_778, %dma_start3A_779, %dma_start3A_780] : memref<4x80x128xf32, #tpu.memory_space<vmem>> -> memref<1x80x128xf32, #tpu.memory_space<vmem>>
        %dma_start3A_782 = tpu.memref_squeeze %dma_start3A_781 : memref<1x80x128xf32, #tpu.memory_space<vmem>> -> memref<80x128xf32, #tpu.memory_space<vmem>>
        %dma_start3A_783 = arith.constant 0 : i32
        %dma_start3A_784 = tpu.memref_slice %arg6[%dma_start3A_777, %add3A_776, %dma_start3A_783] : memref<2x16x80xi32, #tpu.memory_space<vmem>> -> memref<1x1x80xi32, #tpu.memory_space<vmem>>
        %dma_start3A_785 = tpu.memref_squeeze %dma_start3A_784 : memref<1x1x80xi32, #tpu.memory_space<vmem>> -> memref<80xi32, #tpu.memory_space<vmem>>
        %dma_start3A_786 = arith.constant 0 : i32
        %dma_start3A_787 = arith.constant 0 : i32
        %dma_start3A_788 = tpu.memref_slice %arg2[%arg0, %dma_start3A_786, %dma_start3A_787] : memref<2x10240x128xf32, #tpu.memory_space<hbm>> -> memref<1x10240x128xf32, #tpu.memory_space<hbm>>
        %dma_start3A_789 = tpu.memref_squeeze %dma_start3A_788 : memref<1x10240x128xf32, #tpu.memory_space<hbm>> -> memref<10240x128xf32, #tpu.memory_space<hbm>>
        %dma_start3A_790 = arith.constant 0 : i32
        %dma_start3A_791 = arith.constant 0 : i32
        %dma_start3A_792 = tpu.memref_slice %dma_start3A_789[%dma_start3A_790, %dma_start3A_791] : memref<10240x128xf32, #tpu.memory_space<hbm>> -> memref<10240x128xf32, #tpu.memory_space<hbm>>
        tpu.enqueue_indirect_dma source(%dma_start3A_792 : memref<10240x128xf32, #tpu.memory_space<hbm>>) target(%dma_start3A_782 : memref<80x128xf32, #tpu.memory_space<vmem>>) offsets(%dma_start3A_785 : memref<80xi32, #tpu.memory_space<vmem>>) semaphore(%arg10 : memref<!tpu.dma_semaphore, #tpu.memory_space<semaphore_mem>>)
        %mul3A_793 = arith.constant 4 : i32
        %mul3A_794 = arith.muli %mul3A_793, %scan3A_660 : i32
        %add3A_795 = arith.constant 1 : i32
        %add3A_796 = arith.addi %mul3A_794, %add3A_795 : i32
        %add3A_797 = arith.constant 2 : i32
        %add3A_798 = arith.addi %add3A_796, %add3A_797 : i32
        %dma_wait3A_799 = arith.constant 0 : i32
        %dma_wait3A_800 = arith.constant 3 : i32
        %dma_wait3A_801 = arith.constant 0 : i32
        %dma_wait3A_802 = arith.constant 0 : i32
        %dma_wait3A_803 = tpu.memref_slice %arg8[%dma_wait3A_800, %dma_wait3A_801, %dma_wait3A_802] : memref<4x80x128xf32, #tpu.memory_space<vmem>> -> memref<1x80x128xf32, #tpu.memory_space<vmem>>
        %dma_wait3A_804 = tpu.memref_squeeze %dma_wait3A_803 : memref<1x80x128xf32, #tpu.memory_space<vmem>> -> memref<80x128xf32, #tpu.memory_space<vmem>>
        %dma_wait3A_805 = arith.constant 0 : i32
        %dma_wait3A_806 = tpu.memref_slice %arg6[%dma_wait3A_799, %add3A_798, %dma_wait3A_805] : memref<2x16x80xi32, #tpu.memory_space<vmem>> -> memref<1x1x80xi32, #tpu.memory_space<vmem>>
        %dma_wait3A_807 = tpu.memref_squeeze %dma_wait3A_806 : memref<1x1x80xi32, #tpu.memory_space<vmem>> -> memref<80xi32, #tpu.memory_space<vmem>>
        %dma_wait3A_808 = arith.constant 0 : i32
        %dma_wait3A_809 = arith.constant 0 : i32
        %dma_wait3A_810 = tpu.memref_slice %arg2[%arg0, %dma_wait3A_808, %dma_wait3A_809] : memref<2x10240x128xf32, #tpu.memory_space<hbm>> -> memref<1x10240x128xf32, #tpu.memory_space<hbm>>
        %dma_wait3A_811 = tpu.memref_squeeze %dma_wait3A_810 : memref<1x10240x128xf32, #tpu.memory_space<hbm>> -> memref<10240x128xf32, #tpu.memory_space<hbm>>
        %dma_wait3A_812 = arith.constant 0 : i32
        %dma_wait3A_813 = arith.constant 0 : i32
        %dma_wait3A_814 = tpu.memref_slice %dma_wait3A_811[%dma_wait3A_812, %dma_wait3A_813] : memref<10240x128xf32, #tpu.memory_space<hbm>> -> memref<10240x128xf32, #tpu.memory_space<hbm>>
        tpu.wait_indirect_dma semaphore(%arg12 : memref<!tpu.dma_semaphore, #tpu.memory_space<semaphore_mem>>) src(%dma_wait3A_814 : memref<10240x128xf32, #tpu.memory_space<hbm>>) dst(%dma_wait3A_804 : memref<80x128xf32, #tpu.memory_space<vmem>>)
        %dma_start3A_815 = arith.constant 3 : i32
        %dma_start3A_816 = arith.constant 0 : i32
        %dma_start3A_817 = arith.constant 0 : i32
        %dma_start3A_818 = arith.constant 0 : i32
        %dma_start3A_819 = tpu.memref_slice %arg8[%dma_start3A_815, %dma_start3A_817, %dma_start3A_818] : memref<4x80x128xf32, #tpu.memory_space<vmem>> -> memref<1x80x128xf32, #tpu.memory_space<vmem>>
        %dma_start3A_820 = tpu.memref_squeeze %dma_start3A_819 : memref<1x80x128xf32, #tpu.memory_space<vmem>> -> memref<80x128xf32, #tpu.memory_space<vmem>>
        %dma_start3A_821 = arith.constant 0 : i32
        %dma_start3A_822 = tpu.memref_slice %arg7[%dma_start3A_816, %add3A_798, %dma_start3A_821] : memref<2x16x80xi32, #tpu.memory_space<vmem>> -> memref<1x1x80xi32, #tpu.memory_space<vmem>>
        %dma_start3A_823 = tpu.memref_squeeze %dma_start3A_822 : memref<1x1x80xi32, #tpu.memory_space<vmem>> -> memref<80xi32, #tpu.memory_space<vmem>>
        %dma_start3A_824 = arith.constant 0 : i32
        %dma_start3A_825 = arith.constant 0 : i32
        %dma_start3A_826 = tpu.memref_slice %arg5[%dma_start3A_824, %dma_start3A_825] : memref<10240x128xf32, #tpu.memory_space<vmem_shared>> -> memref<10240x128xf32, #tpu.memory_space<vmem_shared>>
        tpu.enqueue_indirect_dma source(%dma_start3A_820 : memref<80x128xf32, #tpu.memory_space<vmem>>) target(%dma_start3A_826 : memref<10240x128xf32, #tpu.memory_space<vmem_shared>>) offsets(%dma_start3A_823 : memref<80xi32, #tpu.memory_space<vmem>>) semaphore(%arg16 : memref<!tpu.dma_semaphore, #tpu.memory_space<semaphore_mem>>) {add = true}
        %sub3A_827 = arith.constant 1 : i32
        %sub3A_828 = arith.subi %add3A_798, %sub3A_827 : i32
        %dma_wait3A_829 = arith.constant 2 : i32
        %dma_wait3A_830 = arith.constant 0 : i32
        %dma_wait3A_831 = arith.constant 0 : i32
        %dma_wait3A_832 = arith.constant 0 : i32
        %dma_wait3A_833 = tpu.memref_slice %arg8[%dma_wait3A_829, %dma_wait3A_831, %dma_wait3A_832] : memref<4x80x128xf32, #tpu.memory_space<vmem>> -> memref<1x80x128xf32, #tpu.memory_space<vmem>>
        %dma_wait3A_834 = tpu.memref_squeeze %dma_wait3A_833 : memref<1x80x128xf32, #tpu.memory_space<vmem>> -> memref<80x128xf32, #tpu.memory_space<vmem>>
        %dma_wait3A_835 = arith.constant 0 : i32
        %dma_wait3A_836 = tpu.memref_slice %arg7[%dma_wait3A_830, %sub3A_828, %dma_wait3A_835] : memref<2x16x80xi32, #tpu.memory_space<vmem>> -> memref<1x1x80xi32, #tpu.memory_space<vmem>>
        %dma_wait3A_837 = tpu.memref_squeeze %dma_wait3A_836 : memref<1x1x80xi32, #tpu.memory_space<vmem>> -> memref<80xi32, #tpu.memory_space<vmem>>
        %dma_wait3A_838 = arith.constant 0 : i32
        %dma_wait3A_839 = arith.constant 0 : i32
        %dma_wait3A_840 = tpu.memref_slice %arg5[%dma_wait3A_838, %dma_wait3A_839] : memref<10240x128xf32, #tpu.memory_space<vmem_shared>> -> memref<10240x128xf32, #tpu.memory_space<vmem_shared>>
        tpu.wait_indirect_dma semaphore(%arg15 : memref<!tpu.dma_semaphore, #tpu.memory_space<semaphore_mem>>) src(%dma_wait3A_834 : memref<80x128xf32, #tpu.memory_space<vmem>>) dst(%dma_wait3A_840 : memref<10240x128xf32, #tpu.memory_space<vmem_shared>>)
        %add3A_841 = arith.constant 3 : i32
        %add3A_842 = arith.addi %add3A_798, %add3A_841 : i32
        %dma_start3A_843 = arith.constant 0 : i32
        %dma_start3A_844 = arith.constant 2 : i32
        %dma_start3A_845 = arith.constant 0 : i32
        %dma_start3A_846 = arith.constant 0 : i32
        %dma_start3A_847 = tpu.memref_slice %arg8[%dma_start3A_844, %dma_start3A_845, %dma_start3A_846] : memref<4x80x128xf32, #tpu.memory_space<vmem>> -> memref<1x80x128xf32, #tpu.memory_space<vmem>>
        %dma_start3A_848 = tpu.memref_squeeze %dma_start3A_847 : memref<1x80x128xf32, #tpu.memory_space<vmem>> -> memref<80x128xf32, #tpu.memory_space<vmem>>
        %dma_start3A_849 = arith.constant 0 : i32
        %dma_start3A_850 = tpu.memref_slice %arg6[%dma_start3A_843, %add3A_842, %dma_start3A_849] : memref<2x16x80xi32, #tpu.memory_space<vmem>> -> memref<1x1x80xi32, #tpu.memory_space<vmem>>
        %dma_start3A_851 = tpu.memref_squeeze %dma_start3A_850 : memref<1x1x80xi32, #tpu.memory_space<vmem>> -> memref<80xi32, #tpu.memory_space<vmem>>
        %dma_start3A_852 = arith.constant 0 : i32
        %dma_start3A_853 = arith.constant 0 : i32
        %dma_start3A_854 = tpu.memref_slice %arg2[%arg0, %dma_start3A_852, %dma_start3A_853] : memref<2x10240x128xf32, #tpu.memory_space<hbm>> -> memref<1x10240x128xf32, #tpu.memory_space<hbm>>
        %dma_start3A_855 = tpu.memref_squeeze %dma_start3A_854 : memref<1x10240x128xf32, #tpu.memory_space<hbm>> -> memref<10240x128xf32, #tpu.memory_space<hbm>>
        %dma_start3A_856 = arith.constant 0 : i32
        %dma_start3A_857 = arith.constant 0 : i32
        %dma_start3A_858 = tpu.memref_slice %dma_start3A_855[%dma_start3A_856, %dma_start3A_857] : memref<10240x128xf32, #tpu.memory_space<hbm>> -> memref<10240x128xf32, #tpu.memory_space<hbm>>
        tpu.enqueue_indirect_dma source(%dma_start3A_858 : memref<10240x128xf32, #tpu.memory_space<hbm>>) target(%dma_start3A_848 : memref<80x128xf32, #tpu.memory_space<vmem>>) offsets(%dma_start3A_851 : memref<80xi32, #tpu.memory_space<vmem>>) semaphore(%arg11 : memref<!tpu.dma_semaphore, #tpu.memory_space<semaphore_mem>>)
        %mul3A_859 = arith.constant 4 : i32
        %mul3A_860 = arith.muli %mul3A_859, %scan3A_660 : i32
        %add3A_861 = arith.constant 1 : i32
        %add3A_862 = arith.addi %mul3A_860, %add3A_861 : i32
        %add3A_863 = arith.constant 3 : i32
        %add3A_864 = arith.addi %add3A_862, %add3A_863 : i32
        %dma_wait3A_865 = arith.constant 0 : i32
        %dma_wait3A_866 = arith.constant 0 : i32
        %dma_wait3A_867 = arith.constant 0 : i32
        %dma_wait3A_868 = arith.constant 0 : i32
        %dma_wait3A_869 = tpu.memref_slice %arg8[%dma_wait3A_866, %dma_wait3A_867, %dma_wait3A_868] : memref<4x80x128xf32, #tpu.memory_space<vmem>> -> memref<1x80x128xf32, #tpu.memory_space<vmem>>
        %dma_wait3A_870 = tpu.memref_squeeze %dma_wait3A_869 : memref<1x80x128xf32, #tpu.memory_space<vmem>> -> memref<80x128xf32, #tpu.memory_space<vmem>>
        %dma_wait3A_871 = arith.constant 0 : i32
        %dma_wait3A_872 = tpu.memref_slice %arg6[%dma_wait3A_865, %add3A_864, %dma_wait3A_871] : memref<2x16x80xi32, #tpu.memory_space<vmem>> -> memref<1x1x80xi32, #tpu.memory_space<vmem>>
        %dma_wait3A_873 = tpu.memref_squeeze %dma_wait3A_872 : memref<1x1x80xi32, #tpu.memory_space<vmem>> -> memref<80xi32, #tpu.memory_space<vmem>>
        %dma_wait3A_874 = arith.constant 0 : i32
        %dma_wait3A_875 = arith.constant 0 : i32
        %dma_wait3A_876 = tpu.memref_slice %arg2[%arg0, %dma_wait3A_874, %dma_wait3A_875] : memref<2x10240x128xf32, #tpu.memory_space<hbm>> -> memref<1x10240x128xf32, #tpu.memory_space<hbm>>
        %dma_wait3A_877 = tpu.memref_squeeze %dma_wait3A_876 : memref<1x10240x128xf32, #tpu.memory_space<hbm>> -> memref<10240x128xf32, #tpu.memory_space<hbm>>
        %dma_wait3A_878 = arith.constant 0 : i32
        %dma_wait3A_879 = arith.constant 0 : i32
        %dma_wait3A_880 = tpu.memref_slice %dma_wait3A_877[%dma_wait3A_878, %dma_wait3A_879] : memref<10240x128xf32, #tpu.memory_space<hbm>> -> memref<10240x128xf32, #tpu.memory_space<hbm>>
        tpu.wait_indirect_dma semaphore(%arg9 : memref<!tpu.dma_semaphore, #tpu.memory_space<semaphore_mem>>) src(%dma_wait3A_880 : memref<10240x128xf32, #tpu.memory_space<hbm>>) dst(%dma_wait3A_870 : memref<80x128xf32, #tpu.memory_space<vmem>>)
        %dma_start3A_881 = arith.constant 0 : i32
        %dma_start3A_882 = arith.constant 0 : i32
        %dma_start3A_883 = arith.constant 0 : i32
        %dma_start3A_884 = arith.constant 0 : i32
        %dma_start3A_885 = tpu.memref_slice %arg8[%dma_start3A_881, %dma_start3A_883, %dma_start3A_884] : memref<4x80x128xf32, #tpu.memory_space<vmem>> -> memref<1x80x128xf32, #tpu.memory_space<vmem>>
        %dma_start3A_886 = tpu.memref_squeeze %dma_start3A_885 : memref<1x80x128xf32, #tpu.memory_space<vmem>> -> memref<80x128xf32, #tpu.memory_space<vmem>>
        %dma_start3A_887 = arith.constant 0 : i32
        %dma_start3A_888 = tpu.memref_slice %arg7[%dma_start3A_882, %add3A_864, %dma_start3A_887] : memref<2x16x80xi32, #tpu.memory_space<vmem>> -> memref<1x1x80xi32, #tpu.memory_space<vmem>>
        %dma_start3A_889 = tpu.memref_squeeze %dma_start3A_888 : memref<1x1x80xi32, #tpu.memory_space<vmem>> -> memref<80xi32, #tpu.memory_space<vmem>>
        %dma_start3A_890 = arith.constant 0 : i32
        %dma_start3A_891 = arith.constant 0 : i32
        %dma_start3A_892 = tpu.memref_slice %arg5[%dma_start3A_890, %dma_start3A_891] : memref<10240x128xf32, #tpu.memory_space<vmem_shared>> -> memref<10240x128xf32, #tpu.memory_space<vmem_shared>>
        tpu.enqueue_indirect_dma source(%dma_start3A_886 : memref<80x128xf32, #tpu.memory_space<vmem>>) target(%dma_start3A_892 : memref<10240x128xf32, #tpu.memory_space<vmem_shared>>) offsets(%dma_start3A_889 : memref<80xi32, #tpu.memory_space<vmem>>) semaphore(%arg13 : memref<!tpu.dma_semaphore, #tpu.memory_space<semaphore_mem>>) {add = true}
        %sub3A_893 = arith.constant 1 : i32
        %sub3A_894 = arith.subi %add3A_864, %sub3A_893 : i32
        %dma_wait3A_895 = arith.constant 3 : i32
        %dma_wait3A_896 = arith.constant 0 : i32
        %dma_wait3A_897 = arith.constant 0 : i32
        %dma_wait3A_898 = arith.constant 0 : i32
        %dma_wait3A_899 = tpu.memref_slice %arg8[%dma_wait3A_895, %dma_wait3A_897, %dma_wait3A_898] : memref<4x80x128xf32, #tpu.memory_space<vmem>> -> memref<1x80x128xf32, #tpu.memory_space<vmem>>
        %dma_wait3A_900 = tpu.memref_squeeze %dma_wait3A_899 : memref<1x80x128xf32, #tpu.memory_space<vmem>> -> memref<80x128xf32, #tpu.memory_space<vmem>>
        %dma_wait3A_901 = arith.constant 0 : i32
        %dma_wait3A_902 = tpu.memref_slice %arg7[%dma_wait3A_896, %sub3A_894, %dma_wait3A_901] : memref<2x16x80xi32, #tpu.memory_space<vmem>> -> memref<1x1x80xi32, #tpu.memory_space<vmem>>
        %dma_wait3A_903 = tpu.memref_squeeze %dma_wait3A_902 : memref<1x1x80xi32, #tpu.memory_space<vmem>> -> memref<80xi32, #tpu.memory_space<vmem>>
        %dma_wait3A_904 = arith.constant 0 : i32
        %dma_wait3A_905 = arith.constant 0 : i32
        %dma_wait3A_906 = tpu.memref_slice %arg5[%dma_wait3A_904, %dma_wait3A_905] : memref<10240x128xf32, #tpu.memory_space<vmem_shared>> -> memref<10240x128xf32, #tpu.memory_space<vmem_shared>>
        tpu.wait_indirect_dma semaphore(%arg16 : memref<!tpu.dma_semaphore, #tpu.memory_space<semaphore_mem>>) src(%dma_wait3A_900 : memref<80x128xf32, #tpu.memory_space<vmem>>) dst(%dma_wait3A_906 : memref<10240x128xf32, #tpu.memory_space<vmem_shared>>)
        %add3A_907 = arith.constant 3 : i32
        %add3A_908 = arith.addi %add3A_864, %add3A_907 : i32
        %dma_start3A_909 = arith.constant 0 : i32
        %dma_start3A_910 = arith.constant 3 : i32
        %dma_start3A_911 = arith.constant 0 : i32
        %dma_start3A_912 = arith.constant 0 : i32
        %dma_start3A_913 = tpu.memref_slice %arg8[%dma_start3A_910, %dma_start3A_911, %dma_start3A_912] : memref<4x80x128xf32, #tpu.memory_space<vmem>> -> memref<1x80x128xf32, #tpu.memory_space<vmem>>
        %dma_start3A_914 = tpu.memref_squeeze %dma_start3A_913 : memref<1x80x128xf32, #tpu.memory_space<vmem>> -> memref<80x128xf32, #tpu.memory_space<vmem>>
        %dma_start3A_915 = arith.constant 0 : i32
        %dma_start3A_916 = tpu.memref_slice %arg6[%dma_start3A_909, %add3A_908, %dma_start3A_915] : memref<2x16x80xi32, #tpu.memory_space<vmem>> -> memref<1x1x80xi32, #tpu.memory_space<vmem>>
        %dma_start3A_917 = tpu.memref_squeeze %dma_start3A_916 : memref<1x1x80xi32, #tpu.memory_space<vmem>> -> memref<80xi32, #tpu.memory_space<vmem>>
        %dma_start3A_918 = arith.constant 0 : i32
        %dma_start3A_919 = arith.constant 0 : i32
        %dma_start3A_920 = tpu.memref_slice %arg2[%arg0, %dma_start3A_918, %dma_start3A_919] : memref<2x10240x128xf32, #tpu.memory_space<hbm>> -> memref<1x10240x128xf32, #tpu.memory_space<hbm>>
        %dma_start3A_921 = tpu.memref_squeeze %dma_start3A_920 : memref<1x10240x128xf32, #tpu.memory_space<hbm>> -> memref<10240x128xf32, #tpu.memory_space<hbm>>
        %dma_start3A_922 = arith.constant 0 : i32
        %dma_start3A_923 = arith.constant 0 : i32
        %dma_start3A_924 = tpu.memref_slice %dma_start3A_921[%dma_start3A_922, %dma_start3A_923] : memref<10240x128xf32, #tpu.memory_space<hbm>> -> memref<10240x128xf32, #tpu.memory_space<hbm>>
        tpu.enqueue_indirect_dma source(%dma_start3A_924 : memref<10240x128xf32, #tpu.memory_space<hbm>>) target(%dma_start3A_914 : memref<80x128xf32, #tpu.memory_space<vmem>>) offsets(%dma_start3A_917 : memref<80xi32, #tpu.memory_space<vmem>>) semaphore(%arg12 : memref<!tpu.dma_semaphore, #tpu.memory_space<semaphore_mem>>)
      }
      %scan3A_221 = arith.constant 3 : i32
      %dma_wait3A_222 = arith.constant 0 : i32
      %dma_wait3A_223 = arith.constant 13 : i32
      %dma_wait3A_224 = arith.constant 1 : i32
      %dma_wait3A_225 = arith.constant 0 : i32
      %dma_wait3A_226 = arith.constant 0 : i32
      %dma_wait3A_227 = tpu.memref_slice %arg8[%dma_wait3A_224, %dma_wait3A_225, %dma_wait3A_226] : memref<4x80x128xf32, #tpu.memory_space<vmem>> -> memref<1x80x128xf32, #tpu.memory_space<vmem>>
      %dma_wait3A_228 = tpu.memref_squeeze %dma_wait3A_227 : memref<1x80x128xf32, #tpu.memory_space<vmem>> -> memref<80x128xf32, #tpu.memory_space<vmem>>
      %dma_wait3A_229 = arith.constant 0 : i32
      %dma_wait3A_230 = tpu.memref_slice %arg6[%dma_wait3A_222, %dma_wait3A_223, %dma_wait3A_229] : memref<2x16x80xi32, #tpu.memory_space<vmem>> -> memref<1x1x80xi32, #tpu.memory_space<vmem>>
      %dma_wait3A_231 = tpu.memref_squeeze %dma_wait3A_230 : memref<1x1x80xi32, #tpu.memory_space<vmem>> -> memref<80xi32, #tpu.memory_space<vmem>>
      %dma_wait3A_232 = arith.constant 0 : i32
      %dma_wait3A_233 = arith.constant 0 : i32
      %dma_wait3A_234 = tpu.memref_slice %arg2[%arg0, %dma_wait3A_232, %dma_wait3A_233] : memref<2x10240x128xf32, #tpu.memory_space<hbm>> -> memref<1x10240x128xf32, #tpu.memory_space<hbm>>
      %dma_wait3A_235 = tpu.memref_squeeze %dma_wait3A_234 : memref<1x10240x128xf32, #tpu.memory_space<hbm>> -> memref<10240x128xf32, #tpu.memory_space<hbm>>
      %dma_wait3A_236 = arith.constant 0 : i32
      %dma_wait3A_237 = arith.constant 0 : i32
      %dma_wait3A_238 = tpu.memref_slice %dma_wait3A_235[%dma_wait3A_236, %dma_wait3A_237] : memref<10240x128xf32, #tpu.memory_space<hbm>> -> memref<10240x128xf32, #tpu.memory_space<hbm>>
      tpu.wait_indirect_dma semaphore(%arg10 : memref<!tpu.dma_semaphore, #tpu.memory_space<semaphore_mem>>) src(%dma_wait3A_238 : memref<10240x128xf32, #tpu.memory_space<hbm>>) dst(%dma_wait3A_228 : memref<80x128xf32, #tpu.memory_space<vmem>>)
      %dma_start3A_239 = arith.constant 1 : i32
      %dma_start3A_240 = arith.constant 0 : i32
      %dma_start3A_241 = arith.constant 13 : i32
      %dma_start3A_242 = arith.constant 0 : i32
      %dma_start3A_243 = arith.constant 0 : i32
      %dma_start3A_244 = tpu.memref_slice %arg8[%dma_start3A_239, %dma_start3A_242, %dma_start3A_243] : memref<4x80x128xf32, #tpu.memory_space<vmem>> -> memref<1x80x128xf32, #tpu.memory_space<vmem>>
      %dma_start3A_245 = tpu.memref_squeeze %dma_start3A_244 : memref<1x80x128xf32, #tpu.memory_space<vmem>> -> memref<80x128xf32, #tpu.memory_space<vmem>>
      %dma_start3A_246 = arith.constant 0 : i32
      %dma_start3A_247 = tpu.memref_slice %arg7[%dma_start3A_240, %dma_start3A_241, %dma_start3A_246] : memref<2x16x80xi32, #tpu.memory_space<vmem>> -> memref<1x1x80xi32, #tpu.memory_space<vmem>>
      %dma_start3A_248 = tpu.memref_squeeze %dma_start3A_247 : memref<1x1x80xi32, #tpu.memory_space<vmem>> -> memref<80xi32, #tpu.memory_space<vmem>>
      %dma_start3A_249 = arith.constant 0 : i32
      %dma_start3A_250 = arith.constant 0 : i32
      %dma_start3A_251 = tpu.memref_slice %arg5[%dma_start3A_249, %dma_start3A_250] : memref<10240x128xf32, #tpu.memory_space<vmem_shared>> -> memref<10240x128xf32, #tpu.memory_space<vmem_shared>>
      tpu.enqueue_indirect_dma source(%dma_start3A_245 : memref<80x128xf32, #tpu.memory_space<vmem>>) target(%dma_start3A_251 : memref<10240x128xf32, #tpu.memory_space<vmem_shared>>) offsets(%dma_start3A_248 : memref<80xi32, #tpu.memory_space<vmem>>) semaphore(%arg14 : memref<!tpu.dma_semaphore, #tpu.memory_space<semaphore_mem>>) {add = true}
      %dma_wait3A_252 = arith.constant 0 : i32
      %dma_wait3A_253 = arith.constant 0 : i32
      %dma_wait3A_254 = arith.constant 12 : i32
      %dma_wait3A_255 = arith.constant 0 : i32
      %dma_wait3A_256 = arith.constant 0 : i32
      %dma_wait3A_257 = tpu.memref_slice %arg8[%dma_wait3A_252, %dma_wait3A_255, %dma_wait3A_256] : memref<4x80x128xf32, #tpu.memory_space<vmem>> -> memref<1x80x128xf32, #tpu.memory_space<vmem>>
      %dma_wait3A_258 = tpu.memref_squeeze %dma_wait3A_257 : memref<1x80x128xf32, #tpu.memory_space<vmem>> -> memref<80x128xf32, #tpu.memory_space<vmem>>
      %dma_wait3A_259 = arith.constant 0 : i32
      %dma_wait3A_260 = tpu.memref_slice %arg7[%dma_wait3A_253, %dma_wait3A_254, %dma_wait3A_259] : memref<2x16x80xi32, #tpu.memory_space<vmem>> -> memref<1x1x80xi32, #tpu.memory_space<vmem>>
      %dma_wait3A_261 = tpu.memref_squeeze %dma_wait3A_260 : memref<1x1x80xi32, #tpu.memory_space<vmem>> -> memref<80xi32, #tpu.memory_space<vmem>>
      %dma_wait3A_262 = arith.constant 0 : i32
      %dma_wait3A_263 = arith.constant 0 : i32
      %dma_wait3A_264 = tpu.memref_slice %arg5[%dma_wait3A_262, %dma_wait3A_263] : memref<10240x128xf32, #tpu.memory_space<vmem_shared>> -> memref<10240x128xf32, #tpu.memory_space<vmem_shared>>
      tpu.wait_indirect_dma semaphore(%arg13 : memref<!tpu.dma_semaphore, #tpu.memory_space<semaphore_mem>>) src(%dma_wait3A_258 : memref<80x128xf32, #tpu.memory_space<vmem>>) dst(%dma_wait3A_264 : memref<10240x128xf32, #tpu.memory_space<vmem_shared>>)
      %dma_wait3A_265 = arith.constant 0 : i32
      %dma_wait3A_266 = arith.constant 14 : i32
      %dma_wait3A_267 = arith.constant 2 : i32
      %dma_wait3A_268 = arith.constant 0 : i32
      %dma_wait3A_269 = arith.constant 0 : i32
      %dma_wait3A_270 = tpu.memref_slice %arg8[%dma_wait3A_267, %dma_wait3A_268, %dma_wait3A_269] : memref<4x80x128xf32, #tpu.memory_space<vmem>> -> memref<1x80x128xf32, #tpu.memory_space<vmem>>
      %dma_wait3A_271 = tpu.memref_squeeze %dma_wait3A_270 : memref<1x80x128xf32, #tpu.memory_space<vmem>> -> memref<80x128xf32, #tpu.memory_space<vmem>>
      %dma_wait3A_272 = arith.constant 0 : i32
      %dma_wait3A_273 = tpu.memref_slice %arg6[%dma_wait3A_265, %dma_wait3A_266, %dma_wait3A_272] : memref<2x16x80xi32, #tpu.memory_space<vmem>> -> memref<1x1x80xi32, #tpu.memory_space<vmem>>
      %dma_wait3A_274 = tpu.memref_squeeze %dma_wait3A_273 : memref<1x1x80xi32, #tpu.memory_space<vmem>> -> memref<80xi32, #tpu.memory_space<vmem>>
      %dma_wait3A_275 = arith.constant 0 : i32
      %dma_wait3A_276 = arith.constant 0 : i32
      %dma_wait3A_277 = tpu.memref_slice %arg2[%arg0, %dma_wait3A_275, %dma_wait3A_276] : memref<2x10240x128xf32, #tpu.memory_space<hbm>> -> memref<1x10240x128xf32, #tpu.memory_space<hbm>>
      %dma_wait3A_278 = tpu.memref_squeeze %dma_wait3A_277 : memref<1x10240x128xf32, #tpu.memory_space<hbm>> -> memref<10240x128xf32, #tpu.memory_space<hbm>>
      %dma_wait3A_279 = arith.constant 0 : i32
      %dma_wait3A_280 = arith.constant 0 : i32
      %dma_wait3A_281 = tpu.memref_slice %dma_wait3A_278[%dma_wait3A_279, %dma_wait3A_280] : memref<10240x128xf32, #tpu.memory_space<hbm>> -> memref<10240x128xf32, #tpu.memory_space<hbm>>
      tpu.wait_indirect_dma semaphore(%arg11 : memref<!tpu.dma_semaphore, #tpu.memory_space<semaphore_mem>>) src(%dma_wait3A_281 : memref<10240x128xf32, #tpu.memory_space<hbm>>) dst(%dma_wait3A_271 : memref<80x128xf32, #tpu.memory_space<vmem>>)
      %dma_start3A_282 = arith.constant 2 : i32
      %dma_start3A_283 = arith.constant 0 : i32
      %dma_start3A_284 = arith.constant 14 : i32
      %dma_start3A_285 = arith.constant 0 : i32
      %dma_start3A_286 = arith.constant 0 : i32
      %dma_start3A_287 = tpu.memref_slice %arg8[%dma_start3A_282, %dma_start3A_285, %dma_start3A_286] : memref<4x80x128xf32, #tpu.memory_space<vmem>> -> memref<1x80x128xf32, #tpu.memory_space<vmem>>
      %dma_start3A_288 = tpu.memref_squeeze %dma_start3A_287 : memref<1x80x128xf32, #tpu.memory_space<vmem>> -> memref<80x128xf32, #tpu.memory_space<vmem>>
      %dma_start3A_289 = arith.constant 0 : i32
      %dma_start3A_290 = tpu.memref_slice %arg7[%dma_start3A_283, %dma_start3A_284, %dma_start3A_289] : memref<2x16x80xi32, #tpu.memory_space<vmem>> -> memref<1x1x80xi32, #tpu.memory_space<vmem>>
      %dma_start3A_291 = tpu.memref_squeeze %dma_start3A_290 : memref<1x1x80xi32, #tpu.memory_space<vmem>> -> memref<80xi32, #tpu.memory_space<vmem>>
      %dma_start3A_292 = arith.constant 0 : i32
      %dma_start3A_293 = arith.constant 0 : i32
      %dma_start3A_294 = tpu.memref_slice %arg5[%dma_start3A_292, %dma_start3A_293] : memref<10240x128xf32, #tpu.memory_space<vmem_shared>> -> memref<10240x128xf32, #tpu.memory_space<vmem_shared>>
      tpu.enqueue_indirect_dma source(%dma_start3A_288 : memref<80x128xf32, #tpu.memory_space<vmem>>) target(%dma_start3A_294 : memref<10240x128xf32, #tpu.memory_space<vmem_shared>>) offsets(%dma_start3A_291 : memref<80xi32, #tpu.memory_space<vmem>>) semaphore(%arg15 : memref<!tpu.dma_semaphore, #tpu.memory_space<semaphore_mem>>) {add = true}
      %dma_wait3A_295 = arith.constant 1 : i32
      %dma_wait3A_296 = arith.constant 0 : i32
      %dma_wait3A_297 = arith.constant 13 : i32
      %dma_wait3A_298 = arith.constant 0 : i32
      %dma_wait3A_299 = arith.constant 0 : i32
      %dma_wait3A_300 = tpu.memref_slice %arg8[%dma_wait3A_295, %dma_wait3A_298, %dma_wait3A_299] : memref<4x80x128xf32, #tpu.memory_space<vmem>> -> memref<1x80x128xf32, #tpu.memory_space<vmem>>
      %dma_wait3A_301 = tpu.memref_squeeze %dma_wait3A_300 : memref<1x80x128xf32, #tpu.memory_space<vmem>> -> memref<80x128xf32, #tpu.memory_space<vmem>>
      %dma_wait3A_302 = arith.constant 0 : i32
      %dma_wait3A_303 = tpu.memref_slice %arg7[%dma_wait3A_296, %dma_wait3A_297, %dma_wait3A_302] : memref<2x16x80xi32, #tpu.memory_space<vmem>> -> memref<1x1x80xi32, #tpu.memory_space<vmem>>
      %dma_wait3A_304 = tpu.memref_squeeze %dma_wait3A_303 : memref<1x1x80xi32, #tpu.memory_space<vmem>> -> memref<80xi32, #tpu.memory_space<vmem>>
      %dma_wait3A_305 = arith.constant 0 : i32
      %dma_wait3A_306 = arith.constant 0 : i32
      %dma_wait3A_307 = tpu.memref_slice %arg5[%dma_wait3A_305, %dma_wait3A_306] : memref<10240x128xf32, #tpu.memory_space<vmem_shared>> -> memref<10240x128xf32, #tpu.memory_space<vmem_shared>>
      tpu.wait_indirect_dma semaphore(%arg14 : memref<!tpu.dma_semaphore, #tpu.memory_space<semaphore_mem>>) src(%dma_wait3A_301 : memref<80x128xf32, #tpu.memory_space<vmem>>) dst(%dma_wait3A_307 : memref<10240x128xf32, #tpu.memory_space<vmem_shared>>)
      %dma_wait3A_308 = arith.constant 0 : i32
      %dma_wait3A_309 = arith.constant 15 : i32
      %dma_wait3A_310 = arith.constant 3 : i32
      %dma_wait3A_311 = arith.constant 0 : i32
      %dma_wait3A_312 = arith.constant 0 : i32
      %dma_wait3A_313 = tpu.memref_slice %arg8[%dma_wait3A_310, %dma_wait3A_311, %dma_wait3A_312] : memref<4x80x128xf32, #tpu.memory_space<vmem>> -> memref<1x80x128xf32, #tpu.memory_space<vmem>>
      %dma_wait3A_314 = tpu.memref_squeeze %dma_wait3A_313 : memref<1x80x128xf32, #tpu.memory_space<vmem>> -> memref<80x128xf32, #tpu.memory_space<vmem>>
      %dma_wait3A_315 = arith.constant 0 : i32
      %dma_wait3A_316 = tpu.memref_slice %arg6[%dma_wait3A_308, %dma_wait3A_309, %dma_wait3A_315] : memref<2x16x80xi32, #tpu.memory_space<vmem>> -> memref<1x1x80xi32, #tpu.memory_space<vmem>>
      %dma_wait3A_317 = tpu.memref_squeeze %dma_wait3A_316 : memref<1x1x80xi32, #tpu.memory_space<vmem>> -> memref<80xi32, #tpu.memory_space<vmem>>
      %dma_wait3A_318 = arith.constant 0 : i32
      %dma_wait3A_319 = arith.constant 0 : i32
      %dma_wait3A_320 = tpu.memref_slice %arg2[%arg0, %dma_wait3A_318, %dma_wait3A_319] : memref<2x10240x128xf32, #tpu.memory_space<hbm>> -> memref<1x10240x128xf32, #tpu.memory_space<hbm>>
      %dma_wait3A_321 = tpu.memref_squeeze %dma_wait3A_320 : memref<1x10240x128xf32, #tpu.memory_space<hbm>> -> memref<10240x128xf32, #tpu.memory_space<hbm>>
      %dma_wait3A_322 = arith.constant 0 : i32
      %dma_wait3A_323 = arith.constant 0 : i32
      %dma_wait3A_324 = tpu.memref_slice %dma_wait3A_321[%dma_wait3A_322, %dma_wait3A_323] : memref<10240x128xf32, #tpu.memory_space<hbm>> -> memref<10240x128xf32, #tpu.memory_space<hbm>>
      tpu.wait_indirect_dma semaphore(%arg12 : memref<!tpu.dma_semaphore, #tpu.memory_space<semaphore_mem>>) src(%dma_wait3A_324 : memref<10240x128xf32, #tpu.memory_space<hbm>>) dst(%dma_wait3A_314 : memref<80x128xf32, #tpu.memory_space<vmem>>)
      %dma_start3A_325 = arith.constant 3 : i32
      %dma_start3A_326 = arith.constant 0 : i32
      %dma_start3A_327 = arith.constant 15 : i32
      %dma_start3A_328 = arith.constant 0 : i32
      %dma_start3A_329 = arith.constant 0 : i32
      %dma_start3A_330 = tpu.memref_slice %arg8[%dma_start3A_325, %dma_start3A_328, %dma_start3A_329] : memref<4x80x128xf32, #tpu.memory_space<vmem>> -> memref<1x80x128xf32, #tpu.memory_space<vmem>>
      %dma_start3A_331 = tpu.memref_squeeze %dma_start3A_330 : memref<1x80x128xf32, #tpu.memory_space<vmem>> -> memref<80x128xf32, #tpu.memory_space<vmem>>
      %dma_start3A_332 = arith.constant 0 : i32
      %dma_start3A_333 = tpu.memref_slice %arg7[%dma_start3A_326, %dma_start3A_327, %dma_start3A_332] : memref<2x16x80xi32, #tpu.memory_space<vmem>> -> memref<1x1x80xi32, #tpu.memory_space<vmem>>
      %dma_start3A_334 = tpu.memref_squeeze %dma_start3A_333 : memref<1x1x80xi32, #tpu.memory_space<vmem>> -> memref<80xi32, #tpu.memory_space<vmem>>
      %dma_start3A_335 = arith.constant 0 : i32
      %dma_start3A_336 = arith.constant 0 : i32
      %dma_start3A_337 = tpu.memref_slice %arg5[%dma_start3A_335, %dma_start3A_336] : memref<10240x128xf32, #tpu.memory_space<vmem_shared>> -> memref<10240x128xf32, #tpu.memory_space<vmem_shared>>
      tpu.enqueue_indirect_dma source(%dma_start3A_331 : memref<80x128xf32, #tpu.memory_space<vmem>>) target(%dma_start3A_337 : memref<10240x128xf32, #tpu.memory_space<vmem_shared>>) offsets(%dma_start3A_334 : memref<80xi32, #tpu.memory_space<vmem>>) semaphore(%arg16 : memref<!tpu.dma_semaphore, #tpu.memory_space<semaphore_mem>>) {add = true}
      %dma_wait3A_338 = arith.constant 2 : i32
      %dma_wait3A_339 = arith.constant 0 : i32
      %dma_wait3A_340 = arith.constant 14 : i32
      %dma_wait3A_341 = arith.constant 0 : i32
      %dma_wait3A_342 = arith.constant 0 : i32
      %dma_wait3A_343 = tpu.memref_slice %arg8[%dma_wait3A_338, %dma_wait3A_341, %dma_wait3A_342] : memref<4x80x128xf32, #tpu.memory_space<vmem>> -> memref<1x80x128xf32, #tpu.memory_space<vmem>>
      %dma_wait3A_344 = tpu.memref_squeeze %dma_wait3A_343 : memref<1x80x128xf32, #tpu.memory_space<vmem>> -> memref<80x128xf32, #tpu.memory_space<vmem>>
      %dma_wait3A_345 = arith.constant 0 : i32
      %dma_wait3A_346 = tpu.memref_slice %arg7[%dma_wait3A_339, %dma_wait3A_340, %dma_wait3A_345] : memref<2x16x80xi32, #tpu.memory_space<vmem>> -> memref<1x1x80xi32, #tpu.memory_space<vmem>>
      %dma_wait3A_347 = tpu.memref_squeeze %dma_wait3A_346 : memref<1x1x80xi32, #tpu.memory_space<vmem>> -> memref<80xi32, #tpu.memory_space<vmem>>
      %dma_wait3A_348 = arith.constant 0 : i32
      %dma_wait3A_349 = arith.constant 0 : i32
      %dma_wait3A_350 = tpu.memref_slice %arg5[%dma_wait3A_348, %dma_wait3A_349] : memref<10240x128xf32, #tpu.memory_space<vmem_shared>> -> memref<10240x128xf32, #tpu.memory_space<vmem_shared>>
      tpu.wait_indirect_dma semaphore(%arg15 : memref<!tpu.dma_semaphore, #tpu.memory_space<semaphore_mem>>) src(%dma_wait3A_344 : memref<80x128xf32, #tpu.memory_space<vmem>>) dst(%dma_wait3A_350 : memref<10240x128xf32, #tpu.memory_space<vmem_shared>>)
      %dma_wait3A_351 = arith.constant 3 : i32
      %dma_wait3A_352 = arith.constant 0 : i32
      %dma_wait3A_353 = arith.constant 15 : i32
      %dma_wait3A_354 = arith.constant 0 : i32
      %dma_wait3A_355 = arith.constant 0 : i32
      %dma_wait3A_356 = tpu.memref_slice %arg8[%dma_wait3A_351, %dma_wait3A_354, %dma_wait3A_355] : memref<4x80x128xf32, #tpu.memory_space<vmem>> -> memref<1x80x128xf32, #tpu.memory_space<vmem>>
      %dma_wait3A_357 = tpu.memref_squeeze %dma_wait3A_356 : memref<1x80x128xf32, #tpu.memory_space<vmem>> -> memref<80x128xf32, #tpu.memory_space<vmem>>
      %dma_wait3A_358 = arith.constant 0 : i32
      %dma_wait3A_359 = tpu.memref_slice %arg7[%dma_wait3A_352, %dma_wait3A_353, %dma_wait3A_358] : memref<2x16x80xi32, #tpu.memory_space<vmem>> -> memref<1x1x80xi32, #tpu.memory_space<vmem>>
      %dma_wait3A_360 = tpu.memref_squeeze %dma_wait3A_359 : memref<1x1x80xi32, #tpu.memory_space<vmem>> -> memref<80xi32, #tpu.memory_space<vmem>>
      %dma_wait3A_361 = arith.constant 0 : i32
      %dma_wait3A_362 = arith.constant 0 : i32
      %dma_wait3A_363 = tpu.memref_slice %arg5[%dma_wait3A_361, %dma_wait3A_362] : memref<10240x128xf32, #tpu.memory_space<vmem_shared>> -> memref<10240x128xf32, #tpu.memory_space<vmem_shared>>
      tpu.wait_indirect_dma semaphore(%arg16 : memref<!tpu.dma_semaphore, #tpu.memory_space<semaphore_mem>>) src(%dma_wait3A_357 : memref<80x128xf32, #tpu.memory_space<vmem>>) dst(%dma_wait3A_363 : memref<10240x128xf32, #tpu.memory_space<vmem_shared>>)
      %add3A_364 = arith.constant 2 : i32
      %add3A_365 = arith.addi %add3A_83, %add3A_364 : i32
      %lt3A = arith.constant 16 : i32
      %lt3A_366 = arith.cmpi slt, %add3A_365, %lt3A : i32
      %convert_element_type3A = arith.extui %lt3A_366 : i1 to i32
      %cond3A = arith.constant 0 : i32
      %cond3A_367 = arith.cmpi ne, %convert_element_type3A, %cond3A : i32
      scf.if %cond3A_367 {
        %add3A_660 = arith.constant 2 : i32
        %add3A_661 = arith.addi %add3A_83, %add3A_660 : i32
        %sub3A_662 = arith.constant 1 : i32
        %sub3A_663 = arith.subi %sub3A_662, %arg0 : i32
        %dma_start3A_664 = arith.constant 0 : i32
        %dma_start3A_665 = arith.constant 0 : i32
        %dma_start3A_666 = arith.constant 0 : i32
        %dma_start3A_667 = tpu.memref_slice %arg6[%dma_start3A_664, %dma_start3A_665, %dma_start3A_666] : memref<2x16x80xi32, #tpu.memory_space<vmem>> -> memref<1x16x80xi32, #tpu.memory_space<vmem>>
        %dma_start3A_668 = tpu.memref_squeeze %dma_start3A_667 : memref<1x16x80xi32, #tpu.memory_space<vmem>> -> memref<16x80xi32, #tpu.memory_space<vmem>>
        %dma_start3A_669 = arith.constant 0 : i32
        %dma_start3A_670 = arith.constant 0 : i32
        %dma_start3A_671 = tpu.memref_slice %arg3[%sub3A_663, %arg1, %add3A_661, %dma_start3A_669, %dma_start3A_670] : memref<2x16x16x16x80xi32, #tpu.memory_space<hbm>> -> memref<1x1x1x16x80xi32, #tpu.memory_space<hbm>>
        %dma_start3A_672 = tpu.memref_squeeze %dma_start3A_671 : memref<1x1x1x16x80xi32, #tpu.memory_space<hbm>> -> memref<16x80xi32, #tpu.memory_space<hbm>>
        %dma_start3A_673 = arith.constant 0 : i32
        %dma_start3A_674 = arith.constant 0 : i32
        %dma_start3A_675 = tpu.memref_slice %arg6[%dma_start3A_664, %dma_start3A_673, %dma_start3A_674] : memref<2x16x80xi32, #tpu.memory_space<vmem>> -> memref<1x16x80xi32, #tpu.memory_space<vmem>>
        %dma_start3A_676 = tpu.memref_squeeze %dma_start3A_675 : memref<1x16x80xi32, #tpu.memory_space<vmem>> -> memref<16x80xi32, #tpu.memory_space<vmem>>
        %dma_start3A_677 = arith.constant 0 : i32
        %dma_start3A_678 = arith.constant 0 : i32
        %dma_start3A_679 = tpu.memref_slice %arg3[%sub3A_663, %arg1, %add3A_661, %dma_start3A_677, %dma_start3A_678] : memref<2x16x16x16x80xi32, #tpu.memory_space<hbm>> -> memref<1x1x1x16x80xi32, #tpu.memory_space<hbm>>
        %dma_start3A_680 = tpu.memref_squeeze %dma_start3A_679 : memref<1x1x1x16x80xi32, #tpu.memory_space<hbm>> -> memref<16x80xi32, #tpu.memory_space<hbm>>
        tpu.enqueue_dma source(%dma_start3A_680 : memref<16x80xi32, #tpu.memory_space<hbm>>) target(%dma_start3A_676 : memref<16x80xi32, #tpu.memory_space<vmem>>) target_semaphore(%arg17 : memref<!tpu.dma_semaphore, #tpu.memory_space<semaphore_mem>>)
        %dma_start3A_681 = arith.constant 0 : i32
        %dma_start3A_682 = arith.constant 0 : i32
        %dma_start3A_683 = arith.constant 0 : i32
        %dma_start3A_684 = tpu.memref_slice %arg7[%dma_start3A_681, %dma_start3A_682, %dma_start3A_683] : memref<2x16x80xi32, #tpu.memory_space<vmem>> -> memref<1x16x80xi32, #tpu.memory_space<vmem>>
        %dma_start3A_685 = tpu.memref_squeeze %dma_start3A_684 : memref<1x16x80xi32, #tpu.memory_space<vmem>> -> memref<16x80xi32, #tpu.memory_space<vmem>>
        %dma_start3A_686 = arith.constant 0 : i32
        %dma_start3A_687 = arith.constant 0 : i32
        %dma_start3A_688 = tpu.memref_slice %arg3[%arg0, %arg1, %add3A_661, %dma_start3A_686, %dma_start3A_687] : memref<2x16x16x16x80xi32, #tpu.memory_space<hbm>> -> memref<1x1x1x16x80xi32, #tpu.memory_space<hbm>>
        %dma_start3A_689 = tpu.memref_squeeze %dma_start3A_688 : memref<1x1x1x16x80xi32, #tpu.memory_space<hbm>> -> memref<16x80xi32, #tpu.memory_space<hbm>>
        %dma_start3A_690 = arith.constant 0 : i32
        %dma_start3A_691 = arith.constant 0 : i32
        %dma_start3A_692 = tpu.memref_slice %arg7[%dma_start3A_681, %dma_start3A_690, %dma_start3A_691] : memref<2x16x80xi32, #tpu.memory_space<vmem>> -> memref<1x16x80xi32, #tpu.memory_space<vmem>>
        %dma_start3A_693 = tpu.memref_squeeze %dma_start3A_692 : memref<1x16x80xi32, #tpu.memory_space<vmem>> -> memref<16x80xi32, #tpu.memory_space<vmem>>
        %dma_start3A_694 = arith.constant 0 : i32
        %dma_start3A_695 = arith.constant 0 : i32
        %dma_start3A_696 = tpu.memref_slice %arg3[%arg0, %arg1, %add3A_661, %dma_start3A_694, %dma_start3A_695] : memref<2x16x16x16x80xi32, #tpu.memory_space<hbm>> -> memref<1x1x1x16x80xi32, #tpu.memory_space<hbm>>
        %dma_start3A_697 = tpu.memref_squeeze %dma_start3A_696 : memref<1x1x1x16x80xi32, #tpu.memory_space<hbm>> -> memref<16x80xi32, #tpu.memory_space<hbm>>
        tpu.enqueue_dma source(%dma_start3A_697 : memref<16x80xi32, #tpu.memory_space<hbm>>) target(%dma_start3A_693 : memref<16x80xi32, #tpu.memory_space<vmem>>) target_semaphore(%arg17 : memref<!tpu.dma_semaphore, #tpu.memory_space<semaphore_mem>>)
      } else {
      }
      %mul3A_368 = arith.constant 2 : i32
      %mul3A_369 = arith.muli %mul3A_368, %scan3A_80 : i32
      %add3A_370 = arith.constant 1 : i32
      %add3A_371 = arith.addi %mul3A_369, %add3A_370 : i32
      %sub3A_372 = arith.constant 1 : i32
      %sub3A_373 = arith.subi %sub3A_372, %arg0 : i32
      %dma_wait3A_374 = arith.constant 1 : i32
      %dma_wait3A_375 = arith.constant 0 : i32
      %dma_wait3A_376 = arith.constant 0 : i32
      %dma_wait3A_377 = tpu.memref_slice %arg6[%dma_wait3A_374, %dma_wait3A_375, %dma_wait3A_376] : memref<2x16x80xi32, #tpu.memory_space<vmem>> -> memref<1x16x80xi32, #tpu.memory_space<vmem>>
      %dma_wait3A_378 = tpu.memref_squeeze %dma_wait3A_377 : memref<1x16x80xi32, #tpu.memory_space<vmem>> -> memref<16x80xi32, #tpu.memory_space<vmem>>
      %dma_wait3A_379 = arith.constant 0 : i32
      %dma_wait3A_380 = arith.constant 0 : i32
      %dma_wait3A_381 = tpu.memref_slice %arg3[%sub3A_373, %arg1, %add3A_371, %dma_wait3A_379, %dma_wait3A_380] : memref<2x16x16x16x80xi32, #tpu.memory_space<hbm>> -> memref<1x1x1x16x80xi32, #tpu.memory_space<hbm>>
      %dma_wait3A_382 = tpu.memref_squeeze %dma_wait3A_381 : memref<1x1x1x16x80xi32, #tpu.memory_space<hbm>> -> memref<16x80xi32, #tpu.memory_space<hbm>>
      %dma_wait3A_383 = arith.constant 0 : i32
      %dma_wait3A_384 = arith.constant 0 : i32
      %dma_wait3A_385 = tpu.memref_slice %arg6[%dma_wait3A_374, %dma_wait3A_383, %dma_wait3A_384] : memref<2x16x80xi32, #tpu.memory_space<vmem>> -> memref<1x16x80xi32, #tpu.memory_space<vmem>>
      %dma_wait3A_386 = tpu.memref_squeeze %dma_wait3A_385 : memref<1x16x80xi32, #tpu.memory_space<vmem>> -> memref<16x80xi32, #tpu.memory_space<vmem>>
      %dma_wait3A_387 = arith.constant 0 : i32
      %dma_wait3A_388 = arith.constant 0 : i32
      %dma_wait3A_389 = tpu.memref_slice %arg3[%sub3A_373, %arg1, %add3A_371, %dma_wait3A_387, %dma_wait3A_388] : memref<2x16x16x16x80xi32, #tpu.memory_space<hbm>> -> memref<1x1x1x16x80xi32, #tpu.memory_space<hbm>>
      %dma_wait3A_390 = tpu.memref_squeeze %dma_wait3A_389 : memref<1x1x1x16x80xi32, #tpu.memory_space<hbm>> -> memref<16x80xi32, #tpu.memory_space<hbm>>
      tpu.wait_dma2 semaphore(%arg18 : memref<!tpu.dma_semaphore, #tpu.memory_space<semaphore_mem>>) src(%dma_wait3A_390 : memref<16x80xi32, #tpu.memory_space<hbm>>) dst(%dma_wait3A_386 : memref<16x80xi32, #tpu.memory_space<vmem>>)
      %dma_wait3A_391 = arith.constant 1 : i32
      %dma_wait3A_392 = arith.constant 0 : i32
      %dma_wait3A_393 = arith.constant 0 : i32
      %dma_wait3A_394 = tpu.memref_slice %arg7[%dma_wait3A_391, %dma_wait3A_392, %dma_wait3A_393] : memref<2x16x80xi32, #tpu.memory_space<vmem>> -> memref<1x16x80xi32, #tpu.memory_space<vmem>>
      %dma_wait3A_395 = tpu.memref_squeeze %dma_wait3A_394 : memref<1x16x80xi32, #tpu.memory_space<vmem>> -> memref<16x80xi32, #tpu.memory_space<vmem>>
      %dma_wait3A_396 = arith.constant 0 : i32
      %dma_wait3A_397 = arith.constant 0 : i32
      %dma_wait3A_398 = tpu.memref_slice %arg3[%arg0, %arg1, %add3A_371, %dma_wait3A_396, %dma_wait3A_397] : memref<2x16x16x16x80xi32, #tpu.memory_space<hbm>> -> memref<1x1x1x16x80xi32, #tpu.memory_space<hbm>>
      %dma_wait3A_399 = tpu.memref_squeeze %dma_wait3A_398 : memref<1x1x1x16x80xi32, #tpu.memory_space<hbm>> -> memref<16x80xi32, #tpu.memory_space<hbm>>
      %dma_wait3A_400 = arith.constant 0 : i32
      %dma_wait3A_401 = arith.constant 0 : i32
      %dma_wait3A_402 = tpu.memref_slice %arg7[%dma_wait3A_391, %dma_wait3A_400, %dma_wait3A_401] : memref<2x16x80xi32, #tpu.memory_space<vmem>> -> memref<1x16x80xi32, #tpu.memory_space<vmem>>
      %dma_wait3A_403 = tpu.memref_squeeze %dma_wait3A_402 : memref<1x16x80xi32, #tpu.memory_space<vmem>> -> memref<16x80xi32, #tpu.memory_space<vmem>>
      %dma_wait3A_404 = arith.constant 0 : i32
      %dma_wait3A_405 = arith.constant 0 : i32
      %dma_wait3A_406 = tpu.memref_slice %arg3[%arg0, %arg1, %add3A_371, %dma_wait3A_404, %dma_wait3A_405] : memref<2x16x16x16x80xi32, #tpu.memory_space<hbm>> -> memref<1x1x1x16x80xi32, #tpu.memory_space<hbm>>
      %dma_wait3A_407 = tpu.memref_squeeze %dma_wait3A_406 : memref<1x1x1x16x80xi32, #tpu.memory_space<hbm>> -> memref<16x80xi32, #tpu.memory_space<hbm>>
      tpu.wait_dma2 semaphore(%arg18 : memref<!tpu.dma_semaphore, #tpu.memory_space<semaphore_mem>>) src(%dma_wait3A_407 : memref<16x80xi32, #tpu.memory_space<hbm>>) dst(%dma_wait3A_403 : memref<16x80xi32, #tpu.memory_space<vmem>>)
      %dma_start3A_408 = arith.constant 1 : i32
      %dma_start3A_409 = arith.constant 0 : i32
      %dma_start3A_410 = arith.constant 0 : i32
      %dma_start3A_411 = arith.constant 0 : i32
      %dma_start3A_412 = arith.constant 0 : i32
      %dma_start3A_413 = tpu.memref_slice %arg8[%dma_start3A_410, %dma_start3A_411, %dma_start3A_412] : memref<4x80x128xf32, #tpu.memory_space<vmem>> -> memref<1x80x128xf32, #tpu.memory_space<vmem>>
      %dma_start3A_414 = tpu.memref_squeeze %dma_start3A_413 : memref<1x80x128xf32, #tpu.memory_space<vmem>> -> memref<80x128xf32, #tpu.memory_space<vmem>>
      %dma_start3A_415 = arith.constant 0 : i32
      %dma_start3A_416 = tpu.memref_slice %arg6[%dma_start3A_408, %dma_start3A_409, %dma_start3A_415] : memref<2x16x80xi32, #tpu.memory_space<vmem>> -> memref<1x1x80xi32, #tpu.memory_space<vmem>>
      %dma_start3A_417 = tpu.memref_squeeze %dma_start3A_416 : memref<1x1x80xi32, #tpu.memory_space<vmem>> -> memref<80xi32, #tpu.memory_space<vmem>>
      %dma_start3A_418 = arith.constant 0 : i32
      %dma_start3A_419 = arith.constant 0 : i32
      %dma_start3A_420 = tpu.memref_slice %arg2[%arg0, %dma_start3A_418, %dma_start3A_419] : memref<2x10240x128xf32, #tpu.memory_space<hbm>> -> memref<1x10240x128xf32, #tpu.memory_space<hbm>>
      %dma_start3A_421 = tpu.memref_squeeze %dma_start3A_420 : memref<1x10240x128xf32, #tpu.memory_space<hbm>> -> memref<10240x128xf32, #tpu.memory_space<hbm>>
      %dma_start3A_422 = arith.constant 0 : i32
      %dma_start3A_423 = arith.constant 0 : i32
      %dma_start3A_424 = tpu.memref_slice %dma_start3A_421[%dma_start3A_422, %dma_start3A_423] : memref<10240x128xf32, #tpu.memory_space<hbm>> -> memref<10240x128xf32, #tpu.memory_space<hbm>>
      tpu.enqueue_indirect_dma source(%dma_start3A_424 : memref<10240x128xf32, #tpu.memory_space<hbm>>) target(%dma_start3A_414 : memref<80x128xf32, #tpu.memory_space<vmem>>) offsets(%dma_start3A_417 : memref<80xi32, #tpu.memory_space<vmem>>) semaphore(%arg9 : memref<!tpu.dma_semaphore, #tpu.memory_space<semaphore_mem>>)
      %dma_start3A_425 = arith.constant 1 : i32
      %dma_start3A_426 = arith.constant 1 : i32
      %dma_start3A_427 = arith.constant 1 : i32
      %dma_start3A_428 = arith.constant 0 : i32
      %dma_start3A_429 = arith.constant 0 : i32
      %dma_start3A_430 = tpu.memref_slice %arg8[%dma_start3A_427, %dma_start3A_428, %dma_start3A_429] : memref<4x80x128xf32, #tpu.memory_space<vmem>> -> memref<1x80x128xf32, #tpu.memory_space<vmem>>
      %dma_start3A_431 = tpu.memref_squeeze %dma_start3A_430 : memref<1x80x128xf32, #tpu.memory_space<vmem>> -> memref<80x128xf32, #tpu.memory_space<vmem>>
      %dma_start3A_432 = arith.constant 0 : i32
      %dma_start3A_433 = tpu.memref_slice %arg6[%dma_start3A_425, %dma_start3A_426, %dma_start3A_432] : memref<2x16x80xi32, #tpu.memory_space<vmem>> -> memref<1x1x80xi32, #tpu.memory_space<vmem>>
      %dma_start3A_434 = tpu.memref_squeeze %dma_start3A_433 : memref<1x1x80xi32, #tpu.memory_space<vmem>> -> memref<80xi32, #tpu.memory_space<vmem>>
      %dma_start3A_435 = arith.constant 0 : i32
      %dma_start3A_436 = arith.constant 0 : i32
      %dma_start3A_437 = tpu.memref_slice %arg2[%arg0, %dma_start3A_435, %dma_start3A_436] : memref<2x10240x128xf32, #tpu.memory_space<hbm>> -> memref<1x10240x128xf32, #tpu.memory_space<hbm>>
      %dma_start3A_438 = tpu.memref_squeeze %dma_start3A_437 : memref<1x10240x128xf32, #tpu.memory_space<hbm>> -> memref<10240x128xf32, #tpu.memory_space<hbm>>
      %dma_start3A_439 = arith.constant 0 : i32
      %dma_start3A_440 = arith.constant 0 : i32
      %dma_start3A_441 = tpu.memref_slice %dma_start3A_438[%dma_start3A_439, %dma_start3A_440] : memref<10240x128xf32, #tpu.memory_space<hbm>> -> memref<10240x128xf32, #tpu.memory_space<hbm>>
      tpu.enqueue_indirect_dma source(%dma_start3A_441 : memref<10240x128xf32, #tpu.memory_space<hbm>>) target(%dma_start3A_431 : memref<80x128xf32, #tpu.memory_space<vmem>>) offsets(%dma_start3A_434 : memref<80xi32, #tpu.memory_space<vmem>>) semaphore(%arg10 : memref<!tpu.dma_semaphore, #tpu.memory_space<semaphore_mem>>)
      %dma_start3A_442 = arith.constant 1 : i32
      %dma_start3A_443 = arith.constant 2 : i32
      %dma_start3A_444 = arith.constant 2 : i32
      %dma_start3A_445 = arith.constant 0 : i32
      %dma_start3A_446 = arith.constant 0 : i32
      %dma_start3A_447 = tpu.memref_slice %arg8[%dma_start3A_444, %dma_start3A_445, %dma_start3A_446] : memref<4x80x128xf32, #tpu.memory_space<vmem>> -> memref<1x80x128xf32, #tpu.memory_space<vmem>>
      %dma_start3A_448 = tpu.memref_squeeze %dma_start3A_447 : memref<1x80x128xf32, #tpu.memory_space<vmem>> -> memref<80x128xf32, #tpu.memory_space<vmem>>
      %dma_start3A_449 = arith.constant 0 : i32
      %dma_start3A_450 = tpu.memref_slice %arg6[%dma_start3A_442, %dma_start3A_443, %dma_start3A_449] : memref<2x16x80xi32, #tpu.memory_space<vmem>> -> memref<1x1x80xi32, #tpu.memory_space<vmem>>
      %dma_start3A_451 = tpu.memref_squeeze %dma_start3A_450 : memref<1x1x80xi32, #tpu.memory_space<vmem>> -> memref<80xi32, #tpu.memory_space<vmem>>
      %dma_start3A_452 = arith.constant 0 : i32
      %dma_start3A_453 = arith.constant 0 : i32
      %dma_start3A_454 = tpu.memref_slice %arg2[%arg0, %dma_start3A_452, %dma_start3A_453] : memref<2x10240x128xf32, #tpu.memory_space<hbm>> -> memref<1x10240x128xf32, #tpu.memory_space<hbm>>
      %dma_start3A_455 = tpu.memref_squeeze %dma_start3A_454 : memref<1x10240x128xf32, #tpu.memory_space<hbm>> -> memref<10240x128xf32, #tpu.memory_space<hbm>>
      %dma_start3A_456 = arith.constant 0 : i32
      %dma_start3A_457 = arith.constant 0 : i32
      %dma_start3A_458 = tpu.memref_slice %dma_start3A_455[%dma_start3A_456, %dma_start3A_457] : memref<10240x128xf32, #tpu.memory_space<hbm>> -> memref<10240x128xf32, #tpu.memory_space<hbm>>
      tpu.enqueue_indirect_dma source(%dma_start3A_458 : memref<10240x128xf32, #tpu.memory_space<hbm>>) target(%dma_start3A_448 : memref<80x128xf32, #tpu.memory_space<vmem>>) offsets(%dma_start3A_451 : memref<80xi32, #tpu.memory_space<vmem>>) semaphore(%arg11 : memref<!tpu.dma_semaphore, #tpu.memory_space<semaphore_mem>>)
      %dma_wait3A_459 = arith.constant 1 : i32
      %dma_wait3A_460 = arith.constant 0 : i32
      %dma_wait3A_461 = arith.constant 0 : i32
      %dma_wait3A_462 = arith.constant 0 : i32
      %dma_wait3A_463 = arith.constant 0 : i32
      %dma_wait3A_464 = tpu.memref_slice %arg8[%dma_wait3A_461, %dma_wait3A_462, %dma_wait3A_463] : memref<4x80x128xf32, #tpu.memory_space<vmem>> -> memref<1x80x128xf32, #tpu.memory_space<vmem>>
      %dma_wait3A_465 = tpu.memref_squeeze %dma_wait3A_464 : memref<1x80x128xf32, #tpu.memory_space<vmem>> -> memref<80x128xf32, #tpu.memory_space<vmem>>
      %dma_wait3A_466 = arith.constant 0 : i32
      %dma_wait3A_467 = tpu.memref_slice %arg6[%dma_wait3A_459, %dma_wait3A_460, %dma_wait3A_466] : memref<2x16x80xi32, #tpu.memory_space<vmem>> -> memref<1x1x80xi32, #tpu.memory_space<vmem>>
      %dma_wait3A_468 = tpu.memref_squeeze %dma_wait3A_467 : memref<1x1x80xi32, #tpu.memory_space<vmem>> -> memref<80xi32, #tpu.memory_space<vmem>>
      %dma_wait3A_469 = arith.constant 0 : i32
      %dma_wait3A_470 = arith.constant 0 : i32
      %dma_wait3A_471 = tpu.memref_slice %arg2[%arg0, %dma_wait3A_469, %dma_wait3A_470] : memref<2x10240x128xf32, #tpu.memory_space<hbm>> -> memref<1x10240x128xf32, #tpu.memory_space<hbm>>
      %dma_wait3A_472 = tpu.memref_squeeze %dma_wait3A_471 : memref<1x10240x128xf32, #tpu.memory_space<hbm>> -> memref<10240x128xf32, #tpu.memory_space<hbm>>
      %dma_wait3A_473 = arith.constant 0 : i32
      %dma_wait3A_474 = arith.constant 0 : i32
      %dma_wait3A_475 = tpu.memref_slice %dma_wait3A_472[%dma_wait3A_473, %dma_wait3A_474] : memref<10240x128xf32, #tpu.memory_space<hbm>> -> memref<10240x128xf32, #tpu.memory_space<hbm>>
      tpu.wait_indirect_dma semaphore(%arg9 : memref<!tpu.dma_semaphore, #tpu.memory_space<semaphore_mem>>) src(%dma_wait3A_475 : memref<10240x128xf32, #tpu.memory_space<hbm>>) dst(%dma_wait3A_465 : memref<80x128xf32, #tpu.memory_space<vmem>>)
      %dma_start3A_476 = arith.constant 0 : i32
      %dma_start3A_477 = arith.constant 1 : i32
      %dma_start3A_478 = arith.constant 0 : i32
      %dma_start3A_479 = arith.constant 0 : i32
      %dma_start3A_480 = arith.constant 0 : i32
      %dma_start3A_481 = tpu.memref_slice %arg8[%dma_start3A_476, %dma_start3A_479, %dma_start3A_480] : memref<4x80x128xf32, #tpu.memory_space<vmem>> -> memref<1x80x128xf32, #tpu.memory_space<vmem>>
      %dma_start3A_482 = tpu.memref_squeeze %dma_start3A_481 : memref<1x80x128xf32, #tpu.memory_space<vmem>> -> memref<80x128xf32, #tpu.memory_space<vmem>>
      %dma_start3A_483 = arith.constant 0 : i32
      %dma_start3A_484 = tpu.memref_slice %arg7[%dma_start3A_477, %dma_start3A_478, %dma_start3A_483] : memref<2x16x80xi32, #tpu.memory_space<vmem>> -> memref<1x1x80xi32, #tpu.memory_space<vmem>>
      %dma_start3A_485 = tpu.memref_squeeze %dma_start3A_484 : memref<1x1x80xi32, #tpu.memory_space<vmem>> -> memref<80xi32, #tpu.memory_space<vmem>>
      %dma_start3A_486 = arith.constant 0 : i32
      %dma_start3A_487 = arith.constant 0 : i32
      %dma_start3A_488 = tpu.memref_slice %arg5[%dma_start3A_486, %dma_start3A_487] : memref<10240x128xf32, #tpu.memory_space<vmem_shared>> -> memref<10240x128xf32, #tpu.memory_space<vmem_shared>>
      tpu.enqueue_indirect_dma source(%dma_start3A_482 : memref<80x128xf32, #tpu.memory_space<vmem>>) target(%dma_start3A_488 : memref<10240x128xf32, #tpu.memory_space<vmem_shared>>) offsets(%dma_start3A_485 : memref<80xi32, #tpu.memory_space<vmem>>) semaphore(%arg13 : memref<!tpu.dma_semaphore, #tpu.memory_space<semaphore_mem>>) {add = true}
      %dma_start3A_489 = arith.constant 1 : i32
      %dma_start3A_490 = arith.constant 3 : i32
      %dma_start3A_491 = arith.constant 3 : i32
      %dma_start3A_492 = arith.constant 0 : i32
      %dma_start3A_493 = arith.constant 0 : i32
      %dma_start3A_494 = tpu.memref_slice %arg8[%dma_start3A_491, %dma_start3A_492, %dma_start3A_493] : memref<4x80x128xf32, #tpu.memory_space<vmem>> -> memref<1x80x128xf32, #tpu.memory_space<vmem>>
      %dma_start3A_495 = tpu.memref_squeeze %dma_start3A_494 : memref<1x80x128xf32, #tpu.memory_space<vmem>> -> memref<80x128xf32, #tpu.memory_space<vmem>>
      %dma_start3A_496 = arith.constant 0 : i32
      %dma_start3A_497 = tpu.memref_slice %arg6[%dma_start3A_489, %dma_start3A_490, %dma_start3A_496] : memref<2x16x80xi32, #tpu.memory_space<vmem>> -> memref<1x1x80xi32, #tpu.memory_space<vmem>>
      %dma_start3A_498 = tpu.memref_squeeze %dma_start3A_497 : memref<1x1x80xi32, #tpu.memory_space<vmem>> -> memref<80xi32, #tpu.memory_space<vmem>>
      %dma_start3A_499 = arith.constant 0 : i32
      %dma_start3A_500 = arith.constant 0 : i32
      %dma_start3A_501 = tpu.memref_slice %arg2[%arg0, %dma_start3A_499, %dma_start3A_500] : memref<2x10240x128xf32, #tpu.memory_space<hbm>> -> memref<1x10240x128xf32, #tpu.memory_space<hbm>>
      %dma_start3A_502 = tpu.memref_squeeze %dma_start3A_501 : memref<1x10240x128xf32, #tpu.memory_space<hbm>> -> memref<10240x128xf32, #tpu.memory_space<hbm>>
      %dma_start3A_503 = arith.constant 0 : i32
      %dma_start3A_504 = arith.constant 0 : i32
      %dma_start3A_505 = tpu.memref_slice %dma_start3A_502[%dma_start3A_503, %dma_start3A_504] : memref<10240x128xf32, #tpu.memory_space<hbm>> -> memref<10240x128xf32, #tpu.memory_space<hbm>>
      tpu.enqueue_indirect_dma source(%dma_start3A_505 : memref<10240x128xf32, #tpu.memory_space<hbm>>) target(%dma_start3A_495 : memref<80x128xf32, #tpu.memory_space<vmem>>) offsets(%dma_start3A_498 : memref<80xi32, #tpu.memory_space<vmem>>) semaphore(%arg12 : memref<!tpu.dma_semaphore, #tpu.memory_space<semaphore_mem>>)
      %scan3A_506 = arith.constant 0 : i32
      %scan3A_507 = arith.constant 3 : i32
      %scan3A_508 = arith.addi %scan3A_506, %scan3A_507 : i32
      %scan3A_509 = arith.constant 1 : i32
      scf.for %scan3A_660 = %scan3A_506 to %scan3A_508 step %scan3A_509  : i32 {
        %mul3A_661 = arith.constant 4 : i32
        %mul3A_662 = arith.muli %mul3A_661, %scan3A_660 : i32
        %add3A_663 = arith.constant 1 : i32
        %add3A_664 = arith.addi %mul3A_662, %add3A_663 : i32
        %add3A_665 = arith.constant 0 : i32
        %add3A_666 = arith.addi %add3A_664, %add3A_665 : i32
        %dma_wait3A_667 = arith.constant 1 : i32
        %dma_wait3A_668 = arith.constant 1 : i32
        %dma_wait3A_669 = arith.constant 0 : i32
        %dma_wait3A_670 = arith.constant 0 : i32
        %dma_wait3A_671 = tpu.memref_slice %arg8[%dma_wait3A_668, %dma_wait3A_669, %dma_wait3A_670] : memref<4x80x128xf32, #tpu.memory_space<vmem>> -> memref<1x80x128xf32, #tpu.memory_space<vmem>>
        %dma_wait3A_672 = tpu.memref_squeeze %dma_wait3A_671 : memref<1x80x128xf32, #tpu.memory_space<vmem>> -> memref<80x128xf32, #tpu.memory_space<vmem>>
        %dma_wait3A_673 = arith.constant 0 : i32
        %dma_wait3A_674 = tpu.memref_slice %arg6[%dma_wait3A_667, %add3A_666, %dma_wait3A_673] : memref<2x16x80xi32, #tpu.memory_space<vmem>> -> memref<1x1x80xi32, #tpu.memory_space<vmem>>
        %dma_wait3A_675 = tpu.memref_squeeze %dma_wait3A_674 : memref<1x1x80xi32, #tpu.memory_space<vmem>> -> memref<80xi32, #tpu.memory_space<vmem>>
        %dma_wait3A_676 = arith.constant 0 : i32
        %dma_wait3A_677 = arith.constant 0 : i32
        %dma_wait3A_678 = tpu.memref_slice %arg2[%arg0, %dma_wait3A_676, %dma_wait3A_677] : memref<2x10240x128xf32, #tpu.memory_space<hbm>> -> memref<1x10240x128xf32, #tpu.memory_space<hbm>>
        %dma_wait3A_679 = tpu.memref_squeeze %dma_wait3A_678 : memref<1x10240x128xf32, #tpu.memory_space<hbm>> -> memref<10240x128xf32, #tpu.memory_space<hbm>>
        %dma_wait3A_680 = arith.constant 0 : i32
        %dma_wait3A_681 = arith.constant 0 : i32
        %dma_wait3A_682 = tpu.memref_slice %dma_wait3A_679[%dma_wait3A_680, %dma_wait3A_681] : memref<10240x128xf32, #tpu.memory_space<hbm>> -> memref<10240x128xf32, #tpu.memory_space<hbm>>
        tpu.wait_indirect_dma semaphore(%arg10 : memref<!tpu.dma_semaphore, #tpu.memory_space<semaphore_mem>>) src(%dma_wait3A_682 : memref<10240x128xf32, #tpu.memory_space<hbm>>) dst(%dma_wait3A_672 : memref<80x128xf32, #tpu.memory_space<vmem>>)
        %dma_start3A_683 = arith.constant 1 : i32
        %dma_start3A_684 = arith.constant 1 : i32
        %dma_start3A_685 = arith.constant 0 : i32
        %dma_start3A_686 = arith.constant 0 : i32
        %dma_start3A_687 = tpu.memref_slice %arg8[%dma_start3A_683, %dma_start3A_685, %dma_start3A_686] : memref<4x80x128xf32, #tpu.memory_space<vmem>> -> memref<1x80x128xf32, #tpu.memory_space<vmem>>
        %dma_start3A_688 = tpu.memref_squeeze %dma_start3A_687 : memref<1x80x128xf32, #tpu.memory_space<vmem>> -> memref<80x128xf32, #tpu.memory_space<vmem>>
        %dma_start3A_689 = arith.constant 0 : i32
        %dma_start3A_690 = tpu.memref_slice %arg7[%dma_start3A_684, %add3A_666, %dma_start3A_689] : memref<2x16x80xi32, #tpu.memory_space<vmem>> -> memref<1x1x80xi32, #tpu.memory_space<vmem>>
        %dma_start3A_691 = tpu.memref_squeeze %dma_start3A_690 : memref<1x1x80xi32, #tpu.memory_space<vmem>> -> memref<80xi32, #tpu.memory_space<vmem>>
        %dma_start3A_692 = arith.constant 0 : i32
        %dma_start3A_693 = arith.constant 0 : i32
        %dma_start3A_694 = tpu.memref_slice %arg5[%dma_start3A_692, %dma_start3A_693] : memref<10240x128xf32, #tpu.memory_space<vmem_shared>> -> memref<10240x128xf32, #tpu.memory_space<vmem_shared>>
        tpu.enqueue_indirect_dma source(%dma_start3A_688 : memref<80x128xf32, #tpu.memory_space<vmem>>) target(%dma_start3A_694 : memref<10240x128xf32, #tpu.memory_space<vmem_shared>>) offsets(%dma_start3A_691 : memref<80xi32, #tpu.memory_space<vmem>>) semaphore(%arg14 : memref<!tpu.dma_semaphore, #tpu.memory_space<semaphore_mem>>) {add = true}
        %sub3A_695 = arith.constant 1 : i32
        %sub3A_696 = arith.subi %add3A_666, %sub3A_695 : i32
        %dma_wait3A_697 = arith.constant 0 : i32
        %dma_wait3A_698 = arith.constant 1 : i32
        %dma_wait3A_699 = arith.constant 0 : i32
        %dma_wait3A_700 = arith.constant 0 : i32
        %dma_wait3A_701 = tpu.memref_slice %arg8[%dma_wait3A_697, %dma_wait3A_699, %dma_wait3A_700] : memref<4x80x128xf32, #tpu.memory_space<vmem>> -> memref<1x80x128xf32, #tpu.memory_space<vmem>>
        %dma_wait3A_702 = tpu.memref_squeeze %dma_wait3A_701 : memref<1x80x128xf32, #tpu.memory_space<vmem>> -> memref<80x128xf32, #tpu.memory_space<vmem>>
        %dma_wait3A_703 = arith.constant 0 : i32
        %dma_wait3A_704 = tpu.memref_slice %arg7[%dma_wait3A_698, %sub3A_696, %dma_wait3A_703] : memref<2x16x80xi32, #tpu.memory_space<vmem>> -> memref<1x1x80xi32, #tpu.memory_space<vmem>>
        %dma_wait3A_705 = tpu.memref_squeeze %dma_wait3A_704 : memref<1x1x80xi32, #tpu.memory_space<vmem>> -> memref<80xi32, #tpu.memory_space<vmem>>
        %dma_wait3A_706 = arith.constant 0 : i32
        %dma_wait3A_707 = arith.constant 0 : i32
        %dma_wait3A_708 = tpu.memref_slice %arg5[%dma_wait3A_706, %dma_wait3A_707] : memref<10240x128xf32, #tpu.memory_space<vmem_shared>> -> memref<10240x128xf32, #tpu.memory_space<vmem_shared>>
        tpu.wait_indirect_dma semaphore(%arg13 : memref<!tpu.dma_semaphore, #tpu.memory_space<semaphore_mem>>) src(%dma_wait3A_702 : memref<80x128xf32, #tpu.memory_space<vmem>>) dst(%dma_wait3A_708 : memref<10240x128xf32, #tpu.memory_space<vmem_shared>>)
        %add3A_709 = arith.constant 3 : i32
        %add3A_710 = arith.addi %add3A_666, %add3A_709 : i32
        %dma_start3A_711 = arith.constant 1 : i32
        %dma_start3A_712 = arith.constant 0 : i32
        %dma_start3A_713 = arith.constant 0 : i32
        %dma_start3A_714 = arith.constant 0 : i32
        %dma_start3A_715 = tpu.memref_slice %arg8[%dma_start3A_712, %dma_start3A_713, %dma_start3A_714] : memref<4x80x128xf32, #tpu.memory_space<vmem>> -> memref<1x80x128xf32, #tpu.memory_space<vmem>>
        %dma_start3A_716 = tpu.memref_squeeze %dma_start3A_715 : memref<1x80x128xf32, #tpu.memory_space<vmem>> -> memref<80x128xf32, #tpu.memory_space<vmem>>
        %dma_start3A_717 = arith.constant 0 : i32
        %dma_start3A_718 = tpu.memref_slice %arg6[%dma_start3A_711, %add3A_710, %dma_start3A_717] : memref<2x16x80xi32, #tpu.memory_space<vmem>> -> memref<1x1x80xi32, #tpu.memory_space<vmem>>
        %dma_start3A_719 = tpu.memref_squeeze %dma_start3A_718 : memref<1x1x80xi32, #tpu.memory_space<vmem>> -> memref<80xi32, #tpu.memory_space<vmem>>
        %dma_start3A_720 = arith.constant 0 : i32
        %dma_start3A_721 = arith.constant 0 : i32
        %dma_start3A_722 = tpu.memref_slice %arg2[%arg0, %dma_start3A_720, %dma_start3A_721] : memref<2x10240x128xf32, #tpu.memory_space<hbm>> -> memref<1x10240x128xf32, #tpu.memory_space<hbm>>
        %dma_start3A_723 = tpu.memref_squeeze %dma_start3A_722 : memref<1x10240x128xf32, #tpu.memory_space<hbm>> -> memref<10240x128xf32, #tpu.memory_space<hbm>>
        %dma_start3A_724 = arith.constant 0 : i32
        %dma_start3A_725 = arith.constant 0 : i32
        %dma_start3A_726 = tpu.memref_slice %dma_start3A_723[%dma_start3A_724, %dma_start3A_725] : memref<10240x128xf32, #tpu.memory_space<hbm>> -> memref<10240x128xf32, #tpu.memory_space<hbm>>
        tpu.enqueue_indirect_dma source(%dma_start3A_726 : memref<10240x128xf32, #tpu.memory_space<hbm>>) target(%dma_start3A_716 : memref<80x128xf32, #tpu.memory_space<vmem>>) offsets(%dma_start3A_719 : memref<80xi32, #tpu.memory_space<vmem>>) semaphore(%arg9 : memref<!tpu.dma_semaphore, #tpu.memory_space<semaphore_mem>>)
        %mul3A_727 = arith.constant 4 : i32
        %mul3A_728 = arith.muli %mul3A_727, %scan3A_660 : i32
        %add3A_729 = arith.constant 1 : i32
        %add3A_730 = arith.addi %mul3A_728, %add3A_729 : i32
        %add3A_731 = arith.constant 1 : i32
        %add3A_732 = arith.addi %add3A_730, %add3A_731 : i32
        %dma_wait3A_733 = arith.constant 1 : i32
        %dma_wait3A_734 = arith.constant 2 : i32
        %dma_wait3A_735 = arith.constant 0 : i32
        %dma_wait3A_736 = arith.constant 0 : i32
        %dma_wait3A_737 = tpu.memref_slice %arg8[%dma_wait3A_734, %dma_wait3A_735, %dma_wait3A_736] : memref<4x80x128xf32, #tpu.memory_space<vmem>> -> memref<1x80x128xf32, #tpu.memory_space<vmem>>
        %dma_wait3A_738 = tpu.memref_squeeze %dma_wait3A_737 : memref<1x80x128xf32, #tpu.memory_space<vmem>> -> memref<80x128xf32, #tpu.memory_space<vmem>>
        %dma_wait3A_739 = arith.constant 0 : i32
        %dma_wait3A_740 = tpu.memref_slice %arg6[%dma_wait3A_733, %add3A_732, %dma_wait3A_739] : memref<2x16x80xi32, #tpu.memory_space<vmem>> -> memref<1x1x80xi32, #tpu.memory_space<vmem>>
        %dma_wait3A_741 = tpu.memref_squeeze %dma_wait3A_740 : memref<1x1x80xi32, #tpu.memory_space<vmem>> -> memref<80xi32, #tpu.memory_space<vmem>>
        %dma_wait3A_742 = arith.constant 0 : i32
        %dma_wait3A_743 = arith.constant 0 : i32
        %dma_wait3A_744 = tpu.memref_slice %arg2[%arg0, %dma_wait3A_742, %dma_wait3A_743] : memref<2x10240x128xf32, #tpu.memory_space<hbm>> -> memref<1x10240x128xf32, #tpu.memory_space<hbm>>
        %dma_wait3A_745 = tpu.memref_squeeze %dma_wait3A_744 : memref<1x10240x128xf32, #tpu.memory_space<hbm>> -> memref<10240x128xf32, #tpu.memory_space<hbm>>
        %dma_wait3A_746 = arith.constant 0 : i32
        %dma_wait3A_747 = arith.constant 0 : i32
        %dma_wait3A_748 = tpu.memref_slice %dma_wait3A_745[%dma_wait3A_746, %dma_wait3A_747] : memref<10240x128xf32, #tpu.memory_space<hbm>> -> memref<10240x128xf32, #tpu.memory_space<hbm>>
        tpu.wait_indirect_dma semaphore(%arg11 : memref<!tpu.dma_semaphore, #tpu.memory_space<semaphore_mem>>) src(%dma_wait3A_748 : memref<10240x128xf32, #tpu.memory_space<hbm>>) dst(%dma_wait3A_738 : memref<80x128xf32, #tpu.memory_space<vmem>>)
        %dma_start3A_749 = arith.constant 2 : i32
        %dma_start3A_750 = arith.constant 1 : i32
        %dma_start3A_751 = arith.constant 0 : i32
        %dma_start3A_752 = arith.constant 0 : i32
        %dma_start3A_753 = tpu.memref_slice %arg8[%dma_start3A_749, %dma_start3A_751, %dma_start3A_752] : memref<4x80x128xf32, #tpu.memory_space<vmem>> -> memref<1x80x128xf32, #tpu.memory_space<vmem>>
        %dma_start3A_754 = tpu.memref_squeeze %dma_start3A_753 : memref<1x80x128xf32, #tpu.memory_space<vmem>> -> memref<80x128xf32, #tpu.memory_space<vmem>>
        %dma_start3A_755 = arith.constant 0 : i32
        %dma_start3A_756 = tpu.memref_slice %arg7[%dma_start3A_750, %add3A_732, %dma_start3A_755] : memref<2x16x80xi32, #tpu.memory_space<vmem>> -> memref<1x1x80xi32, #tpu.memory_space<vmem>>
        %dma_start3A_757 = tpu.memref_squeeze %dma_start3A_756 : memref<1x1x80xi32, #tpu.memory_space<vmem>> -> memref<80xi32, #tpu.memory_space<vmem>>
        %dma_start3A_758 = arith.constant 0 : i32
        %dma_start3A_759 = arith.constant 0 : i32
        %dma_start3A_760 = tpu.memref_slice %arg5[%dma_start3A_758, %dma_start3A_759] : memref<10240x128xf32, #tpu.memory_space<vmem_shared>> -> memref<10240x128xf32, #tpu.memory_space<vmem_shared>>
        tpu.enqueue_indirect_dma source(%dma_start3A_754 : memref<80x128xf32, #tpu.memory_space<vmem>>) target(%dma_start3A_760 : memref<10240x128xf32, #tpu.memory_space<vmem_shared>>) offsets(%dma_start3A_757 : memref<80xi32, #tpu.memory_space<vmem>>) semaphore(%arg15 : memref<!tpu.dma_semaphore, #tpu.memory_space<semaphore_mem>>) {add = true}
        %sub3A_761 = arith.constant 1 : i32
        %sub3A_762 = arith.subi %add3A_732, %sub3A_761 : i32
        %dma_wait3A_763 = arith.constant 1 : i32
        %dma_wait3A_764 = arith.constant 1 : i32
        %dma_wait3A_765 = arith.constant 0 : i32
        %dma_wait3A_766 = arith.constant 0 : i32
        %dma_wait3A_767 = tpu.memref_slice %arg8[%dma_wait3A_763, %dma_wait3A_765, %dma_wait3A_766] : memref<4x80x128xf32, #tpu.memory_space<vmem>> -> memref<1x80x128xf32, #tpu.memory_space<vmem>>
        %dma_wait3A_768 = tpu.memref_squeeze %dma_wait3A_767 : memref<1x80x128xf32, #tpu.memory_space<vmem>> -> memref<80x128xf32, #tpu.memory_space<vmem>>
        %dma_wait3A_769 = arith.constant 0 : i32
        %dma_wait3A_770 = tpu.memref_slice %arg7[%dma_wait3A_764, %sub3A_762, %dma_wait3A_769] : memref<2x16x80xi32, #tpu.memory_space<vmem>> -> memref<1x1x80xi32, #tpu.memory_space<vmem>>
        %dma_wait3A_771 = tpu.memref_squeeze %dma_wait3A_770 : memref<1x1x80xi32, #tpu.memory_space<vmem>> -> memref<80xi32, #tpu.memory_space<vmem>>
        %dma_wait3A_772 = arith.constant 0 : i32
        %dma_wait3A_773 = arith.constant 0 : i32
        %dma_wait3A_774 = tpu.memref_slice %arg5[%dma_wait3A_772, %dma_wait3A_773] : memref<10240x128xf32, #tpu.memory_space<vmem_shared>> -> memref<10240x128xf32, #tpu.memory_space<vmem_shared>>
        tpu.wait_indirect_dma semaphore(%arg14 : memref<!tpu.dma_semaphore, #tpu.memory_space<semaphore_mem>>) src(%dma_wait3A_768 : memref<80x128xf32, #tpu.memory_space<vmem>>) dst(%dma_wait3A_774 : memref<10240x128xf32, #tpu.memory_space<vmem_shared>>)
        %add3A_775 = arith.constant 3 : i32
        %add3A_776 = arith.addi %add3A_732, %add3A_775 : i32
        %dma_start3A_777 = arith.constant 1 : i32
        %dma_start3A_778 = arith.constant 1 : i32
        %dma_start3A_779 = arith.constant 0 : i32
        %dma_start3A_780 = arith.constant 0 : i32
        %dma_start3A_781 = tpu.memref_slice %arg8[%dma_start3A_778, %dma_start3A_779, %dma_start3A_780] : memref<4x80x128xf32, #tpu.memory_space<vmem>> -> memref<1x80x128xf32, #tpu.memory_space<vmem>>
        %dma_start3A_782 = tpu.memref_squeeze %dma_start3A_781 : memref<1x80x128xf32, #tpu.memory_space<vmem>> -> memref<80x128xf32, #tpu.memory_space<vmem>>
        %dma_start3A_783 = arith.constant 0 : i32
        %dma_start3A_784 = tpu.memref_slice %arg6[%dma_start3A_777, %add3A_776, %dma_start3A_783] : memref<2x16x80xi32, #tpu.memory_space<vmem>> -> memref<1x1x80xi32, #tpu.memory_space<vmem>>
        %dma_start3A_785 = tpu.memref_squeeze %dma_start3A_784 : memref<1x1x80xi32, #tpu.memory_space<vmem>> -> memref<80xi32, #tpu.memory_space<vmem>>
        %dma_start3A_786 = arith.constant 0 : i32
        %dma_start3A_787 = arith.constant 0 : i32
        %dma_start3A_788 = tpu.memref_slice %arg2[%arg0, %dma_start3A_786, %dma_start3A_787] : memref<2x10240x128xf32, #tpu.memory_space<hbm>> -> memref<1x10240x128xf32, #tpu.memory_space<hbm>>
        %dma_start3A_789 = tpu.memref_squeeze %dma_start3A_788 : memref<1x10240x128xf32, #tpu.memory_space<hbm>> -> memref<10240x128xf32, #tpu.memory_space<hbm>>
        %dma_start3A_790 = arith.constant 0 : i32
        %dma_start3A_791 = arith.constant 0 : i32
        %dma_start3A_792 = tpu.memref_slice %dma_start3A_789[%dma_start3A_790, %dma_start3A_791] : memref<10240x128xf32, #tpu.memory_space<hbm>> -> memref<10240x128xf32, #tpu.memory_space<hbm>>
        tpu.enqueue_indirect_dma source(%dma_start3A_792 : memref<10240x128xf32, #tpu.memory_space<hbm>>) target(%dma_start3A_782 : memref<80x128xf32, #tpu.memory_space<vmem>>) offsets(%dma_start3A_785 : memref<80xi32, #tpu.memory_space<vmem>>) semaphore(%arg10 : memref<!tpu.dma_semaphore, #tpu.memory_space<semaphore_mem>>)
        %mul3A_793 = arith.constant 4 : i32
        %mul3A_794 = arith.muli %mul3A_793, %scan3A_660 : i32
        %add3A_795 = arith.constant 1 : i32
        %add3A_796 = arith.addi %mul3A_794, %add3A_795 : i32
        %add3A_797 = arith.constant 2 : i32
        %add3A_798 = arith.addi %add3A_796, %add3A_797 : i32
        %dma_wait3A_799 = arith.constant 1 : i32
        %dma_wait3A_800 = arith.constant 3 : i32
        %dma_wait3A_801 = arith.constant 0 : i32
        %dma_wait3A_802 = arith.constant 0 : i32
        %dma_wait3A_803 = tpu.memref_slice %arg8[%dma_wait3A_800, %dma_wait3A_801, %dma_wait3A_802] : memref<4x80x128xf32, #tpu.memory_space<vmem>> -> memref<1x80x128xf32, #tpu.memory_space<vmem>>
        %dma_wait3A_804 = tpu.memref_squeeze %dma_wait3A_803 : memref<1x80x128xf32, #tpu.memory_space<vmem>> -> memref<80x128xf32, #tpu.memory_space<vmem>>
        %dma_wait3A_805 = arith.constant 0 : i32
        %dma_wait3A_806 = tpu.memref_slice %arg6[%dma_wait3A_799, %add3A_798, %dma_wait3A_805] : memref<2x16x80xi32, #tpu.memory_space<vmem>> -> memref<1x1x80xi32, #tpu.memory_space<vmem>>
        %dma_wait3A_807 = tpu.memref_squeeze %dma_wait3A_806 : memref<1x1x80xi32, #tpu.memory_space<vmem>> -> memref<80xi32, #tpu.memory_space<vmem>>
        %dma_wait3A_808 = arith.constant 0 : i32
        %dma_wait3A_809 = arith.constant 0 : i32
        %dma_wait3A_810 = tpu.memref_slice %arg2[%arg0, %dma_wait3A_808, %dma_wait3A_809] : memref<2x10240x128xf32, #tpu.memory_space<hbm>> -> memref<1x10240x128xf32, #tpu.memory_space<hbm>>
        %dma_wait3A_811 = tpu.memref_squeeze %dma_wait3A_810 : memref<1x10240x128xf32, #tpu.memory_space<hbm>> -> memref<10240x128xf32, #tpu.memory_space<hbm>>
        %dma_wait3A_812 = arith.constant 0 : i32
        %dma_wait3A_813 = arith.constant 0 : i32
        %dma_wait3A_814 = tpu.memref_slice %dma_wait3A_811[%dma_wait3A_812, %dma_wait3A_813] : memref<10240x128xf32, #tpu.memory_space<hbm>> -> memref<10240x128xf32, #tpu.memory_space<hbm>>
        tpu.wait_indirect_dma semaphore(%arg12 : memref<!tpu.dma_semaphore, #tpu.memory_space<semaphore_mem>>) src(%dma_wait3A_814 : memref<10240x128xf32, #tpu.memory_space<hbm>>) dst(%dma_wait3A_804 : memref<80x128xf32, #tpu.memory_space<vmem>>)
        %dma_start3A_815 = arith.constant 3 : i32
        %dma_start3A_816 = arith.constant 1 : i32
        %dma_start3A_817 = arith.constant 0 : i32
        %dma_start3A_818 = arith.constant 0 : i32
        %dma_start3A_819 = tpu.memref_slice %arg8[%dma_start3A_815, %dma_start3A_817, %dma_start3A_818] : memref<4x80x128xf32, #tpu.memory_space<vmem>> -> memref<1x80x128xf32, #tpu.memory_space<vmem>>
        %dma_start3A_820 = tpu.memref_squeeze %dma_start3A_819 : memref<1x80x128xf32, #tpu.memory_space<vmem>> -> memref<80x128xf32, #tpu.memory_space<vmem>>
        %dma_start3A_821 = arith.constant 0 : i32
        %dma_start3A_822 = tpu.memref_slice %arg7[%dma_start3A_816, %add3A_798, %dma_start3A_821] : memref<2x16x80xi32, #tpu.memory_space<vmem>> -> memref<1x1x80xi32, #tpu.memory_space<vmem>>
        %dma_start3A_823 = tpu.memref_squeeze %dma_start3A_822 : memref<1x1x80xi32, #tpu.memory_space<vmem>> -> memref<80xi32, #tpu.memory_space<vmem>>
        %dma_start3A_824 = arith.constant 0 : i32
        %dma_start3A_825 = arith.constant 0 : i32
        %dma_start3A_826 = tpu.memref_slice %arg5[%dma_start3A_824, %dma_start3A_825] : memref<10240x128xf32, #tpu.memory_space<vmem_shared>> -> memref<10240x128xf32, #tpu.memory_space<vmem_shared>>
        tpu.enqueue_indirect_dma source(%dma_start3A_820 : memref<80x128xf32, #tpu.memory_space<vmem>>) target(%dma_start3A_826 : memref<10240x128xf32, #tpu.memory_space<vmem_shared>>) offsets(%dma_start3A_823 : memref<80xi32, #tpu.memory_space<vmem>>) semaphore(%arg16 : memref<!tpu.dma_semaphore, #tpu.memory_space<semaphore_mem>>) {add = true}
        %sub3A_827 = arith.constant 1 : i32
        %sub3A_828 = arith.subi %add3A_798, %sub3A_827 : i32
        %dma_wait3A_829 = arith.constant 2 : i32
        %dma_wait3A_830 = arith.constant 1 : i32
        %dma_wait3A_831 = arith.constant 0 : i32
        %dma_wait3A_832 = arith.constant 0 : i32
        %dma_wait3A_833 = tpu.memref_slice %arg8[%dma_wait3A_829, %dma_wait3A_831, %dma_wait3A_832] : memref<4x80x128xf32, #tpu.memory_space<vmem>> -> memref<1x80x128xf32, #tpu.memory_space<vmem>>
        %dma_wait3A_834 = tpu.memref_squeeze %dma_wait3A_833 : memref<1x80x128xf32, #tpu.memory_space<vmem>> -> memref<80x128xf32, #tpu.memory_space<vmem>>
        %dma_wait3A_835 = arith.constant 0 : i32
        %dma_wait3A_836 = tpu.memref_slice %arg7[%dma_wait3A_830, %sub3A_828, %dma_wait3A_835] : memref<2x16x80xi32, #tpu.memory_space<vmem>> -> memref<1x1x80xi32, #tpu.memory_space<vmem>>
        %dma_wait3A_837 = tpu.memref_squeeze %dma_wait3A_836 : memref<1x1x80xi32, #tpu.memory_space<vmem>> -> memref<80xi32, #tpu.memory_space<vmem>>
        %dma_wait3A_838 = arith.constant 0 : i32
        %dma_wait3A_839 = arith.constant 0 : i32
        %dma_wait3A_840 = tpu.memref_slice %arg5[%dma_wait3A_838, %dma_wait3A_839] : memref<10240x128xf32, #tpu.memory_space<vmem_shared>> -> memref<10240x128xf32, #tpu.memory_space<vmem_shared>>
        tpu.wait_indirect_dma semaphore(%arg15 : memref<!tpu.dma_semaphore, #tpu.memory_space<semaphore_mem>>) src(%dma_wait3A_834 : memref<80x128xf32, #tpu.memory_space<vmem>>) dst(%dma_wait3A_840 : memref<10240x128xf32, #tpu.memory_space<vmem_shared>>)
        %add3A_841 = arith.constant 3 : i32
        %add3A_842 = arith.addi %add3A_798, %add3A_841 : i32
        %dma_start3A_843 = arith.constant 1 : i32
        %dma_start3A_844 = arith.constant 2 : i32
        %dma_start3A_845 = arith.constant 0 : i32
        %dma_start3A_846 = arith.constant 0 : i32
        %dma_start3A_847 = tpu.memref_slice %arg8[%dma_start3A_844, %dma_start3A_845, %dma_start3A_846] : memref<4x80x128xf32, #tpu.memory_space<vmem>> -> memref<1x80x128xf32, #tpu.memory_space<vmem>>
        %dma_start3A_848 = tpu.memref_squeeze %dma_start3A_847 : memref<1x80x128xf32, #tpu.memory_space<vmem>> -> memref<80x128xf32, #tpu.memory_space<vmem>>
        %dma_start3A_849 = arith.constant 0 : i32
        %dma_start3A_850 = tpu.memref_slice %arg6[%dma_start3A_843, %add3A_842, %dma_start3A_849] : memref<2x16x80xi32, #tpu.memory_space<vmem>> -> memref<1x1x80xi32, #tpu.memory_space<vmem>>
        %dma_start3A_851 = tpu.memref_squeeze %dma_start3A_850 : memref<1x1x80xi32, #tpu.memory_space<vmem>> -> memref<80xi32, #tpu.memory_space<vmem>>
        %dma_start3A_852 = arith.constant 0 : i32
        %dma_start3A_853 = arith.constant 0 : i32
        %dma_start3A_854 = tpu.memref_slice %arg2[%arg0, %dma_start3A_852, %dma_start3A_853] : memref<2x10240x128xf32, #tpu.memory_space<hbm>> -> memref<1x10240x128xf32, #tpu.memory_space<hbm>>
        %dma_start3A_855 = tpu.memref_squeeze %dma_start3A_854 : memref<1x10240x128xf32, #tpu.memory_space<hbm>> -> memref<10240x128xf32, #tpu.memory_space<hbm>>
        %dma_start3A_856 = arith.constant 0 : i32
        %dma_start3A_857 = arith.constant 0 : i32
        %dma_start3A_858 = tpu.memref_slice %dma_start3A_855[%dma_start3A_856, %dma_start3A_857] : memref<10240x128xf32, #tpu.memory_space<hbm>> -> memref<10240x128xf32, #tpu.memory_space<hbm>>
        tpu.enqueue_indirect_dma source(%dma_start3A_858 : memref<10240x128xf32, #tpu.memory_space<hbm>>) target(%dma_start3A_848 : memref<80x128xf32, #tpu.memory_space<vmem>>) offsets(%dma_start3A_851 : memref<80xi32, #tpu.memory_space<vmem>>) semaphore(%arg11 : memref<!tpu.dma_semaphore, #tpu.memory_space<semaphore_mem>>)
        %mul3A_859 = arith.constant 4 : i32
        %mul3A_860 = arith.muli %mul3A_859, %scan3A_660 : i32
        %add3A_861 = arith.constant 1 : i32
        %add3A_862 = arith.addi %mul3A_860, %add3A_861 : i32
        %add3A_863 = arith.constant 3 : i32
        %add3A_864 = arith.addi %add3A_862, %add3A_863 : i32
        %dma_wait3A_865 = arith.constant 1 : i32
        %dma_wait3A_866 = arith.constant 0 : i32
        %dma_wait3A_867 = arith.constant 0 : i32
        %dma_wait3A_868 = arith.constant 0 : i32
        %dma_wait3A_869 = tpu.memref_slice %arg8[%dma_wait3A_866, %dma_wait3A_867, %dma_wait3A_868] : memref<4x80x128xf32, #tpu.memory_space<vmem>> -> memref<1x80x128xf32, #tpu.memory_space<vmem>>
        %dma_wait3A_870 = tpu.memref_squeeze %dma_wait3A_869 : memref<1x80x128xf32, #tpu.memory_space<vmem>> -> memref<80x128xf32, #tpu.memory_space<vmem>>
        %dma_wait3A_871 = arith.constant 0 : i32
        %dma_wait3A_872 = tpu.memref_slice %arg6[%dma_wait3A_865, %add3A_864, %dma_wait3A_871] : memref<2x16x80xi32, #tpu.memory_space<vmem>> -> memref<1x1x80xi32, #tpu.memory_space<vmem>>
        %dma_wait3A_873 = tpu.memref_squeeze %dma_wait3A_872 : memref<1x1x80xi32, #tpu.memory_space<vmem>> -> memref<80xi32, #tpu.memory_space<vmem>>
        %dma_wait3A_874 = arith.constant 0 : i32
        %dma_wait3A_875 = arith.constant 0 : i32
        %dma_wait3A_876 = tpu.memref_slice %arg2[%arg0, %dma_wait3A_874, %dma_wait3A_875] : memref<2x10240x128xf32, #tpu.memory_space<hbm>> -> memref<1x10240x128xf32, #tpu.memory_space<hbm>>
        %dma_wait3A_877 = tpu.memref_squeeze %dma_wait3A_876 : memref<1x10240x128xf32, #tpu.memory_space<hbm>> -> memref<10240x128xf32, #tpu.memory_space<hbm>>
        %dma_wait3A_878 = arith.constant 0 : i32
        %dma_wait3A_879 = arith.constant 0 : i32
        %dma_wait3A_880 = tpu.memref_slice %dma_wait3A_877[%dma_wait3A_878, %dma_wait3A_879] : memref<10240x128xf32, #tpu.memory_space<hbm>> -> memref<10240x128xf32, #tpu.memory_space<hbm>>
        tpu.wait_indirect_dma semaphore(%arg9 : memref<!tpu.dma_semaphore, #tpu.memory_space<semaphore_mem>>) src(%dma_wait3A_880 : memref<10240x128xf32, #tpu.memory_space<hbm>>) dst(%dma_wait3A_870 : memref<80x128xf32, #tpu.memory_space<vmem>>)
        %dma_start3A_881 = arith.constant 0 : i32
        %dma_start3A_882 = arith.constant 1 : i32
        %dma_start3A_883 = arith.constant 0 : i32
        %dma_start3A_884 = arith.constant 0 : i32
        %dma_start3A_885 = tpu.memref_slice %arg8[%dma_start3A_881, %dma_start3A_883, %dma_start3A_884] : memref<4x80x128xf32, #tpu.memory_space<vmem>> -> memref<1x80x128xf32, #tpu.memory_space<vmem>>
        %dma_start3A_886 = tpu.memref_squeeze %dma_start3A_885 : memref<1x80x128xf32, #tpu.memory_space<vmem>> -> memref<80x128xf32, #tpu.memory_space<vmem>>
        %dma_start3A_887 = arith.constant 0 : i32
        %dma_start3A_888 = tpu.memref_slice %arg7[%dma_start3A_882, %add3A_864, %dma_start3A_887] : memref<2x16x80xi32, #tpu.memory_space<vmem>> -> memref<1x1x80xi32, #tpu.memory_space<vmem>>
        %dma_start3A_889 = tpu.memref_squeeze %dma_start3A_888 : memref<1x1x80xi32, #tpu.memory_space<vmem>> -> memref<80xi32, #tpu.memory_space<vmem>>
        %dma_start3A_890 = arith.constant 0 : i32
        %dma_start3A_891 = arith.constant 0 : i32
        %dma_start3A_892 = tpu.memref_slice %arg5[%dma_start3A_890, %dma_start3A_891] : memref<10240x128xf32, #tpu.memory_space<vmem_shared>> -> memref<10240x128xf32, #tpu.memory_space<vmem_shared>>
        tpu.enqueue_indirect_dma source(%dma_start3A_886 : memref<80x128xf32, #tpu.memory_space<vmem>>) target(%dma_start3A_892 : memref<10240x128xf32, #tpu.memory_space<vmem_shared>>) offsets(%dma_start3A_889 : memref<80xi32, #tpu.memory_space<vmem>>) semaphore(%arg13 : memref<!tpu.dma_semaphore, #tpu.memory_space<semaphore_mem>>) {add = true}
        %sub3A_893 = arith.constant 1 : i32
        %sub3A_894 = arith.subi %add3A_864, %sub3A_893 : i32
        %dma_wait3A_895 = arith.constant 3 : i32
        %dma_wait3A_896 = arith.constant 1 : i32
        %dma_wait3A_897 = arith.constant 0 : i32
        %dma_wait3A_898 = arith.constant 0 : i32
        %dma_wait3A_899 = tpu.memref_slice %arg8[%dma_wait3A_895, %dma_wait3A_897, %dma_wait3A_898] : memref<4x80x128xf32, #tpu.memory_space<vmem>> -> memref<1x80x128xf32, #tpu.memory_space<vmem>>
        %dma_wait3A_900 = tpu.memref_squeeze %dma_wait3A_899 : memref<1x80x128xf32, #tpu.memory_space<vmem>> -> memref<80x128xf32, #tpu.memory_space<vmem>>
        %dma_wait3A_901 = arith.constant 0 : i32
        %dma_wait3A_902 = tpu.memref_slice %arg7[%dma_wait3A_896, %sub3A_894, %dma_wait3A_901] : memref<2x16x80xi32, #tpu.memory_space<vmem>> -> memref<1x1x80xi32, #tpu.memory_space<vmem>>
        %dma_wait3A_903 = tpu.memref_squeeze %dma_wait3A_902 : memref<1x1x80xi32, #tpu.memory_space<vmem>> -> memref<80xi32, #tpu.memory_space<vmem>>
        %dma_wait3A_904 = arith.constant 0 : i32
        %dma_wait3A_905 = arith.constant 0 : i32
        %dma_wait3A_906 = tpu.memref_slice %arg5[%dma_wait3A_904, %dma_wait3A_905] : memref<10240x128xf32, #tpu.memory_space<vmem_shared>> -> memref<10240x128xf32, #tpu.memory_space<vmem_shared>>
        tpu.wait_indirect_dma semaphore(%arg16 : memref<!tpu.dma_semaphore, #tpu.memory_space<semaphore_mem>>) src(%dma_wait3A_900 : memref<80x128xf32, #tpu.memory_space<vmem>>) dst(%dma_wait3A_906 : memref<10240x128xf32, #tpu.memory_space<vmem_shared>>)
        %add3A_907 = arith.constant 3 : i32
        %add3A_908 = arith.addi %add3A_864, %add3A_907 : i32
        %dma_start3A_909 = arith.constant 1 : i32
        %dma_start3A_910 = arith.constant 3 : i32
        %dma_start3A_911 = arith.constant 0 : i32
        %dma_start3A_912 = arith.constant 0 : i32
        %dma_start3A_913 = tpu.memref_slice %arg8[%dma_start3A_910, %dma_start3A_911, %dma_start3A_912] : memref<4x80x128xf32, #tpu.memory_space<vmem>> -> memref<1x80x128xf32, #tpu.memory_space<vmem>>
        %dma_start3A_914 = tpu.memref_squeeze %dma_start3A_913 : memref<1x80x128xf32, #tpu.memory_space<vmem>> -> memref<80x128xf32, #tpu.memory_space<vmem>>
        %dma_start3A_915 = arith.constant 0 : i32
        %dma_start3A_916 = tpu.memref_slice %arg6[%dma_start3A_909, %add3A_908, %dma_start3A_915] : memref<2x16x80xi32, #tpu.memory_space<vmem>> -> memref<1x1x80xi32, #tpu.memory_space<vmem>>
        %dma_start3A_917 = tpu.memref_squeeze %dma_start3A_916 : memref<1x1x80xi32, #tpu.memory_space<vmem>> -> memref<80xi32, #tpu.memory_space<vmem>>
        %dma_start3A_918 = arith.constant 0 : i32
        %dma_start3A_919 = arith.constant 0 : i32
        %dma_start3A_920 = tpu.memref_slice %arg2[%arg0, %dma_start3A_918, %dma_start3A_919] : memref<2x10240x128xf32, #tpu.memory_space<hbm>> -> memref<1x10240x128xf32, #tpu.memory_space<hbm>>
        %dma_start3A_921 = tpu.memref_squeeze %dma_start3A_920 : memref<1x10240x128xf32, #tpu.memory_space<hbm>> -> memref<10240x128xf32, #tpu.memory_space<hbm>>
        %dma_start3A_922 = arith.constant 0 : i32
        %dma_start3A_923 = arith.constant 0 : i32
        %dma_start3A_924 = tpu.memref_slice %dma_start3A_921[%dma_start3A_922, %dma_start3A_923] : memref<10240x128xf32, #tpu.memory_space<hbm>> -> memref<10240x128xf32, #tpu.memory_space<hbm>>
        tpu.enqueue_indirect_dma source(%dma_start3A_924 : memref<10240x128xf32, #tpu.memory_space<hbm>>) target(%dma_start3A_914 : memref<80x128xf32, #tpu.memory_space<vmem>>) offsets(%dma_start3A_917 : memref<80xi32, #tpu.memory_space<vmem>>) semaphore(%arg12 : memref<!tpu.dma_semaphore, #tpu.memory_space<semaphore_mem>>)
      }
      %scan3A_510 = arith.constant 3 : i32
      %dma_wait3A_511 = arith.constant 1 : i32
      %dma_wait3A_512 = arith.constant 13 : i32
      %dma_wait3A_513 = arith.constant 1 : i32
      %dma_wait3A_514 = arith.constant 0 : i32
      %dma_wait3A_515 = arith.constant 0 : i32
      %dma_wait3A_516 = tpu.memref_slice %arg8[%dma_wait3A_513, %dma_wait3A_514, %dma_wait3A_515] : memref<4x80x128xf32, #tpu.memory_space<vmem>> -> memref<1x80x128xf32, #tpu.memory_space<vmem>>
      %dma_wait3A_517 = tpu.memref_squeeze %dma_wait3A_516 : memref<1x80x128xf32, #tpu.memory_space<vmem>> -> memref<80x128xf32, #tpu.memory_space<vmem>>
      %dma_wait3A_518 = arith.constant 0 : i32
      %dma_wait3A_519 = tpu.memref_slice %arg6[%dma_wait3A_511, %dma_wait3A_512, %dma_wait3A_518] : memref<2x16x80xi32, #tpu.memory_space<vmem>> -> memref<1x1x80xi32, #tpu.memory_space<vmem>>
      %dma_wait3A_520 = tpu.memref_squeeze %dma_wait3A_519 : memref<1x1x80xi32, #tpu.memory_space<vmem>> -> memref<80xi32, #tpu.memory_space<vmem>>
      %dma_wait3A_521 = arith.constant 0 : i32
      %dma_wait3A_522 = arith.constant 0 : i32
      %dma_wait3A_523 = tpu.memref_slice %arg2[%arg0, %dma_wait3A_521, %dma_wait3A_522] : memref<2x10240x128xf32, #tpu.memory_space<hbm>> -> memref<1x10240x128xf32, #tpu.memory_space<hbm>>
      %dma_wait3A_524 = tpu.memref_squeeze %dma_wait3A_523 : memref<1x10240x128xf32, #tpu.memory_space<hbm>> -> memref<10240x128xf32, #tpu.memory_space<hbm>>
      %dma_wait3A_525 = arith.constant 0 : i32
      %dma_wait3A_526 = arith.constant 0 : i32
      %dma_wait3A_527 = tpu.memref_slice %dma_wait3A_524[%dma_wait3A_525, %dma_wait3A_526] : memref<10240x128xf32, #tpu.memory_space<hbm>> -> memref<10240x128xf32, #tpu.memory_space<hbm>>
      tpu.wait_indirect_dma semaphore(%arg10 : memref<!tpu.dma_semaphore, #tpu.memory_space<semaphore_mem>>) src(%dma_wait3A_527 : memref<10240x128xf32, #tpu.memory_space<hbm>>) dst(%dma_wait3A_517 : memref<80x128xf32, #tpu.memory_space<vmem>>)
      %dma_start3A_528 = arith.constant 1 : i32
      %dma_start3A_529 = arith.constant 1 : i32
      %dma_start3A_530 = arith.constant 13 : i32
      %dma_start3A_531 = arith.constant 0 : i32
      %dma_start3A_532 = arith.constant 0 : i32
      %dma_start3A_533 = tpu.memref_slice %arg8[%dma_start3A_528, %dma_start3A_531, %dma_start3A_532] : memref<4x80x128xf32, #tpu.memory_space<vmem>> -> memref<1x80x128xf32, #tpu.memory_space<vmem>>
      %dma_start3A_534 = tpu.memref_squeeze %dma_start3A_533 : memref<1x80x128xf32, #tpu.memory_space<vmem>> -> memref<80x128xf32, #tpu.memory_space<vmem>>
      %dma_start3A_535 = arith.constant 0 : i32
      %dma_start3A_536 = tpu.memref_slice %arg7[%dma_start3A_529, %dma_start3A_530, %dma_start3A_535] : memref<2x16x80xi32, #tpu.memory_space<vmem>> -> memref<1x1x80xi32, #tpu.memory_space<vmem>>
      %dma_start3A_537 = tpu.memref_squeeze %dma_start3A_536 : memref<1x1x80xi32, #tpu.memory_space<vmem>> -> memref<80xi32, #tpu.memory_space<vmem>>
      %dma_start3A_538 = arith.constant 0 : i32
      %dma_start3A_539 = arith.constant 0 : i32
      %dma_start3A_540 = tpu.memref_slice %arg5[%dma_start3A_538, %dma_start3A_539] : memref<10240x128xf32, #tpu.memory_space<vmem_shared>> -> memref<10240x128xf32, #tpu.memory_space<vmem_shared>>
      tpu.enqueue_indirect_dma source(%dma_start3A_534 : memref<80x128xf32, #tpu.memory_space<vmem>>) target(%dma_start3A_540 : memref<10240x128xf32, #tpu.memory_space<vmem_shared>>) offsets(%dma_start3A_537 : memref<80xi32, #tpu.memory_space<vmem>>) semaphore(%arg14 : memref<!tpu.dma_semaphore, #tpu.memory_space<semaphore_mem>>) {add = true}
      %dma_wait3A_541 = arith.constant 0 : i32
      %dma_wait3A_542 = arith.constant 1 : i32
      %dma_wait3A_543 = arith.constant 12 : i32
      %dma_wait3A_544 = arith.constant 0 : i32
      %dma_wait3A_545 = arith.constant 0 : i32
      %dma_wait3A_546 = tpu.memref_slice %arg8[%dma_wait3A_541, %dma_wait3A_544, %dma_wait3A_545] : memref<4x80x128xf32, #tpu.memory_space<vmem>> -> memref<1x80x128xf32, #tpu.memory_space<vmem>>
      %dma_wait3A_547 = tpu.memref_squeeze %dma_wait3A_546 : memref<1x80x128xf32, #tpu.memory_space<vmem>> -> memref<80x128xf32, #tpu.memory_space<vmem>>
      %dma_wait3A_548 = arith.constant 0 : i32
      %dma_wait3A_549 = tpu.memref_slice %arg7[%dma_wait3A_542, %dma_wait3A_543, %dma_wait3A_548] : memref<2x16x80xi32, #tpu.memory_space<vmem>> -> memref<1x1x80xi32, #tpu.memory_space<vmem>>
      %dma_wait3A_550 = tpu.memref_squeeze %dma_wait3A_549 : memref<1x1x80xi32, #tpu.memory_space<vmem>> -> memref<80xi32, #tpu.memory_space<vmem>>
      %dma_wait3A_551 = arith.constant 0 : i32
      %dma_wait3A_552 = arith.constant 0 : i32
      %dma_wait3A_553 = tpu.memref_slice %arg5[%dma_wait3A_551, %dma_wait3A_552] : memref<10240x128xf32, #tpu.memory_space<vmem_shared>> -> memref<10240x128xf32, #tpu.memory_space<vmem_shared>>
      tpu.wait_indirect_dma semaphore(%arg13 : memref<!tpu.dma_semaphore, #tpu.memory_space<semaphore_mem>>) src(%dma_wait3A_547 : memref<80x128xf32, #tpu.memory_space<vmem>>) dst(%dma_wait3A_553 : memref<10240x128xf32, #tpu.memory_space<vmem_shared>>)
      %dma_wait3A_554 = arith.constant 1 : i32
      %dma_wait3A_555 = arith.constant 14 : i32
      %dma_wait3A_556 = arith.constant 2 : i32
      %dma_wait3A_557 = arith.constant 0 : i32
      %dma_wait3A_558 = arith.constant 0 : i32
      %dma_wait3A_559 = tpu.memref_slice %arg8[%dma_wait3A_556, %dma_wait3A_557, %dma_wait3A_558] : memref<4x80x128xf32, #tpu.memory_space<vmem>> -> memref<1x80x128xf32, #tpu.memory_space<vmem>>
      %dma_wait3A_560 = tpu.memref_squeeze %dma_wait3A_559 : memref<1x80x128xf32, #tpu.memory_space<vmem>> -> memref<80x128xf32, #tpu.memory_space<vmem>>
      %dma_wait3A_561 = arith.constant 0 : i32
      %dma_wait3A_562 = tpu.memref_slice %arg6[%dma_wait3A_554, %dma_wait3A_555, %dma_wait3A_561] : memref<2x16x80xi32, #tpu.memory_space<vmem>> -> memref<1x1x80xi32, #tpu.memory_space<vmem>>
      %dma_wait3A_563 = tpu.memref_squeeze %dma_wait3A_562 : memref<1x1x80xi32, #tpu.memory_space<vmem>> -> memref<80xi32, #tpu.memory_space<vmem>>
      %dma_wait3A_564 = arith.constant 0 : i32
      %dma_wait3A_565 = arith.constant 0 : i32
      %dma_wait3A_566 = tpu.memref_slice %arg2[%arg0, %dma_wait3A_564, %dma_wait3A_565] : memref<2x10240x128xf32, #tpu.memory_space<hbm>> -> memref<1x10240x128xf32, #tpu.memory_space<hbm>>
      %dma_wait3A_567 = tpu.memref_squeeze %dma_wait3A_566 : memref<1x10240x128xf32, #tpu.memory_space<hbm>> -> memref<10240x128xf32, #tpu.memory_space<hbm>>
      %dma_wait3A_568 = arith.constant 0 : i32
      %dma_wait3A_569 = arith.constant 0 : i32
      %dma_wait3A_570 = tpu.memref_slice %dma_wait3A_567[%dma_wait3A_568, %dma_wait3A_569] : memref<10240x128xf32, #tpu.memory_space<hbm>> -> memref<10240x128xf32, #tpu.memory_space<hbm>>
      tpu.wait_indirect_dma semaphore(%arg11 : memref<!tpu.dma_semaphore, #tpu.memory_space<semaphore_mem>>) src(%dma_wait3A_570 : memref<10240x128xf32, #tpu.memory_space<hbm>>) dst(%dma_wait3A_560 : memref<80x128xf32, #tpu.memory_space<vmem>>)
      %dma_start3A_571 = arith.constant 2 : i32
      %dma_start3A_572 = arith.constant 1 : i32
      %dma_start3A_573 = arith.constant 14 : i32
      %dma_start3A_574 = arith.constant 0 : i32
      %dma_start3A_575 = arith.constant 0 : i32
      %dma_start3A_576 = tpu.memref_slice %arg8[%dma_start3A_571, %dma_start3A_574, %dma_start3A_575] : memref<4x80x128xf32, #tpu.memory_space<vmem>> -> memref<1x80x128xf32, #tpu.memory_space<vmem>>
      %dma_start3A_577 = tpu.memref_squeeze %dma_start3A_576 : memref<1x80x128xf32, #tpu.memory_space<vmem>> -> memref<80x128xf32, #tpu.memory_space<vmem>>
      %dma_start3A_578 = arith.constant 0 : i32
      %dma_start3A_579 = tpu.memref_slice %arg7[%dma_start3A_572, %dma_start3A_573, %dma_start3A_578] : memref<2x16x80xi32, #tpu.memory_space<vmem>> -> memref<1x1x80xi32, #tpu.memory_space<vmem>>
      %dma_start3A_580 = tpu.memref_squeeze %dma_start3A_579 : memref<1x1x80xi32, #tpu.memory_space<vmem>> -> memref<80xi32, #tpu.memory_space<vmem>>
      %dma_start3A_581 = arith.constant 0 : i32
      %dma_start3A_582 = arith.constant 0 : i32
      %dma_start3A_583 = tpu.memref_slice %arg5[%dma_start3A_581, %dma_start3A_582] : memref<10240x128xf32, #tpu.memory_space<vmem_shared>> -> memref<10240x128xf32, #tpu.memory_space<vmem_shared>>
      tpu.enqueue_indirect_dma source(%dma_start3A_577 : memref<80x128xf32, #tpu.memory_space<vmem>>) target(%dma_start3A_583 : memref<10240x128xf32, #tpu.memory_space<vmem_shared>>) offsets(%dma_start3A_580 : memref<80xi32, #tpu.memory_space<vmem>>) semaphore(%arg15 : memref<!tpu.dma_semaphore, #tpu.memory_space<semaphore_mem>>) {add = true}
      %dma_wait3A_584 = arith.constant 1 : i32
      %dma_wait3A_585 = arith.constant 1 : i32
      %dma_wait3A_586 = arith.constant 13 : i32
      %dma_wait3A_587 = arith.constant 0 : i32
      %dma_wait3A_588 = arith.constant 0 : i32
      %dma_wait3A_589 = tpu.memref_slice %arg8[%dma_wait3A_584, %dma_wait3A_587, %dma_wait3A_588] : memref<4x80x128xf32, #tpu.memory_space<vmem>> -> memref<1x80x128xf32, #tpu.memory_space<vmem>>
      %dma_wait3A_590 = tpu.memref_squeeze %dma_wait3A_589 : memref<1x80x128xf32, #tpu.memory_space<vmem>> -> memref<80x128xf32, #tpu.memory_space<vmem>>
      %dma_wait3A_591 = arith.constant 0 : i32
      %dma_wait3A_592 = tpu.memref_slice %arg7[%dma_wait3A_585, %dma_wait3A_586, %dma_wait3A_591] : memref<2x16x80xi32, #tpu.memory_space<vmem>> -> memref<1x1x80xi32, #tpu.memory_space<vmem>>
      %dma_wait3A_593 = tpu.memref_squeeze %dma_wait3A_592 : memref<1x1x80xi32, #tpu.memory_space<vmem>> -> memref<80xi32, #tpu.memory_space<vmem>>
      %dma_wait3A_594 = arith.constant 0 : i32
      %dma_wait3A_595 = arith.constant 0 : i32
      %dma_wait3A_596 = tpu.memref_slice %arg5[%dma_wait3A_594, %dma_wait3A_595] : memref<10240x128xf32, #tpu.memory_space<vmem_shared>> -> memref<10240x128xf32, #tpu.memory_space<vmem_shared>>
      tpu.wait_indirect_dma semaphore(%arg14 : memref<!tpu.dma_semaphore, #tpu.memory_space<semaphore_mem>>) src(%dma_wait3A_590 : memref<80x128xf32, #tpu.memory_space<vmem>>) dst(%dma_wait3A_596 : memref<10240x128xf32, #tpu.memory_space<vmem_shared>>)
      %dma_wait3A_597 = arith.constant 1 : i32
      %dma_wait3A_598 = arith.constant 15 : i32
      %dma_wait3A_599 = arith.constant 3 : i32
      %dma_wait3A_600 = arith.constant 0 : i32
      %dma_wait3A_601 = arith.constant 0 : i32
      %dma_wait3A_602 = tpu.memref_slice %arg8[%dma_wait3A_599, %dma_wait3A_600, %dma_wait3A_601] : memref<4x80x128xf32, #tpu.memory_space<vmem>> -> memref<1x80x128xf32, #tpu.memory_space<vmem>>
      %dma_wait3A_603 = tpu.memref_squeeze %dma_wait3A_602 : memref<1x80x128xf32, #tpu.memory_space<vmem>> -> memref<80x128xf32, #tpu.memory_space<vmem>>
      %dma_wait3A_604 = arith.constant 0 : i32
      %dma_wait3A_605 = tpu.memref_slice %arg6[%dma_wait3A_597, %dma_wait3A_598, %dma_wait3A_604] : memref<2x16x80xi32, #tpu.memory_space<vmem>> -> memref<1x1x80xi32, #tpu.memory_space<vmem>>
      %dma_wait3A_606 = tpu.memref_squeeze %dma_wait3A_605 : memref<1x1x80xi32, #tpu.memory_space<vmem>> -> memref<80xi32, #tpu.memory_space<vmem>>
      %dma_wait3A_607 = arith.constant 0 : i32
      %dma_wait3A_608 = arith.constant 0 : i32
      %dma_wait3A_609 = tpu.memref_slice %arg2[%arg0, %dma_wait3A_607, %dma_wait3A_608] : memref<2x10240x128xf32, #tpu.memory_space<hbm>> -> memref<1x10240x128xf32, #tpu.memory_space<hbm>>
      %dma_wait3A_610 = tpu.memref_squeeze %dma_wait3A_609 : memref<1x10240x128xf32, #tpu.memory_space<hbm>> -> memref<10240x128xf32, #tpu.memory_space<hbm>>
      %dma_wait3A_611 = arith.constant 0 : i32
      %dma_wait3A_612 = arith.constant 0 : i32
      %dma_wait3A_613 = tpu.memref_slice %dma_wait3A_610[%dma_wait3A_611, %dma_wait3A_612] : memref<10240x128xf32, #tpu.memory_space<hbm>> -> memref<10240x128xf32, #tpu.memory_space<hbm>>
      tpu.wait_indirect_dma semaphore(%arg12 : memref<!tpu.dma_semaphore, #tpu.memory_space<semaphore_mem>>) src(%dma_wait3A_613 : memref<10240x128xf32, #tpu.memory_space<hbm>>) dst(%dma_wait3A_603 : memref<80x128xf32, #tpu.memory_space<vmem>>)
      %dma_start3A_614 = arith.constant 3 : i32
      %dma_start3A_615 = arith.constant 1 : i32
      %dma_start3A_616 = arith.constant 15 : i32
      %dma_start3A_617 = arith.constant 0 : i32
      %dma_start3A_618 = arith.constant 0 : i32
      %dma_start3A_619 = tpu.memref_slice %arg8[%dma_start3A_614, %dma_start3A_617, %dma_start3A_618] : memref<4x80x128xf32, #tpu.memory_space<vmem>> -> memref<1x80x128xf32, #tpu.memory_space<vmem>>
      %dma_start3A_620 = tpu.memref_squeeze %dma_start3A_619 : memref<1x80x128xf32, #tpu.memory_space<vmem>> -> memref<80x128xf32, #tpu.memory_space<vmem>>
      %dma_start3A_621 = arith.constant 0 : i32
      %dma_start3A_622 = tpu.memref_slice %arg7[%dma_start3A_615, %dma_start3A_616, %dma_start3A_621] : memref<2x16x80xi32, #tpu.memory_space<vmem>> -> memref<1x1x80xi32, #tpu.memory_space<vmem>>
      %dma_start3A_623 = tpu.memref_squeeze %dma_start3A_622 : memref<1x1x80xi32, #tpu.memory_space<vmem>> -> memref<80xi32, #tpu.memory_space<vmem>>
      %dma_start3A_624 = arith.constant 0 : i32
      %dma_start3A_625 = arith.constant 0 : i32
      %dma_start3A_626 = tpu.memref_slice %arg5[%dma_start3A_624, %dma_start3A_625] : memref<10240x128xf32, #tpu.memory_space<vmem_shared>> -> memref<10240x128xf32, #tpu.memory_space<vmem_shared>>
      tpu.enqueue_indirect_dma source(%dma_start3A_620 : memref<80x128xf32, #tpu.memory_space<vmem>>) target(%dma_start3A_626 : memref<10240x128xf32, #tpu.memory_space<vmem_shared>>) offsets(%dma_start3A_623 : memref<80xi32, #tpu.memory_space<vmem>>) semaphore(%arg16 : memref<!tpu.dma_semaphore, #tpu.memory_space<semaphore_mem>>) {add = true}
      %dma_wait3A_627 = arith.constant 2 : i32
      %dma_wait3A_628 = arith.constant 1 : i32
      %dma_wait3A_629 = arith.constant 14 : i32
      %dma_wait3A_630 = arith.constant 0 : i32
      %dma_wait3A_631 = arith.constant 0 : i32
      %dma_wait3A_632 = tpu.memref_slice %arg8[%dma_wait3A_627, %dma_wait3A_630, %dma_wait3A_631] : memref<4x80x128xf32, #tpu.memory_space<vmem>> -> memref<1x80x128xf32, #tpu.memory_space<vmem>>
      %dma_wait3A_633 = tpu.memref_squeeze %dma_wait3A_632 : memref<1x80x128xf32, #tpu.memory_space<vmem>> -> memref<80x128xf32, #tpu.memory_space<vmem>>
      %dma_wait3A_634 = arith.constant 0 : i32
      %dma_wait3A_635 = tpu.memref_slice %arg7[%dma_wait3A_628, %dma_wait3A_629, %dma_wait3A_634] : memref<2x16x80xi32, #tpu.memory_space<vmem>> -> memref<1x1x80xi32, #tpu.memory_space<vmem>>
      %dma_wait3A_636 = tpu.memref_squeeze %dma_wait3A_635 : memref<1x1x80xi32, #tpu.memory_space<vmem>> -> memref<80xi32, #tpu.memory_space<vmem>>
      %dma_wait3A_637 = arith.constant 0 : i32
      %dma_wait3A_638 = arith.constant 0 : i32
      %dma_wait3A_639 = tpu.memref_slice %arg5[%dma_wait3A_637, %dma_wait3A_638] : memref<10240x128xf32, #tpu.memory_space<vmem_shared>> -> memref<10240x128xf32, #tpu.memory_space<vmem_shared>>
      tpu.wait_indirect_dma semaphore(%arg15 : memref<!tpu.dma_semaphore, #tpu.memory_space<semaphore_mem>>) src(%dma_wait3A_633 : memref<80x128xf32, #tpu.memory_space<vmem>>) dst(%dma_wait3A_639 : memref<10240x128xf32, #tpu.memory_space<vmem_shared>>)
      %dma_wait3A_640 = arith.constant 3 : i32
      %dma_wait3A_641 = arith.constant 1 : i32
      %dma_wait3A_642 = arith.constant 15 : i32
      %dma_wait3A_643 = arith.constant 0 : i32
      %dma_wait3A_644 = arith.constant 0 : i32
      %dma_wait3A_645 = tpu.memref_slice %arg8[%dma_wait3A_640, %dma_wait3A_643, %dma_wait3A_644] : memref<4x80x128xf32, #tpu.memory_space<vmem>> -> memref<1x80x128xf32, #tpu.memory_space<vmem>>
      %dma_wait3A_646 = tpu.memref_squeeze %dma_wait3A_645 : memref<1x80x128xf32, #tpu.memory_space<vmem>> -> memref<80x128xf32, #tpu.memory_space<vmem>>
      %dma_wait3A_647 = arith.constant 0 : i32
      %dma_wait3A_648 = tpu.memref_slice %arg7[%dma_wait3A_641, %dma_wait3A_642, %dma_wait3A_647] : memref<2x16x80xi32, #tpu.memory_space<vmem>> -> memref<1x1x80xi32, #tpu.memory_space<vmem>>
      %dma_wait3A_649 = tpu.memref_squeeze %dma_wait3A_648 : memref<1x1x80xi32, #tpu.memory_space<vmem>> -> memref<80xi32, #tpu.memory_space<vmem>>
      %dma_wait3A_650 = arith.constant 0 : i32
      %dma_wait3A_651 = arith.constant 0 : i32
      %dma_wait3A_652 = tpu.memref_slice %arg5[%dma_wait3A_650, %dma_wait3A_651] : memref<10240x128xf32, #tpu.memory_space<vmem_shared>> -> memref<10240x128xf32, #tpu.memory_space<vmem_shared>>
      tpu.wait_indirect_dma semaphore(%arg16 : memref<!tpu.dma_semaphore, #tpu.memory_space<semaphore_mem>>) src(%dma_wait3A_646 : memref<80x128xf32, #tpu.memory_space<vmem>>) dst(%dma_wait3A_652 : memref<10240x128xf32, #tpu.memory_space<vmem_shared>>)
      %add3A_653 = arith.constant 2 : i32
      %add3A_654 = arith.addi %add3A_371, %add3A_653 : i32
      %lt3A_655 = arith.constant 16 : i32
      %lt3A_656 = arith.cmpi slt, %add3A_654, %lt3A_655 : i32
      %convert_element_type3A_657 = arith.extui %lt3A_656 : i1 to i32
      %cond3A_658 = arith.constant 0 : i32
      %cond3A_659 = arith.cmpi ne, %convert_element_type3A_657, %cond3A_658 : i32
      scf.if %cond3A_659 {
        %add3A_660 = arith.constant 2 : i32
        %add3A_661 = arith.addi %add3A_371, %add3A_660 : i32
        %sub3A_662 = arith.constant 1 : i32
        %sub3A_663 = arith.subi %sub3A_662, %arg0 : i32
        %dma_start3A_664 = arith.constant 1 : i32
        %dma_start3A_665 = arith.constant 0 : i32
        %dma_start3A_666 = arith.constant 0 : i32
        %dma_start3A_667 = tpu.memref_slice %arg6[%dma_start3A_664, %dma_start3A_665, %dma_start3A_666] : memref<2x16x80xi32, #tpu.memory_space<vmem>> -> memref<1x16x80xi32, #tpu.memory_space<vmem>>
        %dma_start3A_668 = tpu.memref_squeeze %dma_start3A_667 : memref<1x16x80xi32, #tpu.memory_space<vmem>> -> memref<16x80xi32, #tpu.memory_space<vmem>>
        %dma_start3A_669 = arith.constant 0 : i32
        %dma_start3A_670 = arith.constant 0 : i32
        %dma_start3A_671 = tpu.memref_slice %arg3[%sub3A_663, %arg1, %add3A_661, %dma_start3A_669, %dma_start3A_670] : memref<2x16x16x16x80xi32, #tpu.memory_space<hbm>> -> memref<1x1x1x16x80xi32, #tpu.memory_space<hbm>>
        %dma_start3A_672 = tpu.memref_squeeze %dma_start3A_671 : memref<1x1x1x16x80xi32, #tpu.memory_space<hbm>> -> memref<16x80xi32, #tpu.memory_space<hbm>>
        %dma_start3A_673 = arith.constant 0 : i32
        %dma_start3A_674 = arith.constant 0 : i32
        %dma_start3A_675 = tpu.memref_slice %arg6[%dma_start3A_664, %dma_start3A_673, %dma_start3A_674] : memref<2x16x80xi32, #tpu.memory_space<vmem>> -> memref<1x16x80xi32, #tpu.memory_space<vmem>>
        %dma_start3A_676 = tpu.memref_squeeze %dma_start3A_675 : memref<1x16x80xi32, #tpu.memory_space<vmem>> -> memref<16x80xi32, #tpu.memory_space<vmem>>
        %dma_start3A_677 = arith.constant 0 : i32
        %dma_start3A_678 = arith.constant 0 : i32
        %dma_start3A_679 = tpu.memref_slice %arg3[%sub3A_663, %arg1, %add3A_661, %dma_start3A_677, %dma_start3A_678] : memref<2x16x16x16x80xi32, #tpu.memory_space<hbm>> -> memref<1x1x1x16x80xi32, #tpu.memory_space<hbm>>
        %dma_start3A_680 = tpu.memref_squeeze %dma_start3A_679 : memref<1x1x1x16x80xi32, #tpu.memory_space<hbm>> -> memref<16x80xi32, #tpu.memory_space<hbm>>
        tpu.enqueue_dma source(%dma_start3A_680 : memref<16x80xi32, #tpu.memory_space<hbm>>) target(%dma_start3A_676 : memref<16x80xi32, #tpu.memory_space<vmem>>) target_semaphore(%arg18 : memref<!tpu.dma_semaphore, #tpu.memory_space<semaphore_mem>>)
        %dma_start3A_681 = arith.constant 1 : i32
        %dma_start3A_682 = arith.constant 0 : i32
        %dma_start3A_683 = arith.constant 0 : i32
        %dma_start3A_684 = tpu.memref_slice %arg7[%dma_start3A_681, %dma_start3A_682, %dma_start3A_683] : memref<2x16x80xi32, #tpu.memory_space<vmem>> -> memref<1x16x80xi32, #tpu.memory_space<vmem>>
        %dma_start3A_685 = tpu.memref_squeeze %dma_start3A_684 : memref<1x16x80xi32, #tpu.memory_space<vmem>> -> memref<16x80xi32, #tpu.memory_space<vmem>>
        %dma_start3A_686 = arith.constant 0 : i32
        %dma_start3A_687 = arith.constant 0 : i32
        %dma_start3A_688 = tpu.memref_slice %arg3[%arg0, %arg1, %add3A_661, %dma_start3A_686, %dma_start3A_687] : memref<2x16x16x16x80xi32, #tpu.memory_space<hbm>> -> memref<1x1x1x16x80xi32, #tpu.memory_space<hbm>>
        %dma_start3A_689 = tpu.memref_squeeze %dma_start3A_688 : memref<1x1x1x16x80xi32, #tpu.memory_space<hbm>> -> memref<16x80xi32, #tpu.memory_space<hbm>>
        %dma_start3A_690 = arith.constant 0 : i32
        %dma_start3A_691 = arith.constant 0 : i32
        %dma_start3A_692 = tpu.memref_slice %arg7[%dma_start3A_681, %dma_start3A_690, %dma_start3A_691] : memref<2x16x80xi32, #tpu.memory_space<vmem>> -> memref<1x16x80xi32, #tpu.memory_space<vmem>>
        %dma_start3A_693 = tpu.memref_squeeze %dma_start3A_692 : memref<1x16x80xi32, #tpu.memory_space<vmem>> -> memref<16x80xi32, #tpu.memory_space<vmem>>
        %dma_start3A_694 = arith.constant 0 : i32
        %dma_start3A_695 = arith.constant 0 : i32
        %dma_start3A_696 = tpu.memref_slice %arg3[%arg0, %arg1, %add3A_661, %dma_start3A_694, %dma_start3A_695] : memref<2x16x16x16x80xi32, #tpu.memory_space<hbm>> -> memref<1x1x1x16x80xi32, #tpu.memory_space<hbm>>
        %dma_start3A_697 = tpu.memref_squeeze %dma_start3A_696 : memref<1x1x1x16x80xi32, #tpu.memory_space<hbm>> -> memref<16x80xi32, #tpu.memory_space<hbm>>
        tpu.enqueue_dma source(%dma_start3A_697 : memref<16x80xi32, #tpu.memory_space<hbm>>) target(%dma_start3A_693 : memref<16x80xi32, #tpu.memory_space<vmem>>) target_semaphore(%arg18 : memref<!tpu.dma_semaphore, #tpu.memory_space<semaphore_mem>>)
      } else {
      }
    }
    %scan3A_78 = arith.constant 8 : i32
    %barrier3A_79 = arith.constant 0 : index
    tpu.barrier barrier_id(%barrier3A_79)
    "tpu.region"() ({
      %run_scoped3A = tpu.sem_alloc : memref<!tpu.dma_semaphore, #tpu.memory_space<semaphore_mem>>
      %dma_start3A_80 = arith.constant 0 : i32
      %dma_start3A_81 = tpu.memref_slice %arg4[%arg0, %mul3A_0, %dma_start3A_80] : memref<2x10240x128xf32, #tpu.memory_space<hbm>> -> memref<1x640x128xf32, #tpu.memory_space<hbm>>
      %dma_start3A_82 = tpu.memref_squeeze %dma_start3A_81 : memref<1x640x128xf32, #tpu.memory_space<hbm>> -> memref<640x128xf32, #tpu.memory_space<hbm>>
      %dma_start3A_83 = arith.constant 0 : i32
      %dma_start3A_84 = tpu.memref_slice %arg5[%mul3A_0, %dma_start3A_83] : memref<10240x128xf32, #tpu.memory_space<vmem_shared>> -> memref<640x128xf32, #tpu.memory_space<vmem_shared>>
      tpu.enqueue_dma source(%dma_start3A_84 : memref<640x128xf32, #tpu.memory_space<vmem_shared>>) target(%dma_start3A_82 : memref<640x128xf32, #tpu.memory_space<hbm>>) target_semaphore(%run_scoped3A : memref<!tpu.dma_semaphore, #tpu.memory_space<semaphore_mem>>)
      %dma_wait3A = arith.constant 0 : i32
      %dma_wait3A_85 = tpu.memref_slice %arg4[%arg0, %mul3A_0, %dma_wait3A] : memref<2x10240x128xf32, #tpu.memory_space<hbm>> -> memref<1x640x128xf32, #tpu.memory_space<hbm>>
      %dma_wait3A_86 = tpu.memref_squeeze %dma_wait3A_85 : memref<1x640x128xf32, #tpu.memory_space<hbm>> -> memref<640x128xf32, #tpu.memory_space<hbm>>
      %dma_wait3A_87 = arith.constant 0 : i32
      %dma_wait3A_88 = tpu.memref_slice %arg5[%mul3A_0, %dma_wait3A_87] : memref<10240x128xf32, #tpu.memory_space<vmem_shared>> -> memref<640x128xf32, #tpu.memory_space<vmem_shared>>
      tpu.wait_dma2 semaphore(%run_scoped3A : memref<!tpu.dma_semaphore, #tpu.memory_space<semaphore_mem>>) src(%dma_wait3A_88 : memref<640x128xf32, #tpu.memory_space<vmem_shared>>) dst(%dma_wait3A_86 : memref<640x128xf32, #tpu.memory_space<hbm>>)
      tpu.yield
    }) : () -> ()
    return
  }
}

#map = affine_map<(d0, d1) -> (0, 0, 0, 0)>
#map1 = affine_map<(d0, d1) -> (0)>
#map2 = affine_map<(d0, d1) -> (0, 0)>
module attributes {stable_mosaic.version = 14 : i64} {
  func.func @deg_kernel(%arg0: i32, %arg1: i32, %arg2: memref<2x16x160x128xi32, #tpu.memory_space<hbm>>, %arg3: memref<640xf32, #tpu.memory_space<hbm>>, %arg4: memref<2x10240xf32, #tpu.memory_space<hbm>>, %arg5: memref<10240xf32, #tpu.memory_space<vmem_shared>>, %arg6: memref<160x128xi32, #tpu.memory_space<vmem>>, %arg7: memref<128xf32, #tpu.memory_space<vmem>>, %arg8: memref<!tpu.dma_semaphore, #tpu.memory_space<semaphore_mem>>, %arg9: memref<!tpu.dma_semaphore, #tpu.memory_space<semaphore_mem>>) attributes {dimension_semantics = [#tpu.dimension_semantics<core_parallel>, #tpu.dimension_semantics<subcore_parallel>], iteration_bounds = array<i64: 2, 16>, scalar_prefetch = 0 : i64, scratch_operands = 5 : i64, tpu.core_type = #tpu.core_type<sc_vector_subcore>, window_params = [{transform_indices = #map}, {transform_indices = #map1}, {transform_indices = #map2}]} {
    %mul3A = arith.constant 640 : i32
    %mul3A_0 = arith.muli %arg1, %mul3A : i32
    "tpu.region"() ({
      %run_scoped3A = tpu.sem_alloc : memref<!tpu.dma_semaphore, #tpu.memory_space<semaphore_mem>>
      %dma_start3A_76 = tpu.memref_slice %arg5[%mul3A_0] : memref<10240xf32, #tpu.memory_space<vmem_shared>> -> memref<640xf32, #tpu.memory_space<vmem_shared>>
      tpu.enqueue_dma source(%arg3 : memref<640xf32, #tpu.memory_space<hbm>>) target(%dma_start3A_76 : memref<640xf32, #tpu.memory_space<vmem_shared>>) target_semaphore(%run_scoped3A : memref<!tpu.dma_semaphore, #tpu.memory_space<semaphore_mem>>)
      %dma_wait3A_77 = tpu.memref_slice %arg5[%mul3A_0] : memref<10240xf32, #tpu.memory_space<vmem_shared>> -> memref<640xf32, #tpu.memory_space<vmem_shared>>
      tpu.wait_dma2 semaphore(%run_scoped3A : memref<!tpu.dma_semaphore, #tpu.memory_space<semaphore_mem>>) src(%arg3 : memref<640xf32, #tpu.memory_space<hbm>>) dst(%dma_wait3A_77 : memref<640xf32, #tpu.memory_space<vmem_shared>>)
      tpu.yield
    }) : () -> ()
    "tpu.region"() ({
      %run_scoped3A = tpu.sem_alloc : memref<!tpu.dma_semaphore, #tpu.memory_space<semaphore_mem>>
      %dma_start3A_76 = arith.constant 0 : i32
      %dma_start3A_77 = arith.constant 0 : i32
      %dma_start3A_78 = tpu.memref_slice %arg2[%arg0, %arg1, %dma_start3A_76, %dma_start3A_77] : memref<2x16x160x128xi32, #tpu.memory_space<hbm>> -> memref<1x1x160x128xi32, #tpu.memory_space<hbm>>
      %dma_start3A_79 = tpu.memref_squeeze %dma_start3A_78 : memref<1x1x160x128xi32, #tpu.memory_space<hbm>> -> memref<160x128xi32, #tpu.memory_space<hbm>>
      %dma_start3A_80 = arith.constant 0 : i32
      %dma_start3A_81 = arith.constant 0 : i32
      %dma_start3A_82 = tpu.memref_slice %arg2[%arg0, %arg1, %dma_start3A_80, %dma_start3A_81] : memref<2x16x160x128xi32, #tpu.memory_space<hbm>> -> memref<1x1x160x128xi32, #tpu.memory_space<hbm>>
      %dma_start3A_83 = tpu.memref_squeeze %dma_start3A_82 : memref<1x1x160x128xi32, #tpu.memory_space<hbm>> -> memref<160x128xi32, #tpu.memory_space<hbm>>
      tpu.enqueue_dma source(%dma_start3A_83 : memref<160x128xi32, #tpu.memory_space<hbm>>) target(%arg6 : memref<160x128xi32, #tpu.memory_space<vmem>>) target_semaphore(%run_scoped3A : memref<!tpu.dma_semaphore, #tpu.memory_space<semaphore_mem>>)
      %dma_wait3A_84 = arith.constant 0 : i32
      %dma_wait3A_85 = arith.constant 0 : i32
      %dma_wait3A_86 = tpu.memref_slice %arg2[%arg0, %arg1, %dma_wait3A_84, %dma_wait3A_85] : memref<2x16x160x128xi32, #tpu.memory_space<hbm>> -> memref<1x1x160x128xi32, #tpu.memory_space<hbm>>
      %dma_wait3A_87 = tpu.memref_squeeze %dma_wait3A_86 : memref<1x1x160x128xi32, #tpu.memory_space<hbm>> -> memref<160x128xi32, #tpu.memory_space<hbm>>
      %dma_wait3A_88 = arith.constant 0 : i32
      %dma_wait3A_89 = arith.constant 0 : i32
      %dma_wait3A_90 = tpu.memref_slice %arg2[%arg0, %arg1, %dma_wait3A_88, %dma_wait3A_89] : memref<2x16x160x128xi32, #tpu.memory_space<hbm>> -> memref<1x1x160x128xi32, #tpu.memory_space<hbm>>
      %dma_wait3A_91 = tpu.memref_squeeze %dma_wait3A_90 : memref<1x1x160x128xi32, #tpu.memory_space<hbm>> -> memref<160x128xi32, #tpu.memory_space<hbm>>
      tpu.wait_dma2 semaphore(%run_scoped3A : memref<!tpu.dma_semaphore, #tpu.memory_space<semaphore_mem>>) src(%dma_wait3A_91 : memref<160x128xi32, #tpu.memory_space<hbm>>) dst(%arg6 : memref<160x128xi32, #tpu.memory_space<vmem>>)
      tpu.yield
    }) : () -> ()
    %broadcast_in_dim3A = arith.constant 1.000000e+00 : f32
    %broadcast_in_dim3A_1 = vector.broadcast %broadcast_in_dim3A : f32 to vector<16xf32>
    %swap3A = arith.constant 0 : index
    %swap3A_2 = tpu.vector_load %arg7[%swap3A] {strides = array<i32>} : memref<128xf32, #tpu.memory_space<vmem>>, vector<16xf32>,
    %swap3A_3 = vector.shape_cast %swap3A_2 : vector<16xf32> to vector<16xf32>
    %swap3A_4 = vector.shape_cast %broadcast_in_dim3A_1 : vector<16xf32> to vector<16xf32>
    tpu.vector_store %arg7[%swap3A], %swap3A_4 {strides = array<i32>} : memref<128xf32, #tpu.memory_space<vmem>>, vector<16xf32>,
    %broadcast_in_dim3A_5 = arith.constant 1.000000e+00 : f32
    %broadcast_in_dim3A_6 = vector.broadcast %broadcast_in_dim3A_5 : f32 to vector<16xf32>
    %swap3A_7 = arith.constant 16 : index
    %swap3A_8 = tpu.vector_load %arg7[%swap3A_7] {strides = array<i32>} : memref<128xf32, #tpu.memory_space<vmem>>, vector<16xf32>,
    %swap3A_9 = vector.shape_cast %swap3A_8 : vector<16xf32> to vector<16xf32>
    %swap3A_10 = vector.shape_cast %broadcast_in_dim3A_6 : vector<16xf32> to vector<16xf32>
    tpu.vector_store %arg7[%swap3A_7], %swap3A_10 {strides = array<i32>} : memref<128xf32, #tpu.memory_space<vmem>>, vector<16xf32>,
    %broadcast_in_dim3A_11 = arith.constant 1.000000e+00 : f32
    %broadcast_in_dim3A_12 = vector.broadcast %broadcast_in_dim3A_11 : f32 to vector<16xf32>
    %swap3A_13 = arith.constant 32 : index
    %swap3A_14 = tpu.vector_load %arg7[%swap3A_13] {strides = array<i32>} : memref<128xf32, #tpu.memory_space<vmem>>, vector<16xf32>,
    %swap3A_15 = vector.shape_cast %swap3A_14 : vector<16xf32> to vector<16xf32>
    %swap3A_16 = vector.shape_cast %broadcast_in_dim3A_12 : vector<16xf32> to vector<16xf32>
    tpu.vector_store %arg7[%swap3A_13], %swap3A_16 {strides = array<i32>} : memref<128xf32, #tpu.memory_space<vmem>>, vector<16xf32>,
    %broadcast_in_dim3A_17 = arith.constant 1.000000e+00 : f32
    %broadcast_in_dim3A_18 = vector.broadcast %broadcast_in_dim3A_17 : f32 to vector<16xf32>
    %swap3A_19 = arith.constant 48 : index
    %swap3A_20 = tpu.vector_load %arg7[%swap3A_19] {strides = array<i32>} : memref<128xf32, #tpu.memory_space<vmem>>, vector<16xf32>,
    %swap3A_21 = vector.shape_cast %swap3A_20 : vector<16xf32> to vector<16xf32>
    %swap3A_22 = vector.shape_cast %broadcast_in_dim3A_18 : vector<16xf32> to vector<16xf32>
    tpu.vector_store %arg7[%swap3A_19], %swap3A_22 {strides = array<i32>} : memref<128xf32, #tpu.memory_space<vmem>>, vector<16xf32>,
    %broadcast_in_dim3A_23 = arith.constant 1.000000e+00 : f32
    %broadcast_in_dim3A_24 = vector.broadcast %broadcast_in_dim3A_23 : f32 to vector<16xf32>
    %swap3A_25 = arith.constant 64 : index
    %swap3A_26 = tpu.vector_load %arg7[%swap3A_25] {strides = array<i32>} : memref<128xf32, #tpu.memory_space<vmem>>, vector<16xf32>,
    %swap3A_27 = vector.shape_cast %swap3A_26 : vector<16xf32> to vector<16xf32>
    %swap3A_28 = vector.shape_cast %broadcast_in_dim3A_24 : vector<16xf32> to vector<16xf32>
    tpu.vector_store %arg7[%swap3A_25], %swap3A_28 {strides = array<i32>} : memref<128xf32, #tpu.memory_space<vmem>>, vector<16xf32>,
    %broadcast_in_dim3A_29 = arith.constant 1.000000e+00 : f32
    %broadcast_in_dim3A_30 = vector.broadcast %broadcast_in_dim3A_29 : f32 to vector<16xf32>
    %swap3A_31 = arith.constant 80 : index
    %swap3A_32 = tpu.vector_load %arg7[%swap3A_31] {strides = array<i32>} : memref<128xf32, #tpu.memory_space<vmem>>, vector<16xf32>,
    %swap3A_33 = vector.shape_cast %swap3A_32 : vector<16xf32> to vector<16xf32>
    %swap3A_34 = vector.shape_cast %broadcast_in_dim3A_30 : vector<16xf32> to vector<16xf32>
    tpu.vector_store %arg7[%swap3A_31], %swap3A_34 {strides = array<i32>} : memref<128xf32, #tpu.memory_space<vmem>>, vector<16xf32>,
    %broadcast_in_dim3A_35 = arith.constant 1.000000e+00 : f32
    %broadcast_in_dim3A_36 = vector.broadcast %broadcast_in_dim3A_35 : f32 to vector<16xf32>
    %swap3A_37 = arith.constant 96 : index
    %swap3A_38 = tpu.vector_load %arg7[%swap3A_37] {strides = array<i32>} : memref<128xf32, #tpu.memory_space<vmem>>, vector<16xf32>,
    %swap3A_39 = vector.shape_cast %swap3A_38 : vector<16xf32> to vector<16xf32>
    %swap3A_40 = vector.shape_cast %broadcast_in_dim3A_36 : vector<16xf32> to vector<16xf32>
    tpu.vector_store %arg7[%swap3A_37], %swap3A_40 {strides = array<i32>} : memref<128xf32, #tpu.memory_space<vmem>>, vector<16xf32>,
    %broadcast_in_dim3A_41 = arith.constant 1.000000e+00 : f32
    %broadcast_in_dim3A_42 = vector.broadcast %broadcast_in_dim3A_41 : f32 to vector<16xf32>
    %swap3A_43 = arith.constant 112 : index
    %swap3A_44 = tpu.vector_load %arg7[%swap3A_43] {strides = array<i32>} : memref<128xf32, #tpu.memory_space<vmem>>, vector<16xf32>,
    %swap3A_45 = vector.shape_cast %swap3A_44 : vector<16xf32> to vector<16xf32>
    %swap3A_46 = vector.shape_cast %broadcast_in_dim3A_42 : vector<16xf32> to vector<16xf32>
    tpu.vector_store %arg7[%swap3A_43], %swap3A_46 {strides = array<i32>} : memref<128xf32, #tpu.memory_space<vmem>>, vector<16xf32>,
    %barrier3A = arith.constant 0 : index
    tpu.barrier barrier_id(%barrier3A)
    %dma_start3A = arith.constant 0 : i32
    %dma_start3A_47 = arith.constant 0 : i32
    %dma_start3A_48 = tpu.memref_slice %arg6[%dma_start3A, %dma_start3A_47] : memref<160x128xi32, #tpu.memory_space<vmem>> -> memref<1x128xi32, #tpu.memory_space<vmem>>
    %dma_start3A_49 = tpu.memref_squeeze %dma_start3A_48 : memref<1x128xi32, #tpu.memory_space<vmem>> -> memref<128xi32, #tpu.memory_space<vmem>>
    %dma_start3A_50 = arith.constant 0 : i32
    %dma_start3A_51 = tpu.memref_slice %arg5[%dma_start3A_50] : memref<10240xf32, #tpu.memory_space<vmem_shared>> -> memref<10240xf32, #tpu.memory_space<vmem_shared>>
    tpu.enqueue_indirect_dma source(%arg7 : memref<128xf32, #tpu.memory_space<vmem>>) target(%dma_start3A_51 : memref<10240xf32, #tpu.memory_space<vmem_shared>>) offsets(%dma_start3A_49 : memref<128xi32, #tpu.memory_space<vmem>>) semaphore(%arg8 : memref<!tpu.dma_semaphore, #tpu.memory_space<semaphore_mem>>) {add = true}
    %dma_start3A_52 = arith.constant 1 : i32
    %dma_start3A_53 = arith.constant 0 : i32
    %dma_start3A_54 = tpu.memref_slice %arg6[%dma_start3A_52, %dma_start3A_53] : memref<160x128xi32, #tpu.memory_space<vmem>> -> memref<1x128xi32, #tpu.memory_space<vmem>>
    %dma_start3A_55 = tpu.memref_squeeze %dma_start3A_54 : memref<1x128xi32, #tpu.memory_space<vmem>> -> memref<128xi32, #tpu.memory_space<vmem>>
    %dma_start3A_56 = arith.constant 0 : i32
    %dma_start3A_57 = tpu.memref_slice %arg5[%dma_start3A_56] : memref<10240xf32, #tpu.memory_space<vmem_shared>> -> memref<10240xf32, #tpu.memory_space<vmem_shared>>
    tpu.enqueue_indirect_dma source(%arg7 : memref<128xf32, #tpu.memory_space<vmem>>) target(%dma_start3A_57 : memref<10240xf32, #tpu.memory_space<vmem_shared>>) offsets(%dma_start3A_55 : memref<128xi32, #tpu.memory_space<vmem>>) semaphore(%arg9 : memref<!tpu.dma_semaphore, #tpu.memory_space<semaphore_mem>>) {add = true}
    %scan3A = arith.constant 0 : i32
    %scan3A_58 = arith.constant 79 : i32
    %scan3A_59 = arith.addi %scan3A, %scan3A_58 : i32
    %scan3A_60 = arith.constant 1 : i32
    scf.for %scan3A_76 = %scan3A to %scan3A_59 step %scan3A_60  : i32 {
      %mul3A_77 = arith.constant 2 : i32
      %mul3A_78 = arith.muli %mul3A_77, %scan3A_76 : i32
      %add3A = arith.constant 2 : i32
      %add3A_79 = arith.addi %mul3A_78, %add3A : i32
      %add3A_80 = arith.constant 0 : i32
      %add3A_81 = arith.addi %add3A_79, %add3A_80 : i32
      %sub3A = arith.constant 2 : i32
      %sub3A_82 = arith.subi %add3A_81, %sub3A : i32
      %dma_wait3A_83 = arith.constant 0 : i32
      %dma_wait3A_84 = tpu.memref_slice %arg6[%sub3A_82, %dma_wait3A_83] : memref<160x128xi32, #tpu.memory_space<vmem>> -> memref<1x128xi32, #tpu.memory_space<vmem>>
      %dma_wait3A_85 = tpu.memref_squeeze %dma_wait3A_84 : memref<1x128xi32, #tpu.memory_space<vmem>> -> memref<128xi32, #tpu.memory_space<vmem>>
      %dma_wait3A_86 = arith.constant 0 : i32
      %dma_wait3A_87 = tpu.memref_slice %arg5[%dma_wait3A_86] : memref<10240xf32, #tpu.memory_space<vmem_shared>> -> memref<10240xf32, #tpu.memory_space<vmem_shared>>
      tpu.wait_indirect_dma semaphore(%arg8 : memref<!tpu.dma_semaphore, #tpu.memory_space<semaphore_mem>>) src(%arg7 : memref<128xf32, #tpu.memory_space<vmem>>) dst(%dma_wait3A_87 : memref<10240xf32, #tpu.memory_space<vmem_shared>>)
      %dma_start3A_88 = arith.constant 0 : i32
      %dma_start3A_89 = tpu.memref_slice %arg6[%add3A_81, %dma_start3A_88] : memref<160x128xi32, #tpu.memory_space<vmem>> -> memref<1x128xi32, #tpu.memory_space<vmem>>
      %dma_start3A_90 = tpu.memref_squeeze %dma_start3A_89 : memref<1x128xi32, #tpu.memory_space<vmem>> -> memref<128xi32, #tpu.memory_space<vmem>>
      %dma_start3A_91 = arith.constant 0 : i32
      %dma_start3A_92 = tpu.memref_slice %arg5[%dma_start3A_91] : memref<10240xf32, #tpu.memory_space<vmem_shared>> -> memref<10240xf32, #tpu.memory_space<vmem_shared>>
      tpu.enqueue_indirect_dma source(%arg7 : memref<128xf32, #tpu.memory_space<vmem>>) target(%dma_start3A_92 : memref<10240xf32, #tpu.memory_space<vmem_shared>>) offsets(%dma_start3A_90 : memref<128xi32, #tpu.memory_space<vmem>>) semaphore(%arg8 : memref<!tpu.dma_semaphore, #tpu.memory_space<semaphore_mem>>) {add = true}
      %mul3A_93 = arith.constant 2 : i32
      %mul3A_94 = arith.muli %mul3A_93, %scan3A_76 : i32
      %add3A_95 = arith.constant 2 : i32
      %add3A_96 = arith.addi %mul3A_94, %add3A_95 : i32
      %add3A_97 = arith.constant 1 : i32
      %add3A_98 = arith.addi %add3A_96, %add3A_97 : i32
      %sub3A_99 = arith.constant 2 : i32
      %sub3A_100 = arith.subi %add3A_98, %sub3A_99 : i32
      %dma_wait3A_101 = arith.constant 0 : i32
      %dma_wait3A_102 = tpu.memref_slice %arg6[%sub3A_100, %dma_wait3A_101] : memref<160x128xi32, #tpu.memory_space<vmem>> -> memref<1x128xi32, #tpu.memory_space<vmem>>
      %dma_wait3A_103 = tpu.memref_squeeze %dma_wait3A_102 : memref<1x128xi32, #tpu.memory_space<vmem>> -> memref<128xi32, #tpu.memory_space<vmem>>
      %dma_wait3A_104 = arith.constant 0 : i32
      %dma_wait3A_105 = tpu.memref_slice %arg5[%dma_wait3A_104] : memref<10240xf32, #tpu.memory_space<vmem_shared>> -> memref<10240xf32, #tpu.memory_space<vmem_shared>>
      tpu.wait_indirect_dma semaphore(%arg9 : memref<!tpu.dma_semaphore, #tpu.memory_space<semaphore_mem>>) src(%arg7 : memref<128xf32, #tpu.memory_space<vmem>>) dst(%dma_wait3A_105 : memref<10240xf32, #tpu.memory_space<vmem_shared>>)
      %dma_start3A_106 = arith.constant 0 : i32
      %dma_start3A_107 = tpu.memref_slice %arg6[%add3A_98, %dma_start3A_106] : memref<160x128xi32, #tpu.memory_space<vmem>> -> memref<1x128xi32, #tpu.memory_space<vmem>>
      %dma_start3A_108 = tpu.memref_squeeze %dma_start3A_107 : memref<1x128xi32, #tpu.memory_space<vmem>> -> memref<128xi32, #tpu.memory_space<vmem>>
      %dma_start3A_109 = arith.constant 0 : i32
      %dma_start3A_110 = tpu.memref_slice %arg5[%dma_start3A_109] : memref<10240xf32, #tpu.memory_space<vmem_shared>> -> memref<10240xf32, #tpu.memory_space<vmem_shared>>
      tpu.enqueue_indirect_dma source(%arg7 : memref<128xf32, #tpu.memory_space<vmem>>) target(%dma_start3A_110 : memref<10240xf32, #tpu.memory_space<vmem_shared>>) offsets(%dma_start3A_108 : memref<128xi32, #tpu.memory_space<vmem>>) semaphore(%arg9 : memref<!tpu.dma_semaphore, #tpu.memory_space<semaphore_mem>>) {add = true}
    }
    %scan3A_61 = arith.constant 79 : i32
    %dma_wait3A = arith.constant 158 : i32
    %dma_wait3A_62 = arith.constant 0 : i32
    %dma_wait3A_63 = tpu.memref_slice %arg6[%dma_wait3A, %dma_wait3A_62] : memref<160x128xi32, #tpu.memory_space<vmem>> -> memref<1x128xi32, #tpu.memory_space<vmem>>
    %dma_wait3A_64 = tpu.memref_squeeze %dma_wait3A_63 : memref<1x128xi32, #tpu.memory_space<vmem>> -> memref<128xi32, #tpu.memory_space<vmem>>
    %dma_wait3A_65 = arith.constant 0 : i32
    %dma_wait3A_66 = tpu.memref_slice %arg5[%dma_wait3A_65] : memref<10240xf32, #tpu.memory_space<vmem_shared>> -> memref<10240xf32, #tpu.memory_space<vmem_shared>>
    tpu.wait_indirect_dma semaphore(%arg8 : memref<!tpu.dma_semaphore, #tpu.memory_space<semaphore_mem>>) src(%arg7 : memref<128xf32, #tpu.memory_space<vmem>>) dst(%dma_wait3A_66 : memref<10240xf32, #tpu.memory_space<vmem_shared>>)
    %dma_wait3A_67 = arith.constant 159 : i32
    %dma_wait3A_68 = arith.constant 0 : i32
    %dma_wait3A_69 = tpu.memref_slice %arg6[%dma_wait3A_67, %dma_wait3A_68] : memref<160x128xi32, #tpu.memory_space<vmem>> -> memref<1x128xi32, #tpu.memory_space<vmem>>
    %dma_wait3A_70 = tpu.memref_squeeze %dma_wait3A_69 : memref<1x128xi32, #tpu.memory_space<vmem>> -> memref<128xi32, #tpu.memory_space<vmem>>
    %dma_wait3A_71 = arith.constant 0 : i32
    %dma_wait3A_72 = tpu.memref_slice %arg5[%dma_wait3A_71] : memref<10240xf32, #tpu.memory_space<vmem_shared>> -> memref<10240xf32, #tpu.memory_space<vmem_shared>>
    tpu.wait_indirect_dma semaphore(%arg9 : memref<!tpu.dma_semaphore, #tpu.memory_space<semaphore_mem>>) src(%arg7 : memref<128xf32, #tpu.memory_space<vmem>>) dst(%dma_wait3A_72 : memref<10240xf32, #tpu.memory_space<vmem_shared>>)
    %barrier3A_73 = arith.constant 0 : index
    tpu.barrier barrier_id(%barrier3A_73)
    %eq3A = arith.constant 0 : i32
    %eq3A_74 = arith.cmpi eq, %arg1, %eq3A : i32
    %convert_element_type3A = arith.extui %eq3A_74 : i1 to i32
    %cond3A = arith.constant 0 : i32
    %cond3A_75 = arith.cmpi ne, %convert_element_type3A, %cond3A : i32
    scf.if %cond3A_75 {
      "tpu.region"() ({
        %run_scoped3A = tpu.sem_alloc : memref<!tpu.dma_semaphore, #tpu.memory_space<semaphore_mem>>
        %dma_start3A_76 = arith.constant 0 : i32
        %dma_start3A_77 = tpu.memref_slice %arg4[%arg0, %dma_start3A_76] : memref<2x10240xf32, #tpu.memory_space<hbm>> -> memref<1x10240xf32, #tpu.memory_space<hbm>>
        %dma_start3A_78 = tpu.memref_squeeze %dma_start3A_77 : memref<1x10240xf32, #tpu.memory_space<hbm>> -> memref<10240xf32, #tpu.memory_space<hbm>>
        tpu.enqueue_dma source(%arg5 : memref<10240xf32, #tpu.memory_space<vmem_shared>>) target(%dma_start3A_78 : memref<10240xf32, #tpu.memory_space<hbm>>) target_semaphore(%run_scoped3A : memref<!tpu.dma_semaphore, #tpu.memory_space<semaphore_mem>>)
        %dma_wait3A_79 = arith.constant 0 : i32
        %dma_wait3A_80 = tpu.memref_slice %arg4[%arg0, %dma_wait3A_79] : memref<2x10240xf32, #tpu.memory_space<hbm>> -> memref<1x10240xf32, #tpu.memory_space<hbm>>
        %dma_wait3A_81 = tpu.memref_squeeze %dma_wait3A_80 : memref<1x10240xf32, #tpu.memory_space<hbm>> -> memref<10240xf32, #tpu.memory_space<hbm>>
        tpu.wait_dma2 semaphore(%run_scoped3A : memref<!tpu.dma_semaphore, #tpu.memory_space<semaphore_mem>>) src(%arg5 : memref<10240xf32, #tpu.memory_space<vmem_shared>>) dst(%dma_wait3A_81 : memref<10240xf32, #tpu.memory_space<hbm>>)
        tpu.yield
      }) : () -> ()
    } else {
    }
    return
  }
}

module attributes {stable_mosaic.version = 14 : i64} {
  func.func @body(%arg0: i32, %arg1: memref<1000x128xf32, #tpu.memory_space<vmem>>, %arg2: memref<1000x128xf32, #tpu.memory_space<vmem>>, %arg3: memref<2x1000x1xf32, #tpu.memory_space<vmem>>, %arg4: memref<2x1000x128xf32, #tpu.memory_space<vmem>>, %arg5: memref<2x1000x1xf32, #tpu.memory_space<vmem>>) attributes {dimension_semantics = [#tpu.dimension_semantics<arbitrary>], iteration_bounds = array<i64: 10>, scalar_prefetch = 0 : i64, scratch_operands = 0 : i64, tpu.core_type = #tpu.core_type<tc>, window_params = [{transform_indices = @transform_0, window_bounds = array<i64: 1000, 128>}, {transform_indices = @transform_1, window_bounds = array<i64: 1000, 128>}, {transform_indices = @transform_2, window_bounds = array<i64: 2, 1000, 1>}, {transform_indices = @transform_3, window_bounds = array<i64: 2, 1000, 128>}, {transform_indices = @transform_4, window_bounds = array<i64: 2, 1000, 1>}]} {
    %get3A = arith.constant 0 : index
    %get3A_0 = arith.constant 0 : index
    %get3A_1 = arith.constant 0 : index
    %get3A_2 = vector.load %arg3[%get3A, %get3A_0, %get3A_1] : memref<2x1000x1xf32, #tpu.memory_space<vmem>>, vector<2x1000x1xf32>
    %rsqrt3A = math.rsqrt %get3A_2 : vector<2x1000x1xf32>
    %slice3A = vector.extract_strided_slice %rsqrt3A {offsets = [1, 0, 0], sizes = [1, 1000, 1], strides = [1, 1, 1]} : vector<2x1000x1xf32> to vector<1x1000x1xf32>
    %squeeze3A = vector.shape_cast %slice3A : vector<1x1000x1xf32> to vector<1000x1xf32>
    %get3A_3 = arith.constant 0 : index
    %get3A_4 = arith.constant 0 : index
    %get3A_5 = vector.load %arg2[%get3A_3, %get3A_4] : memref<1000x128xf32, #tpu.memory_space<vmem>>, vector<1000x128xf32>
    %mul3A = vector.broadcast %squeeze3A : vector<1000x1xf32> to vector<1000x128xf32>
    %mul3A_6 = arith.mulf %mul3A, %get3A_5 : vector<1000x128xf32>
    %swap3A = arith.constant 0 : index
    %swap3A_7 = arith.constant 0 : index
    %swap3A_8 = arith.constant 0 : index
    %swap3A_9 = vector.load %arg4[%swap3A, %swap3A_7, %swap3A_8] : memref<2x1000x128xf32, #tpu.memory_space<vmem>>, vector<1x1000x128xf32>
    %swap3A_10 = vector.shape_cast %swap3A_9 : vector<1x1000x128xf32> to vector<1000x128xf32>
    %swap3A_11 = vector.shape_cast %mul3A_6 : vector<1000x128xf32> to vector<1x1000x128xf32>
    tpu.vector_store %arg4[%swap3A, %swap3A_7, %swap3A_8], %swap3A_11 {strides = array<i32>} : memref<2x1000x128xf32, #tpu.memory_space<vmem>>, vector<1x1000x128xf32>,
    %slice3A_12 = vector.extract_strided_slice %rsqrt3A {offsets = [0, 0, 0], sizes = [1, 1000, 1], strides = [1, 1, 1]} : vector<2x1000x1xf32> to vector<1x1000x1xf32>
    %squeeze3A_13 = vector.shape_cast %slice3A_12 : vector<1x1000x1xf32> to vector<1000x1xf32>
    %get3A_14 = arith.constant 0 : index
    %get3A_15 = arith.constant 0 : index
    %get3A_16 = vector.load %arg1[%get3A_14, %get3A_15] : memref<1000x128xf32, #tpu.memory_space<vmem>>, vector<1000x128xf32>
    %mul3A_17 = vector.broadcast %squeeze3A_13 : vector<1000x1xf32> to vector<1000x128xf32>
    %mul3A_18 = arith.mulf %mul3A_17, %get3A_16 : vector<1000x128xf32>
    %swap3A_19 = arith.constant 1 : index
    %swap3A_20 = arith.constant 0 : index
    %swap3A_21 = arith.constant 0 : index
    %swap3A_22 = vector.load %arg4[%swap3A_19, %swap3A_20, %swap3A_21] : memref<2x1000x128xf32, #tpu.memory_space<vmem>>, vector<1x1000x128xf32>
    %swap3A_23 = vector.shape_cast %swap3A_22 : vector<1x1000x128xf32> to vector<1000x128xf32>
    %swap3A_24 = vector.shape_cast %mul3A_18 : vector<1000x128xf32> to vector<1x1000x128xf32>
    tpu.vector_store %arg4[%swap3A_19, %swap3A_20, %swap3A_21], %swap3A_24 {strides = array<i32>} : memref<2x1000x128xf32, #tpu.memory_space<vmem>>, vector<1x1000x128xf32>,
    %swap3A_25 = arith.constant 0 : index
    %swap3A_26 = arith.constant 0 : index
    %swap3A_27 = arith.constant 0 : index
    %swap3A_28 = vector.load %arg5[%swap3A_25, %swap3A_26, %swap3A_27] : memref<2x1000x1xf32, #tpu.memory_space<vmem>>, vector<2x1000x1xf32>
    tpu.vector_store %arg5[%swap3A_25, %swap3A_26, %swap3A_27], %rsqrt3A {strides = array<i32>} : memref<2x1000x1xf32, #tpu.memory_space<vmem>>, vector<2x1000x1xf32>,
    return
  }
  func.func @transform_0(%arg0: i32) -> (i32, i32) {
    %c0_i32 = arith.constant 0 : i32
    %c0_i32_0 = arith.constant 0 : i32
    return %arg0, %c0_i32 : i32, i32
  }
  func.func @transform_1(%arg0: i32) -> (i32, i32) {
    %c0_i32 = arith.constant 0 : i32
    %c0_i32_0 = arith.constant 0 : i32
    return %arg0, %c0_i32 : i32, i32
  }
  func.func @transform_2(%arg0: i32) -> (i32, i32, i32) {
    %c0_i32 = arith.constant 0 : i32
    %c0_i32_0 = arith.constant 0 : i32
    %c0_i32_1 = arith.constant 0 : i32
    return %c0_i32, %arg0, %c0_i32_0 : i32, i32, i32
  }
  func.func @transform_3(%arg0: i32) -> (i32, i32, i32) {
    %c0_i32 = arith.constant 0 : i32
    %c0_i32_0 = arith.constant 0 : i32
    %c0_i32_1 = arith.constant 0 : i32
    return %c0_i32, %arg0, %c0_i32_0 : i32, i32, i32
  }
  func.func @transform_4(%arg0: i32) -> (i32, i32, i32) {
    %c0_i32 = arith.constant 0 : i32
    %c0_i32_0 = arith.constant 0 : i32
    %c0_i32_1 = arith.constant 0 : i32
    return %c0_i32, %arg0, %c0_i32_0 : i32, i32, i32
  }
}

module attributes {stable_mosaic.version = 14 : i64} {
  func.func @body(%arg0: i32, %arg1: memref<2xf32, #tpu.memory_space<smem>>, %arg2: memref<1000x128xf32, #tpu.memory_space<vmem>>, %arg3: memref<1000x128xf32, #tpu.memory_space<vmem>>, %arg4: memref<2x1000x128xf32, #tpu.memory_space<vmem>>, %arg5: memref<2x1000x1xf32, #tpu.memory_space<vmem>>, %arg6: memref<1000x128xf32, #tpu.memory_space<vmem>>, %arg7: memref<1000x128xf32, #tpu.memory_space<vmem>>) attributes {dimension_semantics = [#tpu.dimension_semantics<arbitrary>], iteration_bounds = array<i64: 10>, scalar_prefetch = 0 : i64, scratch_operands = 0 : i64, tpu.core_type = #tpu.core_type<tc>, window_params = [{transform_indices = @transform_0, window_bounds = array<i64: 2>}, {transform_indices = @transform_1, window_bounds = array<i64: 1000, 128>}, {transform_indices = @transform_2, window_bounds = array<i64: 1000, 128>}, {transform_indices = @transform_3, window_bounds = array<i64: 2, 1000, 128>}, {transform_indices = @transform_4, window_bounds = array<i64: 2, 1000, 1>}, {transform_indices = @transform_5, window_bounds = array<i64: 1000, 128>}, {transform_indices = @transform_6, window_bounds = array<i64: 1000, 128>}]} {
    %get3A = arith.constant 0 : index
    %get3A_0 = arith.constant 0 : index
    %get3A_1 = vector.load %arg2[%get3A, %get3A_0] : memref<1000x128xf32, #tpu.memory_space<vmem>>, vector<1000x128xf32>
    %get3A_2 = arith.constant 0 : index
    %get3A_3 = memref.load %arg1[%get3A_2] : memref<2xf32, #tpu.memory_space<smem>>
    %get3A_4 = arith.constant 0 : index
    %get3A_5 = arith.constant 0 : index
    %get3A_6 = arith.constant 0 : index
    %get3A_7 = vector.load %arg5[%get3A_4, %get3A_5, %get3A_6] : memref<2x1000x1xf32, #tpu.memory_space<vmem>>, vector<1x1000x1xf32>
    %get3A_8 = vector.shape_cast %get3A_7 : vector<1x1000x1xf32> to vector<1000x1xf32>
    %get3A_9 = arith.constant 0 : index
    %get3A_10 = arith.constant 0 : index
    %get3A_11 = arith.constant 0 : index
    %get3A_12 = vector.load %arg4[%get3A_9, %get3A_10, %get3A_11] : memref<2x1000x128xf32, #tpu.memory_space<vmem>>, vector<1x1000x128xf32>
    %get3A_13 = vector.shape_cast %get3A_12 : vector<1x1000x128xf32> to vector<1000x128xf32>
    %mul3A = vector.broadcast %get3A_8 : vector<1000x1xf32> to vector<1000x128xf32>
    %mul3A_14 = arith.mulf %mul3A, %get3A_13 : vector<1000x128xf32>
    %mul3A_15 = vector.broadcast %get3A_3 : f32 to vector<1000x128xf32>
    %mul3A_16 = arith.mulf %mul3A_15, %mul3A_14 : vector<1000x128xf32>
    %add3A = arith.addf %get3A_1, %mul3A_16 : vector<1000x128xf32>
    %swap3A = arith.constant 0 : index
    %swap3A_17 = arith.constant 0 : index
    %swap3A_18 = vector.load %arg6[%swap3A, %swap3A_17] : memref<1000x128xf32, #tpu.memory_space<vmem>>, vector<1000x128xf32>
    tpu.vector_store %arg6[%swap3A, %swap3A_17], %add3A {strides = array<i32>} : memref<1000x128xf32, #tpu.memory_space<vmem>>, vector<1000x128xf32>,
    %get3A_19 = arith.constant 0 : index
    %get3A_20 = arith.constant 0 : index
    %get3A_21 = vector.load %arg3[%get3A_19, %get3A_20] : memref<1000x128xf32, #tpu.memory_space<vmem>>, vector<1000x128xf32>
    %get3A_22 = arith.constant 1 : index
    %get3A_23 = memref.load %arg1[%get3A_22] : memref<2xf32, #tpu.memory_space<smem>>
    %get3A_24 = arith.constant 1 : index
    %get3A_25 = arith.constant 0 : index
    %get3A_26 = arith.constant 0 : index
    %get3A_27 = vector.load %arg5[%get3A_24, %get3A_25, %get3A_26] : memref<2x1000x1xf32, #tpu.memory_space<vmem>>, vector<1x1000x1xf32>
    %get3A_28 = vector.shape_cast %get3A_27 : vector<1x1000x1xf32> to vector<1000x1xf32>
    %get3A_29 = arith.constant 1 : index
    %get3A_30 = arith.constant 0 : index
    %get3A_31 = arith.constant 0 : index
    %get3A_32 = vector.load %arg4[%get3A_29, %get3A_30, %get3A_31] : memref<2x1000x128xf32, #tpu.memory_space<vmem>>, vector<1x1000x128xf32>
    %get3A_33 = vector.shape_cast %get3A_32 : vector<1x1000x128xf32> to vector<1000x128xf32>
    %mul3A_34 = vector.broadcast %get3A_28 : vector<1000x1xf32> to vector<1000x128xf32>
    %mul3A_35 = arith.mulf %mul3A_34, %get3A_33 : vector<1000x128xf32>
    %mul3A_36 = vector.broadcast %get3A_23 : f32 to vector<1000x128xf32>
    %mul3A_37 = arith.mulf %mul3A_36, %mul3A_35 : vector<1000x128xf32>
    %add3A_38 = arith.addf %get3A_21, %mul3A_37 : vector<1000x128xf32>
    %swap3A_39 = arith.constant 0 : index
    %swap3A_40 = arith.constant 0 : index
    %swap3A_41 = vector.load %arg7[%swap3A_39, %swap3A_40] : memref<1000x128xf32, #tpu.memory_space<vmem>>, vector<1000x128xf32>
    tpu.vector_store %arg7[%swap3A_39, %swap3A_40], %add3A_38 {strides = array<i32>} : memref<1000x128xf32, #tpu.memory_space<vmem>>, vector<1000x128xf32>,
    return
  }
  func.func @transform_0(%arg0: i32) -> i32 {
    %c0_i32 = arith.constant 0 : i32
    %c0_i32_0 = arith.constant 0 : i32
    return %c0_i32 : i32
  }
  func.func @transform_1(%arg0: i32) -> (i32, i32) {
    %c0_i32 = arith.constant 0 : i32
    %c0_i32_0 = arith.constant 0 : i32
    return %arg0, %c0_i32 : i32, i32
  }
  func.func @transform_2(%arg0: i32) -> (i32, i32) {
    %c0_i32 = arith.constant 0 : i32
    %c0_i32_0 = arith.constant 0 : i32
    return %arg0, %c0_i32 : i32, i32
  }
  func.func @transform_3(%arg0: i32) -> (i32, i32, i32) {
    %c0_i32 = arith.constant 0 : i32
    %c0_i32_0 = arith.constant 0 : i32
    %c0_i32_1 = arith.constant 0 : i32
    return %c0_i32, %arg0, %c0_i32_0 : i32, i32, i32
  }
  func.func @transform_4(%arg0: i32) -> (i32, i32, i32) {
    %c0_i32 = arith.constant 0 : i32
    %c0_i32_0 = arith.constant 0 : i32
    %c0_i32_1 = arith.constant 0 : i32
    return %c0_i32, %arg0, %c0_i32_0 : i32, i32, i32
  }
  func.func @transform_5(%arg0: i32) -> (i32, i32) {
    %c0_i32 = arith.constant 0 : i32
    %c0_i32_0 = arith.constant 0 : i32
    return %arg0, %c0_i32 : i32, i32
  }
  func.func @transform_6(%arg0: i32) -> (i32, i32) {
    %c0_i32 = arith.constant 0 : i32
    %c0_i32_0 = arith.constant 0 : i32
    return %arg0, %c0_i32 : i32, i32
  }
}

</mosaic_0001>

<sc_bundles>
// kernel: kernel.6.cloned.1.call-start
scs
__scs_entry_jumppad:
0x0: {  	(pc) =	sbr.rel $0x88, $3  }
0x1: {  	(tag) =	ssettag $0x0;
	lr =	simm.s32 $0x1  }
0x2: {  	[smem:$0x3F9D] =	sst lr;
	_ =	strace $0xD0000000  }
0x3: {  	_ = 	snop  }
0x4: {  	_ = 	snop  }
0x5: {  	_ = 	snop  }
0x6: {  	_ = 	snop  }
0x7: {  	_ = 	snop  }
__scs_overlays_trampoline_lowered:
0x8: {  	[smem:$0x3FAC] =	sst s0  }
0x9: {  	[smem:$0x3FAD] =	sst s1  }
0xa: {  	[smem:$0x3FAE] =	sst s2  }
0xb: {  	[smem:$0x3FAF] =	sst s3  }
0xc: {  	[smem:$0x3FB0] =	sst s4  }
0xd: {  	[smem:$0x3FB1] =	sst s5  }
0xe: {  	[smem:$0x3FB2] =	sst s6  }
0xf: {  	[smem:$0x3FB3] =	sst s7  }
0x10: {  	[smem:$0x3FB4] =	sst s8  }
0x11: {  	[smem:$0x3FB5] =	sst s9;
	s0 =	simm.s32 @!p0 $0x0  }
0x12: {  	s1 =	sld [smem:$0x3F9B];
	s0 =	simm.s32 @p0 $0x1  }
0x13: {  	[smem:$0x3FB6] =	sst s0;
	s0 =	simm.s32 @!p1 $0x0  }
0x14: {  	s2 =	sld [smem:$0x3F9A];
	s0 =	simm.s32 @p1 $0x1  }
0x15: {  	[smem:$0x3FB7] =	sst s0;
	s0 =	simm.s32 @!p2 $0x0  }
0x16: {  	s3 =	sld [smem:$0x3FDB];
	s0 =	simm.s32 @p2 $0x1  }
0x17: {  	s4 =	simm.s32 $0x1BF5;
	[smem:$0x3FB9] =	sst s0  }
0x18: {  	s0 =	sld [smem:$0x3F9C];
	_ =	swait.ge [sflag:s4], $0x0  }
0x19: {  	s7 =	sld [smem:$0x3F9D]  }
0x1a: {  	s8 =	sadd.s32 $0xFFFFE003, lr  }
0x1b: {  	s9 =	sadd.s32 $0xFFFFFEF7, lr;
	s5 =	simm.s32 $0xFFFFFFFF;
	p2 =	slt.u32 s8, $0xFFFFF086  }
0x1c: {  	p1 =	slt.u32 s9, $0xF7A;
	s5 =	simm.s32 @!p2 $0x0  }
0x1d: {  	s5 =	simm.s32 @p1 $0x1;
	p0 =	seq.s32 s7, s2  }
0x1e: {  	s7 =	smul.u32 @!p0 $0xF7A, s2;
	p2 =	seq.s32 @!p0 s5, $0x0  }
0x1f: {  	s9 =	smul.u32 $0xF7A, s1;
	s8 =	simm.s32 @!p0 $0x1BF5;
	p2 =	por !p2, p0  }
0x20: {  	[sflag:s8] =	ssyncset.s32 @!p0 $0xFFFFF086;
	s6 =	sadd.s32 @!p0 s3, s7;
	s7 =	simm.s32 @!p0 $0x108  }
0x21: {  	s3 =	sadd.s32 s3, s9;
	s6 =	sadd.s32 @!p0 $0x88, s6;
	s7 =	simm.s32 @p2 $0x1082  }
0x22: {  	[simem:s7], [sflag:s8] =	dma.local @!p0 [hbm:s6], $0xF7A  }
0x23: {  	s9 =	sor.u32 $0xD0000000, s2;
	s6 =	simm.s32 $0x108;
	_ =	swait.ge @!p0 [sflag:s8], $0x0  }
0x24: {  	s3 =	sadd.s32 $0x88, s3;
	s6 =	simm.s32 @!p1 $0x1082;
	[sflag:s4] =	ssyncset.s32 $0xFFFFF086  }
0x25: {  	[simem:s6], [sflag:s4] =	dma.local [hbm:s3], $0xF7A  }
0x26: {  	[smem:$0x3F9D] =	sst s1;
	(tag) =	ssettag s2;
	_ =	strace s9  }
0x27: {  	s1 =	sld [smem:$0x3FAD]  }
0x28: {  	s2 =	sld [smem:$0x3FAE]  }
0x29: {  	s4 =	sld [smem:$0x3FB0]  }
0x2a: {  	p0 =	seq.s32 s5, $0x0;
	s5 =	sld [smem:$0x3FB1]  }
0x2b: {  	s6 =	sld [smem:$0x3FB2]  }
0x2c: {  	s7 =	sld [smem:$0x3FB3]  }
0x2d: {  	s3 =	simm.s32 $0x108;
	s8 =	sld [smem:$0x3FB4]  }
0x2e: {  	s3 =	simm.s32 @!p0 $0x1082;
	s9 =	sld [smem:$0x3FB5]  }
0x2f: {  	lr =	sadd.s32 s0, s3;
	s0 =	sld [smem:$0x3FAC]  }
0x30: {  	s3 =	sld [smem:$0x3FAF]  }
0x31: {  	[smem:$0x3FB8] =	sst s10  }
0x32: {  	s10 =	sld [smem:$0x3FB6];
	_ =	sdelay $0x3  }
0x33: {  	p0 =	seq.s32 s10, $0x1;
	s10 =	sld [smem:$0x3FB8];
	_ =	sdelay $0x3  }
0x34: {  	[smem:$0x3FB8] =	sst s10  }
0x35: {  	s10 =	sld [smem:$0x3FB7];
	_ =	sdelay $0x3  }
0x36: {  	p1 =	seq.s32 s10, $0x1;
	s10 =	sld [smem:$0x3FB8];
	_ =	sdelay $0x3  }
0x37: {  	[smem:$0x3FB8] =	sst s10  }
0x38: {  	s10 =	sld [smem:$0x3FB9]  }
0x39: {  	_ = 	snop;
	(pc) =	sbr.ind lr, $3  }
0x3a: {  	_ = 	snop  }
0x3b: {  	_ = 	snop  }
0x3c: {  	p2 =	seq.s32 s10, $0x1;
	s10 =	sld [smem:$0x3FB8]  }
0x3d: {  	_ =	shalt  }
0x3e: {  	_ =	shalt  }
0x3f: {  	_ =	shalt  }
0x40: {  	_ =	shalt  }
0x41: {  	_ =	shalt  }
0x42: {  	_ =	shalt  }
0x43: {  	_ =	shalt  }
0x44: {  	_ =	shalt  }
0x45: {  	_ =	shalt  }
0x46: {  	_ =	shalt  }
0x47: {  	_ =	shalt  }
0x48: {  	_ =	shalt  }
0x49: {  	_ =	shalt  }
0x4a: {  	_ =	shalt  }
0x4b: {  	_ =	shalt  }
0x4c: {  	_ =	shalt  }
0x4d: {  	_ =	shalt  }
0x4e: {  	_ =	shalt  }
0x4f: {  	_ =	shalt  }
0x50: {  	_ =	shalt  }
0x51: {  	_ =	shalt  }
0x52: {  	_ =	shalt  }
0x53: {  	_ =	shalt  }
0x54: {  	_ =	shalt  }
0x55: {  	_ =	shalt  }
0x56: {  	_ =	shalt  }
0x57: {  	_ =	shalt  }
0x58: {  	_ =	shalt  }
0x59: {  	_ =	shalt  }
0x5a: {  	_ =	shalt  }
0x5b: {  	_ =	shalt  }
0x5c: {  	_ =	shalt  }
0x5d: {  	_ =	shalt  }
0x5e: {  	_ =	shalt  }
0x5f: {  	_ =	shalt  }
0x60: {  	_ =	shalt  }
0x61: {  	_ =	shalt  }
0x62: {  	_ =	shalt  }
0x63: {  	_ =	shalt  }
0x64: {  	_ =	shalt  }
0x65: {  	_ =	shalt  }
0x66: {  	_ =	shalt  }
0x67: {  	_ =	shalt  }
0x68: {  	_ =	shalt  }
0x69: {  	_ =	shalt  }
0x6a: {  	_ =	shalt  }
0x6b: {  	_ =	shalt  }
0x6c: {  	_ =	shalt  }
0x6d: {  	_ =	shalt  }
0x6e: {  	_ =	shalt  }
0x6f: {  	_ =	shalt  }
0x70: {  	_ =	shalt  }
0x71: {  	_ =	shalt  }
0x72: {  	_ =	shalt  }
0x73: {  	_ =	shalt  }
0x74: {  	_ =	shalt  }
0x75: {  	_ =	shalt  }
0x76: {  	_ =	shalt  }
0x77: {  	_ =	shalt  }
0x78: {  	_ =	shalt  }
0x79: {  	_ =	shalt  }
0x7a: {  	_ =	shalt  }
0x7b: {  	_ =	shalt  }
0x7c: {  	_ =	shalt  }
0x7d: {  	_ =	shalt  }
0x7e: {  	_ =	shalt  }
0x7f: {  	_ =	shalt  }
0x80: {  	_ =	shalt  }
0x81: {  	_ =	shalt  }
0x82: {  	_ =	shalt  }
0x83: {  	_ =	shalt  }
0x84: {  	_ =	shalt  }
0x85: {  	_ =	shalt  }
0x86: {  	_ =	shalt  }
0x87: {  	_ =	shalt  }
.Lfunc_end0:
.L_simem_size_0:
called_computation_lowered:
.L_overlay_start_0:
0x88: {  	s2 =	sld [smem:$0x3FD9]  }
0x89: {  	s3 =	sld [smem:$0x3FFE];
	_ =	sdelay $0x1  }
0x8a: {  	s1 =	srdreg.scid  }
0x8b: {  	s0 =	sand.u32 $0x1, s1  }
0x8c: {  	s14 =	sshll.u32 s0, $0xA;
	s2 =	sadd.s32 s3, s2  }
0x8d: {  	s2 =	sadd.s32 s2, s14  }
0x8e: {  	[smem:$0x3FC4] =	sst s2  }
0x8f: {  	_ = 	snop  }
0x90: {  	s2 =	sld [smem:$0x3FD0];
	_ =	sdelay $0x2  }
0x91: {  	s15 =	simm.s32 $0xA;
	s4 =	simm.s32 $0x10  }
0x92: {  	[smem:s4], [sflag:s15] =	dma.local [hbm:s2], $0x1  }
0x93: {  	_ =	swait.eq [sflag:s15], $0x1  }
0x94: {  	[sflag:s15] =	ssyncset.done $0x0  }
0x95: {  	[sflag:s15] =	ssyncadd.s32 $0xFFFFFFFF  }
0x96: {  	s16 =	sld [smem:$0x10];
	(tm) =	ssettm $0x1  }
0x97: {  	s17 =	sld [smem:$0x3FFB];
	_ =	sdelay $0x3  }
0x98: {  	_ =	strace s17  }
0x99: {  	s3 =	sld [smem:$0x3FFC];
	_ =	sdelay $0x3  }
0x9a: {  	_ =	strace s3  }
0x9b: {  	s3 =	sld [smem:$0x3FFD];
	_ =	sdelay $0x3  }
0x9c: {  	_ =	strace s3  }
0x9d: {  	_ =	strace $0x8FFFFFFF  }
0x9e: {  	s18 =	sld [smem:$0x3FDB];
	_ =	sdelay $0x1  }
0x9f: {  	s19 =	simm.s32 $_scs_section_size  }
0xa0: {  	s5 =	simm.s32 $_size__tile_overlayer_lowered;
	s6 =	simm.s32 $_tile_overlayer_lowered  }
0xa1: {  	s22 =	simm.s32 $0x1BFF;
	s21 =	sshll.u32 s6, $0x1;
	s3 =	sadd.s32 s19, s18  }
0xa2: {  	s7 =	simm.s32 $0x0;
	s20 =	sshll.u32 s5, $0x1;
	s5 =	sadd.s32 s21, s3  }
0xa3: {  	[timem:s7], [sflag:s22] =	dma.local [hbm:s5], s20  }
0xa4: {  	_ =	swait.ge [sflag:s22], s20  }
0xa5: {  	s4 =	ssub.s32 $0x0, s20;
	[sflag:s22] =	ssyncset.done $0x0  }
0xa6: {  	[sflag:s22] =	ssyncadd.s32 s4;
	_ =	sdelay $0x1  }
0xa7: {  	s23 =	simm.s32 $0x1B8B  }
0xa8: {  	_ =	swait.ge [sflag:s23], $0x1  }
0xa9: {  	[sflag:s23] =	ssyncset.done $0x0  }
0xaa: {  	s25 =	simm.s32 $0x1B8E;
	s24 =	sld [smem:$0x3FFE];
	[sflag:s23] =	ssyncadd.s32 $0xFFFFFFFF  }
0xab: {  	s26 =	simm.s32 $execute0_lowered;
	[smem:$0x3FD2] =	sst s25  }
0xac: {  	s5 =	sshll.u32 s26, $0x1;
	_ =	strace $0x80000046;
	[dreg:$0x1] =	wrdreg $0xFFFFFFFF  }
0xad: {  	s28 =	simm.s32 $_size_execute0_lowered;
	s3 =	sadd.s32 s3, s5;
	[dreg:$0x0] =	wrdreg $0x0  }
0xae: {  	s5 =	sshll.u32 s28, $0x1;
	[dreg:$0x2] =	wrdreg s3  }
0xaf: {  	[dreg:$0x3] =	wrdreg s5  }
0xb0: {  	[dreg:$0x4] =	wrdreg $0xC0  }
0xb1: {  	_ =	task [dreg:s7], $0x5FFFF  }
0xb2: {  	[dreg:$0x1] =	wrdreg $0xFFFFFFFF  }
0xb3: {  	[dreg:$0x0] =	wrdreg $0x60  }
0xb4: {  	[dreg:$0x2] =	wrdreg s16  }
0xb5: {  	[dreg:$0x3] =	wrdreg s24  }
0xb6: {  	[dreg:$0x4] =	wrdreg $0x0  }
0xb7: {  	[dreg:$0x5] =	wrdreg $0x9  }
0xb8: {  	_ =	task.clear_ibuf [dreg:s7], $0x6FFFF;
	_ =	strace $0x90000046  }
0xb9: {  	s29 =	simm.s32 $0x9;
	_ =	strace $0x80000048  }
0xba: {  	_ =	swait.ge [sflag:s29], $0x1  }
0xbb: {  	[sflag:s29] =	ssyncadd.s32 $0xFFFFFFFF  }
0xbc: {  	_ =	strace $0x90000048  }
0xbd: {  	_ =	sfence  }
0xbe: {  	s30 =	sld [smem:$0x0];
	_ =	sdelay $0x2  }
0xbf: {  	s31 =	sshll.u32 s1, $0xD;
	s1 =	sshrl.u32 s1, $0x2  }
0xc0: {  	s3 =	sand.u32 $0x4000, s31;
	s1 =	sadd.s32 s1, s30  }
0xc1: {  	s0 =	sor.u32 s3, s0;
	s1 =	sshll.u32 s1, $0x11  }
0xc2: {  	s0 =	sor.u32 s1, s0  }
0xc3: {  	s0 =	sadd.s32 $0x8F2B, s0  }
0xc4: {  	[sflag:s0] =	ssyncadd.remote.s32 $0x1  }
0xc5: {  	_ =	sfence.sel $0xFFFF  }
0xc6: {  	[dreg:$0x0] =	wrdreg $0xFFFFFFFF;
	(pc) =	sbr.abs _section_cstart, $3  }
0xc7: {  	[dreg:$0x1] =	wrdreg $0xFFFFFFFF  }
0xc8: {  	_ =	task.clear_ibuf [dreg:s7], $0x2FFFF;
	_ =	strace $0x9FFFFFFF  }
0xc9: {  	(tm) =	ssettm $0x7FFFFFFF  }
tec
execute0_lowered:
.L_overlay_start_1:
0x0: {  	(tag) =	ssettag $0x1  }
0x1: {  	s5 =	rddreg [dreg:$0x0]  }
0x2: {  	s4 =	rddreg [dreg:$0x1]  }
0x3: {  	s1 =	rddreg [dreg:$0x2]  }
0x4: {  	s0 =	rddreg [dreg:$0x3];
	s2 =	simm.s32 $0x0;
	s3 =	srdreg.scid  }
0x5: {  	s15 =	stileid.u32;
	s11 =	simm.s32 $0x80;
	s12 =	simm.s32 $0x5280  }
0x6: {  	s13 =	simm.s32 $0x300;
	s14 =	simm.s32 $0x1;
	s17 =	simm.s32 $0x0  }
0x7: {  	[smem:$0x7FF] =	sst s2;
	s3 =	sand.u32 $0x1, s3;
	s6 =	smul.u32 $0xA00, s15  }
0x8: {  	s10 =	smul.u32 $0x5000, s15;
	s31 =	sshll.u32 s15, $0x6;
	p0 =	sne.s32 s15, $0x0  }
0x9: {  	s15 =	simm.s32 $0x2;
	_ =	strace $0x80000047;
	s7 =	smul.u32 $0x50000, s3  }
0xa: {  	s8 =	sshll.u32 s3, $0x4;
	s9 =	ssub.s32 $0x2, s3;
	s3 =	sadd.s32 $0x1800, s4  }
0xb: {  	s16 =	sshrl.u32 @!p0 s1, $0x3;
	s8 =	sadd.s32 s8, s4;
	s26 =	sshrl.u32 s9, $0x1  }
0xc: {  	s28 =	sshrl.u32 s6, $0x2;
	s4 =	sor.u32 $0x1C03, s31;
	s9 =	ssub.s32 s9, s26  }
0xd: {  	s29 =	sadd.s32 s10, s7;
	s30 =	sadd.s32 s28, s1;
	s10 =	simm.s32 $0x280  }
0xe: {  	s6 =	sshrl.u32 s29, $0x3;
	s7 =	smax.u32 s9, $0x1;
	s9 =	simm.s32 $0x3  }
0xf: {  	v0 =	vimm.f32 $1.000000000e+00;
	s5 =	sadd.s32 s5, s6;
	s6 =	sadd.s32 $0x1A00, s8;
	s8 =	sshrl.u32 s30, $0x3  }
.LBB2_1:
0x10: {  	[spmem:s8], [sflag:s4] =	dma.local [hbm:s3], $0x50  }
0x11: {  	_ =	swait.ge [sflag:s9], $0x50  }
0x12: {  	[sflag:s9] =	ssyncset.done $0x0  }
0x13: {  	[sflag:s9] =	ssyncadd.s32 $0xFFFFFFB0  }
0x14: {  	[tilespmem:s10], [sflag:$0x3] =	stream.linear.gather [hbm4b:s5+s2], $0x5000, $0x38;
	[tilespmem:$0x5300] =	vst v63  }
0x15: {  	_ =	swait.ge [sflag:s9], $0x5000  }
0x16: {  	[sflag:s9] =	ssyncset.done $0x0  }
0x17: {  	[sflag:s9] =	ssyncadd.s32 $0xFFFFB000  }
0x18: {  	[tilespmem:$0x5280] =	vst v0  }
0x19: {  	[tilespmem:$0x5290] =	vst v0  }
0x1a: {  	[tilespmem:$0x52A0] =	vst v0  }
0x1b: {  	[tilespmem:$0x52B0] =	vst v0  }
0x1c: {  	[tilespmem:$0x52C0] =	vst v0  }
0x1d: {  	[tilespmem:$0x52D0] =	vst v0  }
0x1e: {  	[tilespmem:$0x52E0] =	vst v0  }
0x1f: {  	[tilespmem:$0x52F0] =	vst v0  }
0x20: {  	[bflag:$0x0] =	sbarrier.arrive $0xFFFF  }
0x21: {  	[spmem:s1] =	stream.indirect.scatter.add.f32 [tilespmem:s12], [sflag:$0x1], $0x1, s10, s11, $0xb8;
	[tilespmem:$0x5300] =	vst v63  }
0x22: {  	_ = 	snop  }
0x23: {  	[spmem:s1] =	stream.indirect.scatter.add.f32 [tilespmem:s12], [sflag:$0x2], $0x1, s13, s11, $0xb8;
	[tilespmem:$0x5300] =	vst v63  }
0x24: {  	_ =	swait.ge [sflag:s14], $0x80  }
0x25: {  	[sflag:s14] =	ssyncset.done $0x0  }
0x26: {  	s18 =	simm.s32 $0x380;
	[sflag:s14] =	ssyncadd.s32 $0xFFFFFF80  }
0x27: {  	[spmem:s1] =	stream.indirect.scatter.add.f32 [tilespmem:s12], [sflag:$0x1], $0x1, s18, s11, $0xb8;
	[tilespmem:$0x5300] =	vst v63  }
0x28: {  	_ =	swait.ge [sflag:s15], $0x80  }
0x29: {  	[sflag:s15] =	ssyncset.done $0x0  }
0x2a: {  	s19 =	simm.s32 $0x400;
	s18 =	simm.s32 $0xFFFEC800;
	[sflag:s15] =	ssyncadd.s32 $0xFFFFFF80  }
.LBB2_2:
0x2b: {  	[spmem:s1] =	stream.indirect.scatter.add.f32 [tilespmem:s12], [sflag:$0x2], $0x1, s19, s11, $0xb8;
	[tilespmem:$0x5300] =	vst v63  }
0x2c: {  	s19 =	smov.u32 s18  }
0x2d: {  	p1 =	sne.s32 s18, $0xFFFFFC00;
	s18 =	sadd.s32 $0x400, s18;
	_ =	swait.ge [sflag:s14], $0x80  }
0x2e: {  	s19 =	sshra.s32 s19, $0x2;
	[sflag:s14] =	ssyncset.done $0x0  }
.Ltmp0:
0x2f: {  	s20 =	sadd.s32 $0x5280, s19;
	[sflag:s14] =	ssyncadd.s32 $0xFFFFFF80;
	(pc) =	sbr.rel @p1 .LBB2_2-.Ltmp0, $4  }
0x30: {  	[spmem:s1] =	stream.indirect.scatter.add.f32 [tilespmem:s12], [sflag:$0x1], $0x1, s20, s11, $0xb8;
	[tilespmem:$0x5300] =	vst v63  }
0x31: {  	_ =	swait.ge [sflag:s15], $0x80  }
0x32: {  	[sflag:s15] =	ssyncset.done $0x0  }
0x33: {  	s19 =	sadd.s32 $0x5300, s19;
	[sflag:s15] =	ssyncadd.s32 $0xFFFFFF80  }
0x34: {  	[spmem:s1] =	stream.indirect.scatter.add.f32 [tilespmem:s12], [sflag:$0x2], $0x1, s19, s11, $0xb8;
	[tilespmem:$0x5300] =	vst v63  }
0x35: {  	_ =	swait.ge [sflag:s14], $0x80  }
0x36: {  	[sflag:s14] =	ssyncset.done $0x0  }
0x37: {  	[sflag:s14] =	ssyncadd.s32 $0xFFFFFF80  }
0x38: {  	_ =	swait.ge [sflag:s15], $0x80  }
0x39: {  	s18 =	simm.s32 @!p0 $0x1;
	[sflag:s15] =	ssyncset.done $0x0  }
0x3a: {  	s19 =	simm.s32 @!p0 $0x20;
	s17 =	sadd.s32 $0x1, s17;
	[sflag:s15] =	ssyncadd.s32 $0xFFFFFF80  }
0x3b: {  	s20 =	simm.s32 @!p0 $0x10;
	p1 =	sne.s32 s17, s7;
	[bflag:$0x0] =	sbarrier.arrive $0xFFFF  }
0x3c: {  	[hbm:s6@s19], [sflag:s4] =	dma.strided @!p0 [spmem:s16@s20], $0x500, s18, $0x10   }
.Ltmp1:
0x3d: {  	_ = 	snop;
	(pc) =	sbr.rel @p1 .LBB2_1-.Ltmp1, $4  }
0x3e: {  	s18 =	simm.s32 @!p0 $0x3  }
0x3f: {  	_ =	swait.ge @!p0 [sflag:s18], $0x500  }
0x40: {  	[sflag:s18] =	ssyncset.done @!p0 $0x0  }
0x41: {  	[sflag:s18] =	ssyncadd.s32 @!p0 $0xFFFFFB00  }
0x42: {  	_ =	sfence.sel $0x180000  }
0x43: {  	[bflag:$0x0] =	sbarrier.arrive $0xFFFF  }
0x44: {  	_ =	strace $0x90000047  }
0x45: {  	s0 =	sadd.s32 @!p0 $0x100000, s0;
	[bflag:$0x2] =	sbarrier.arrive $0xFFFF  }
0x46: {  	[sflag:s0] =	ssyncadd.tile.s32 @!p0 $0x1;
	_ =	shalt  }
.Lfunc_end2:
_tile_overlayer_lowered:
.L_overlay_start_2:
0x47: {  	(tag) =	ssettag $0x2  }
0x48: {  	s0 =	rddreg [dreg:$0x0];
	s2 =	stileid.u32  }
0x49: {  	s1 =	rddreg [dreg:$0x1];
	p0 =	sne.s32 s2, $0x0  }
0x4a: {  	s3 =	rddreg [dreg:$0x2];
	[bflag:$0x3] =	sbarrier.arrive $0xFFFF;
	s2 =	simm.s32 @!p0 $0x1C03  }
0x4b: {  	[timem:s3], [sflag:s2] =	dma.local @!p0 [hbm:s0], s1  }
0x4c: {  	s0 =	simm.s32 @!p0 $0x3  }
0x4d: {  	_ =	swait.ge @!p0 [sflag:s0], s1  }
0x4e: {  	s1 =	ssub.s32 @!p0 $0x0, s1;
	[sflag:s0] =	ssyncset.done @!p0 $0x0  }
0x4f: {  	[sflag:s0] =	ssyncadd.s32 @!p0 s1  }
0x50: {  	[bflag:$0x3] =	sbarrier.arrive $0xFFFF  }
0x51: {  	_ =	shalt  }

// kernel: kernel.9.cloned.1.call-start
scs
__scs_entry_jumppad:
0x0: {  	(pc) =	sbr.rel $0x88, $3  }
0x1: {  	(tag) =	ssettag $0x0;
	lr =	simm.s32 $0x1  }
0x2: {  	[smem:$0x3F9D] =	sst lr;
	_ =	strace $0xD0000000  }
0x3: {  	_ = 	snop  }
0x4: {  	_ = 	snop  }
0x5: {  	_ = 	snop  }
0x6: {  	_ = 	snop  }
0x7: {  	_ = 	snop  }
__scs_overlays_trampoline_lowered:
0x8: {  	[smem:$0x3FAC] =	sst s0  }
0x9: {  	[smem:$0x3FAD] =	sst s1  }
0xa: {  	[smem:$0x3FAE] =	sst s2  }
0xb: {  	[smem:$0x3FAF] =	sst s3  }
0xc: {  	[smem:$0x3FB0] =	sst s4  }
0xd: {  	[smem:$0x3FB1] =	sst s5  }
0xe: {  	[smem:$0x3FB2] =	sst s6  }
0xf: {  	[smem:$0x3FB3] =	sst s7  }
0x10: {  	[smem:$0x3FB4] =	sst s8  }
0x11: {  	[smem:$0x3FB5] =	sst s9;
	s0 =	simm.s32 @!p0 $0x0  }
0x12: {  	s1 =	sld [smem:$0x3F9B];
	s0 =	simm.s32 @p0 $0x1  }
0x13: {  	[smem:$0x3FB6] =	sst s0;
	s0 =	simm.s32 @!p1 $0x0  }
0x14: {  	s2 =	sld [smem:$0x3F9A];
	s0 =	simm.s32 @p1 $0x1  }
0x15: {  	[smem:$0x3FB7] =	sst s0;
	s0 =	simm.s32 @!p2 $0x0  }
0x16: {  	s3 =	sld [smem:$0x3FDB];
	s0 =	simm.s32 @p2 $0x1  }
0x17: {  	s4 =	simm.s32 $0x1BF5;
	[smem:$0x3FB9] =	sst s0  }
0x18: {  	s0 =	sld [smem:$0x3F9C];
	_ =	swait.ge [sflag:s4], $0x0  }
0x19: {  	s7 =	sld [smem:$0x3F9D]  }
0x1a: {  	s8 =	sadd.s32 $0xFFFFE003, lr  }
0x1b: {  	s9 =	sadd.s32 $0xFFFFFEF7, lr;
	s5 =	simm.s32 $0xFFFFFFFF;
	p2 =	slt.u32 s8, $0xFFFFF086  }
0x1c: {  	p1 =	slt.u32 s9, $0xF7A;
	s5 =	simm.s32 @!p2 $0x0  }
0x1d: {  	s5 =	simm.s32 @p1 $0x1;
	p0 =	seq.s32 s7, s2  }
0x1e: {  	s7 =	smul.u32 @!p0 $0xF7A, s2;
	p2 =	seq.s32 @!p0 s5, $0x0  }
0x1f: {  	s9 =	smul.u32 $0xF7A, s1;
	s8 =	simm.s32 @!p0 $0x1BF5;
	p2 =	por !p2, p0  }
0x20: {  	[sflag:s8] =	ssyncset.s32 @!p0 $0xFFFFF086;
	s6 =	sadd.s32 @!p0 s3, s7;
	s7 =	simm.s32 @!p0 $0x108  }
0x21: {  	s3 =	sadd.s32 s3, s9;
	s6 =	sadd.s32 @!p0 $0x88, s6;
	s7 =	simm.s32 @p2 $0x1082  }
0x22: {  	[simem:s7], [sflag:s8] =	dma.local @!p0 [hbm:s6], $0xF7A  }
0x23: {  	s9 =	sor.u32 $0xD0000000, s2;
	s6 =	simm.s32 $0x108;
	_ =	swait.ge @!p0 [sflag:s8], $0x0  }
0x24: {  	s3 =	sadd.s32 $0x88, s3;
	s6 =	simm.s32 @!p1 $0x1082;
	[sflag:s4] =	ssyncset.s32 $0xFFFFF086  }
0x25: {  	[simem:s6], [sflag:s4] =	dma.local [hbm:s3], $0xF7A  }
0x26: {  	[smem:$0x3F9D] =	sst s1;
	(tag) =	ssettag s2;
	_ =	strace s9  }
0x27: {  	s1 =	sld [smem:$0x3FAD]  }
0x28: {  	s2 =	sld [smem:$0x3FAE]  }
0x29: {  	s4 =	sld [smem:$0x3FB0]  }
0x2a: {  	p0 =	seq.s32 s5, $0x0;
	s5 =	sld [smem:$0x3FB1]  }
0x2b: {  	s6 =	sld [smem:$0x3FB2]  }
0x2c: {  	s7 =	sld [smem:$0x3FB3]  }
0x2d: {  	s3 =	simm.s32 $0x108;
	s8 =	sld [smem:$0x3FB4]  }
0x2e: {  	s3 =	simm.s32 @!p0 $0x1082;
	s9 =	sld [smem:$0x3FB5]  }
0x2f: {  	lr =	sadd.s32 s0, s3;
	s0 =	sld [smem:$0x3FAC]  }
0x30: {  	s3 =	sld [smem:$0x3FAF]  }
0x31: {  	[smem:$0x3FB8] =	sst s10  }
0x32: {  	s10 =	sld [smem:$0x3FB6];
	_ =	sdelay $0x3  }
0x33: {  	p0 =	seq.s32 s10, $0x1;
	s10 =	sld [smem:$0x3FB8];
	_ =	sdelay $0x3  }
0x34: {  	[smem:$0x3FB8] =	sst s10  }
0x35: {  	s10 =	sld [smem:$0x3FB7];
	_ =	sdelay $0x3  }
0x36: {  	p1 =	seq.s32 s10, $0x1;
	s10 =	sld [smem:$0x3FB8];
	_ =	sdelay $0x3  }
0x37: {  	[smem:$0x3FB8] =	sst s10  }
0x38: {  	s10 =	sld [smem:$0x3FB9]  }
0x39: {  	_ = 	snop;
	(pc) =	sbr.ind lr, $3  }
0x3a: {  	_ = 	snop  }
0x3b: {  	_ = 	snop  }
0x3c: {  	p2 =	seq.s32 s10, $0x1;
	s10 =	sld [smem:$0x3FB8]  }
0x3d: {  	_ =	shalt  }
0x3e: {  	_ =	shalt  }
0x3f: {  	_ =	shalt  }
0x40: {  	_ =	shalt  }
0x41: {  	_ =	shalt  }
0x42: {  	_ =	shalt  }
0x43: {  	_ =	shalt  }
0x44: {  	_ =	shalt  }
0x45: {  	_ =	shalt  }
0x46: {  	_ =	shalt  }
0x47: {  	_ =	shalt  }
0x48: {  	_ =	shalt  }
0x49: {  	_ =	shalt  }
0x4a: {  	_ =	shalt  }
0x4b: {  	_ =	shalt  }
0x4c: {  	_ =	shalt  }
0x4d: {  	_ =	shalt  }
0x4e: {  	_ =	shalt  }
0x4f: {  	_ =	shalt  }
0x50: {  	_ =	shalt  }
0x51: {  	_ =	shalt  }
0x52: {  	_ =	shalt  }
0x53: {  	_ =	shalt  }
0x54: {  	_ =	shalt  }
0x55: {  	_ =	shalt  }
0x56: {  	_ =	shalt  }
0x57: {  	_ =	shalt  }
0x58: {  	_ =	shalt  }
0x59: {  	_ =	shalt  }
0x5a: {  	_ =	shalt  }
0x5b: {  	_ =	shalt  }
0x5c: {  	_ =	shalt  }
0x5d: {  	_ =	shalt  }
0x5e: {  	_ =	shalt  }
0x5f: {  	_ =	shalt  }
0x60: {  	_ =	shalt  }
0x61: {  	_ =	shalt  }
0x62: {  	_ =	shalt  }
0x63: {  	_ =	shalt  }
0x64: {  	_ =	shalt  }
0x65: {  	_ =	shalt  }
0x66: {  	_ =	shalt  }
0x67: {  	_ =	shalt  }
0x68: {  	_ =	shalt  }
0x69: {  	_ =	shalt  }
0x6a: {  	_ =	shalt  }
0x6b: {  	_ =	shalt  }
0x6c: {  	_ =	shalt  }
0x6d: {  	_ =	shalt  }
0x6e: {  	_ =	shalt  }
0x6f: {  	_ =	shalt  }
0x70: {  	_ =	shalt  }
0x71: {  	_ =	shalt  }
0x72: {  	_ =	shalt  }
0x73: {  	_ =	shalt  }
0x74: {  	_ =	shalt  }
0x75: {  	_ =	shalt  }
0x76: {  	_ =	shalt  }
0x77: {  	_ =	shalt  }
0x78: {  	_ =	shalt  }
0x79: {  	_ =	shalt  }
0x7a: {  	_ =	shalt  }
0x7b: {  	_ =	shalt  }
0x7c: {  	_ =	shalt  }
0x7d: {  	_ =	shalt  }
0x7e: {  	_ =	shalt  }
0x7f: {  	_ =	shalt  }
0x80: {  	_ =	shalt  }
0x81: {  	_ =	shalt  }
0x82: {  	_ =	shalt  }
0x83: {  	_ =	shalt  }
0x84: {  	_ =	shalt  }
0x85: {  	_ =	shalt  }
0x86: {  	_ =	shalt  }
0x87: {  	_ =	shalt  }
.Lfunc_end0:
.L_simem_size_0:
called_computation.1_lowered:
.L_overlay_start_0:
0x88: {  	s2 =	sld [smem:$0x3FD9]  }
0x89: {  	s3 =	sld [smem:$0x3FFE];
	_ =	sdelay $0x1  }
0x8a: {  	s1 =	srdreg.scid  }
0x8b: {  	s0 =	sand.u32 $0x1, s1  }
0x8c: {  	s14 =	sshll.u32 s0, $0xA;
	s2 =	sadd.s32 s3, s2  }
0x8d: {  	s2 =	sadd.s32 s2, s14  }
0x8e: {  	[smem:$0x3FC4] =	sst s2  }
0x8f: {  	_ = 	snop  }
0x90: {  	s2 =	sld [smem:$0x3FD0];
	_ =	sdelay $0x2  }
0x91: {  	s15 =	simm.s32 $0xA;
	s4 =	simm.s32 $0x10  }
0x92: {  	[smem:s4], [sflag:s15] =	dma.local [hbm:s2], $0x1  }
0x93: {  	_ =	swait.eq [sflag:s15], $0x1  }
0x94: {  	[sflag:s15] =	ssyncset.done $0x0  }
0x95: {  	[sflag:s15] =	ssyncadd.s32 $0xFFFFFFFF  }
0x96: {  	s16 =	sld [smem:$0x11];
	(tm) =	ssettm $0x1  }
0x97: {  	s17 =	sld [smem:$0x3FFB];
	_ =	sdelay $0x3  }
0x98: {  	_ =	strace s17  }
0x99: {  	s3 =	sld [smem:$0x3FFC];
	_ =	sdelay $0x3  }
0x9a: {  	_ =	strace s3  }
0x9b: {  	s3 =	sld [smem:$0x3FFD];
	_ =	sdelay $0x3  }
0x9c: {  	_ =	strace s3  }
0x9d: {  	_ =	strace $0x8FFFFFFF  }
0x9e: {  	s18 =	sld [smem:$0x3FDB];
	_ =	sdelay $0x1  }
0x9f: {  	s19 =	simm.s32 $_scs_section_size  }
0xa0: {  	s5 =	simm.s32 $_size__tile_overlayer_lowered;
	s6 =	simm.s32 $_tile_overlayer_lowered  }
0xa1: {  	s22 =	simm.s32 $0x1BFF;
	s21 =	sshll.u32 s6, $0x1;
	s3 =	sadd.s32 s19, s18  }
0xa2: {  	s7 =	simm.s32 $0x0;
	s20 =	sshll.u32 s5, $0x1;
	s5 =	sadd.s32 s21, s3  }
0xa3: {  	[timem:s7], [sflag:s22] =	dma.local [hbm:s5], s20  }
0xa4: {  	_ =	swait.ge [sflag:s22], s20  }
0xa5: {  	s4 =	ssub.s32 $0x0, s20;
	[sflag:s22] =	ssyncset.done $0x0  }
0xa6: {  	[sflag:s22] =	ssyncadd.s32 s4;
	_ =	sdelay $0x1  }
0xa7: {  	s23 =	simm.s32 $0x1B8B  }
0xa8: {  	_ =	swait.ge [sflag:s23], $0x1  }
0xa9: {  	[sflag:s23] =	ssyncset.done $0x0  }
0xaa: {  	s25 =	simm.s32 $0x1B8E;
	s24 =	sld [smem:$0x3FFE];
	[sflag:s23] =	ssyncadd.s32 $0xFFFFFFFF  }
0xab: {  	s26 =	simm.s32 $execute0_lowered;
	[smem:$0x3FD2] =	sst s25  }
0xac: {  	s5 =	sshll.u32 s26, $0x1;
	_ =	strace $0x80000049;
	[dreg:$0x1] =	wrdreg $0xFFFFFFFF  }
0xad: {  	s28 =	simm.s32 $_size_execute0_lowered;
	s3 =	sadd.s32 s3, s5;
	[dreg:$0x0] =	wrdreg $0x0  }
0xae: {  	s5 =	sshll.u32 s28, $0x1;
	[dreg:$0x2] =	wrdreg s3  }
0xaf: {  	[dreg:$0x3] =	wrdreg s5  }
0xb0: {  	[dreg:$0x4] =	wrdreg $0xC0  }
0xb1: {  	_ =	task [dreg:s7], $0x5FFFF  }
0xb2: {  	[dreg:$0x1] =	wrdreg $0xFFFFFFFF  }
0xb3: {  	[dreg:$0x0] =	wrdreg $0x60  }
0xb4: {  	[dreg:$0x2] =	wrdreg s24  }
0xb5: {  	[dreg:$0x3] =	wrdreg s16  }
0xb6: {  	[dreg:$0x4] =	wrdreg $0x0  }
0xb7: {  	[dreg:$0x5] =	wrdreg $0x9  }
0xb8: {  	_ =	task.clear_ibuf [dreg:s7], $0x6FFFF;
	_ =	strace $0x90000049  }
0xb9: {  	s29 =	simm.s32 $0x9;
	_ =	strace $0x8000004B  }
0xba: {  	_ =	swait.ge [sflag:s29], $0x1  }
0xbb: {  	[sflag:s29] =	ssyncadd.s32 $0xFFFFFFFF  }
0xbc: {  	_ =	strace $0x9000004B  }
0xbd: {  	_ =	sfence  }
0xbe: {  	s30 =	sld [smem:$0x0];
	_ =	sdelay $0x2  }
0xbf: {  	s31 =	sshll.u32 s1, $0xD;
	s1 =	sshrl.u32 s1, $0x2  }
0xc0: {  	s3 =	sand.u32 $0x4000, s31;
	s1 =	sadd.s32 s1, s30  }
0xc1: {  	s0 =	sor.u32 s3, s0;
	s1 =	sshll.u32 s1, $0x11  }
0xc2: {  	s0 =	sor.u32 s1, s0  }
0xc3: {  	s0 =	sadd.s32 $0x8F2B, s0  }
0xc4: {  	[sflag:s0] =	ssyncadd.remote.s32 $0x1  }
0xc5: {  	_ =	sfence.sel $0xFFFF  }
0xc6: {  	[dreg:$0x0] =	wrdreg $0xFFFFFFFF;
	(pc) =	sbr.abs _section_cstart, $3  }
0xc7: {  	[dreg:$0x1] =	wrdreg $0xFFFFFFFF  }
0xc8: {  	_ =	task.clear_ibuf [dreg:s7], $0x2FFFF;
	_ =	strace $0x9FFFFFFF  }
0xc9: {  	(tm) =	ssettm $0x7FFFFFFF  }
tec
execute0_lowered:
.L_overlay_start_1:
0x0: {  	(tag) =	ssettag $0x1  }
0x1: {  	s0 =	rddreg [dreg:$0x0]  }
0x2: {  	s2 =	rddreg [dreg:$0x1]  }
0x3: {  	s1 =	rddreg [dreg:$0x2]  }
0x4: {  	s3 =	srdreg.scid;
	s11 =	stileid.u32;
	s28 =	simm.s32 $0x18800  }
0x5: {  	s30 =	simm.s32 $0x1B000;
	s31 =	simm.s32 $0x1;
	s29 =	simm.s32 $0x15F80  }
0x6: {  	s4 =	sand.u32 $0x1, s3;
	s3 =	simm.s32 $0x0;
	s6 =	smul.u32 $0x14000, s11  }
0x7: {  	s7 =	smul.u32 $0x50000, s11;
	s8 =	sadd.s32 $0x1800, s0;
	s14 =	sshll.u32 s11, $0x6  }
0x8: {  	s11 =	sshll.u32 s11, $0xF;
	s5 =	smul.u32 $0x140000, s4;
	[smem:$0x7FF] =	sst s3  }
0x9: {  	s9 =	ssub.s32 $0x2, s4;
	s4 =	sshll.u32 s4, $0x13;
	s20 =	sor.u32 $0x1C0B, s14  }
0xa: {  	_ =	strace $0x8000004A;
	s10 =	sshrl.u32 s9, $0x1;
	s7 =	sshrl.u32 s7, $0x2  }
0xb: {  	s15 =	ssub.s32 s11, s4;
	s4 =	sor.u32 s11, s4;
	[dreg:$0x5] =	wrdreg s20  }
0xc: {  	s6 =	sadd.s32 s6, s5;
	s9 =	ssub.s32 s9, s10;
	s7 =	sadd.s32 s7, s1  }
0xd: {  	s16 =	sadd.s32 $0x80000, s15;
	s17 =	sadd.s32 $0x80800, s15;
	s12 =	sshrl.u32 s4, $0x3  }
0xe: {  	s5 =	sshrl.u32 s5, $0x3;
	s19 =	sor.u32 $0x1000, s4;
	s23 =	sadd.s32 $0x81000, s15  }
0xf: {  	s4 =	sor.u32 $0x1800, s4;
	s24 =	sadd.s32 $0x81800, s15;
	s6 =	sshrl.u32 s6, $0x3  }
0x10: {  	s10 =	sshrl.u32 s16, $0x3;
	s11 =	sshrl.u32 s17, $0x3;
	s18 =	sadd.s32 s2, s12  }
0x11: {  	s21 =	sshrl.u32 s19, $0x3;
	s22 =	smax.u32 s9, $0x1;
	s25 =	sshrl.u32 s4, $0x3  }
0x12: {  	s26 =	sshrl.u32 s24, $0x3;
	s9 =	simm.s32 $0xB;
	s24 =	simm.s32 $0x50  }
0x13: {  	s4 =	simm.s32 $0x2;
	s17 =	simm.s32 $0x4;
	s19 =	simm.s32 $0x8  }
0x14: {  	s12 =	simm.s32 $0x15E80;
	s0 =	sadd.s32 s6, s0;
	s6 =	sadd.s32 s8, s6  }
0x15: {  	s10 =	sadd.s32 s2, s10;
	s11 =	sadd.s32 s2, s11;
	[dreg:$0x7] =	wrdreg s18  }
0x16: {  	[dreg:$0xb] =	wrdreg s22;
	s13 =	sadd.s32 s21, s2;
	s15 =	sadd.s32 s25, s2  }
0x17: {  	s16 =	sadd.s32 s26, s2;
	s21 =	simm.s32 $0x14800;
	[dreg:$0x4] =	wrdreg s6  }
0x18: {  	s22 =	simm.s32 $0x15800;
	s25 =	simm.s32 $0x16000;
	[dreg:$0x6] =	wrdreg s10  }
0x19: {  	s26 =	simm.s32 $0x7;
	[dreg:$0x8] =	wrdreg s11;
	s10 =	sadd.s32 $0x100, s18  }
0x1a: {  	s0 =	sadd.s32 $0xA2400, s0;
	s6 =	sshrl.u32 s7, $0x3;
	s11 =	simm.s32 $0x3  }
.Ltmp0:
0x1b: {  	s7 =	simm.s32 $0x6;
	[dreg:$0x9] =	wrdreg s10;
	(pc) =	sbr.rel .LBB2_1-.Ltmp0, $4  }
0x1c: {  	s18 =	simm.s32 $0x15F00;
	s10 =	sadd.s32 s8, s5;
	[dreg:$0xa] =	wrdreg s0  }
0x1d: {  	s0 =	sshrl.u32 s23, $0x3;
	s23 =	simm.s32 $0x9;
	s8 =	simm.s32 $0x5  }
0x1e: {  	[dreg:$0xc] =	wrdreg s6;
	s14 =	sadd.s32 s0, s2;
	s0 =	simm.s32 $0x0  }
0x1f: {  	s5 =	simm.s32 $0xA;
	s2 =	simm.s32 $0x1D800;
	[dreg:$0xd] =	wrdreg s0  }
.LBB2_4:
0x20: {  	[bflag:$0x0] =	sbarrier.arrive $0xFFFF  }
0x21: {  	s12 =	rddreg [dreg:$0x5]  }
0x22: {  	s0 =	rddreg [dreg:$0xa]  }
0x23: {  	s9 =	simm.s32 $0xB;
	s6 =	rddreg [dreg:$0xc]  }
0x24: {  	[hbm:s0], [sflag:s12] =	dma.local [spmem:s6], $0x2800  }
0x25: {  	_ =	swait.ge [sflag:s9], $0x2800  }
0x26: {  	s20 =	rddreg [dreg:$0xd]  }
0x27: {  	s0 =	rddreg [dreg:$0xb];
	s20 =	sadd.s32 $0x1, s20  }
0x28: {  	p0 =	sne.s32 s20, s0  }
.Ltmp1:
0x29: {  	_ = 	snop;
	(pc) =	sbr.rel @!p0 .LBB2_5-.Ltmp1, $4  }
0x2a: {  	_ = 	snop  }
0x2b: {  	[sflag:s9] =	ssyncset.done $0x0  }
0x2c: {  	[sflag:s9] =	ssyncadd.s32 $0xFFFFD800  }
0x2d: {  	[dreg:$0xd] =	wrdreg s20;
	s20 =	smov.u32 s12;
	s12 =	simm.s32 $0x15E80  }
.LBB2_1:
0x2e: {  	s0 =	rddreg [dreg:$0x4]  }
0x2f: {  	[spmem:s6], [sflag:s20] =	dma.local [hbm:s0], $0x2800  }
0x30: {  	_ =	swait.ge [sflag:s9], $0x2800  }
0x31: {  	[sflag:s9] =	ssyncset.done $0x0  }
0x32: {  	[sflag:s9] =	ssyncadd.s32 $0xFFFFD800  }
0x33: {  	[bflag:$0x0] =	sbarrier.arrive $0xFFFF  }
0x34: {  	s20 =	simm.s32 $0x14000;
	s9 =	rddreg [dreg:$0x6]  }
0x35: {  	[tilespmem:s20], [sflag:$0x9] =	stream.linear.gather [hbm4b:s9+s3], $0x800, $0x38;
	v63 =	vld [tilespmem:$0x0]  }
0x36: {  	s9 =	rddreg [dreg:$0x7];
	s20 =	simm.s32 $0x15000  }
0x37: {  	[tilespmem:s20], [sflag:$0x9] =	stream.linear.gather [hbm4b:s9+s3], $0x800, $0x38;
	v63 =	vld [tilespmem:$0x0]  }
0x38: {  	s9 =	rddreg [dreg:$0x8]  }
0x39: {  	[tilespmem:s21], [sflag:$0xA] =	stream.linear.gather [hbm4b:s9+s3], $0x800, $0x38;
	v63 =	vld [tilespmem:$0x0]  }
0x3a: {  	s0 =	simm.s32 $0x0;
	s20 =	rddreg [dreg:$0x9]  }
0x3b: {  	[tilespmem:s22], [sflag:$0xA] =	stream.linear.gather [hbm4b:s20+s3], $0x800, $0x38;
	v63 =	vld [tilespmem:$0x0]  }
.LBB2_2:
0x3c: {  	_ =	swait.ge [sflag:s23], $0x800  }
0x3d: {  	[sflag:s23] =	ssyncset.done $0x0  }
0x3e: {  	[sflag:s23] =	ssyncadd.s32 $0xFFFFF800  }
0x3f: {  	_ =	swait.ge [sflag:s23], $0x800  }
0x40: {  	[sflag:s23] =	ssyncset.done $0x0  }
0x41: {  	s6 =	simm.s32 $0x14000;
	[sflag:s23] =	ssyncadd.s32 $0xFFFFF800  }
0x42: {  	[tilespmem:s25], [sflag:$0x1] =	stream.indirect.gather [hbm4b:s10+s24], $0x80, s6, s24, $0xb8;
	v63 =	vld [tilespmem:$0x0]  }
0x43: {  	s9 =	simm.s32 $0x14080  }
0x44: {  	[tilespmem:s28], [sflag:$0x2] =	stream.indirect.gather [hbm4b:s10+s24], $0x80, s9, s24, $0xb8;
	v63 =	vld [tilespmem:$0x0]  }
0x45: {  	s20 =	simm.s32 $0x14100  }
0x46: {  	[tilespmem:s30], [sflag:$0x3] =	stream.indirect.gather [hbm4b:s10+s24], $0x80, s20, s24, $0xb8;
	v63 =	vld [tilespmem:$0x0]  }
0x47: {  	_ =	swait.ge [sflag:s31], $0x2800  }
0x48: {  	[sflag:s31] =	ssyncset.done $0x0  }
0x49: {  	s9 =	simm.s32 $0x15000;
	[sflag:s31] =	ssyncadd.s32 $0xFFFFD800  }
0x4a: {  	[spmem:s1] =	stream.indirect.scatter.add.f32 [tilespmem:s25], [sflag:$0x5], $0x80, s9, s24, $0xb8;
	v63 =	vld [tilespmem:$0x0]  }
0x4b: {  	s20 =	simm.s32 $0x14180  }
0x4c: {  	[tilespmem:s2], [sflag:$0x4] =	stream.indirect.gather [hbm4b:s10+s24], $0x80, s20, s24, $0xb8;
	v63 =	vld [tilespmem:$0x0]  }
0x4d: {  	_ =	swait.ge [sflag:s4], $0x2800  }
0x4e: {  	[sflag:s4] =	ssyncset.done $0x0  }
0x4f: {  	s9 =	simm.s32 $0x15080;
	[sflag:s4] =	ssyncadd.s32 $0xFFFFD800  }
0x50: {  	[spmem:s1] =	stream.indirect.scatter.add.f32 [tilespmem:s28], [sflag:$0x6], $0x80, s9, s24, $0xb8;
	v63 =	vld [tilespmem:$0x0]  }
0x51: {  	_ =	swait.ge [sflag:s8], $0x2800  }
0x52: {  	[sflag:s8] =	ssyncset.done $0x0  }
0x53: {  	s20 =	simm.s32 $0x14200;
	[sflag:s8] =	ssyncadd.s32 $0xFFFFD800  }
0x54: {  	[tilespmem:s25], [sflag:$0x1] =	stream.indirect.gather [hbm4b:s10+s24], $0x80, s20, s24, $0xb8;
	v63 =	vld [tilespmem:$0x0]  }
0x55: {  	_ =	swait.ge [sflag:s11], $0x2800  }
0x56: {  	[sflag:s11] =	ssyncset.done $0x0  }
0x57: {  	s9 =	simm.s32 $0x15100;
	[sflag:s11] =	ssyncadd.s32 $0xFFFFD800  }
0x58: {  	[spmem:s1] =	stream.indirect.scatter.add.f32 [tilespmem:s30], [sflag:$0x7], $0x80, s9, s24, $0xb8;
	v63 =	vld [tilespmem:$0x0]  }
0x59: {  	_ =	swait.ge [sflag:s7], $0x2800  }
0x5a: {  	[sflag:s7] =	ssyncset.done $0x0  }
0x5b: {  	s20 =	simm.s32 $0x14280;
	[sflag:s7] =	ssyncadd.s32 $0xFFFFD800  }
0x5c: {  	[tilespmem:s28], [sflag:$0x2] =	stream.indirect.gather [hbm4b:s10+s24], $0x80, s20, s24, $0xb8;
	v63 =	vld [tilespmem:$0x0]  }
0x5d: {  	_ =	swait.ge [sflag:s17], $0x2800  }
0x5e: {  	[sflag:s17] =	ssyncset.done $0x0  }
0x5f: {  	s9 =	simm.s32 $0x15180;
	[sflag:s17] =	ssyncadd.s32 $0xFFFFD800  }
0x60: {  	[spmem:s1] =	stream.indirect.scatter.add.f32 [tilespmem:s2], [sflag:$0x8], $0x80, s9, s24, $0xb8;
	v63 =	vld [tilespmem:$0x0]  }
0x61: {  	_ =	swait.ge [sflag:s26], $0x2800  }
0x62: {  	[sflag:s26] =	ssyncset.done $0x0  }
0x63: {  	s20 =	simm.s32 $0x14300;
	[sflag:s26] =	ssyncadd.s32 $0xFFFFD800  }
0x64: {  	[tilespmem:s30], [sflag:$0x3] =	stream.indirect.gather [hbm4b:s10+s24], $0x80, s20, s24, $0xb8;
	v63 =	vld [tilespmem:$0x0]  }
0x65: {  	_ =	swait.ge [sflag:s31], $0x2800  }
0x66: {  	[sflag:s31] =	ssyncset.done $0x0  }
0x67: {  	s9 =	simm.s32 $0x15200;
	[sflag:s31] =	ssyncadd.s32 $0xFFFFD800  }
0x68: {  	[spmem:s1] =	stream.indirect.scatter.add.f32 [tilespmem:s25], [sflag:$0x5], $0x80, s9, s24, $0xb8;
	v63 =	vld [tilespmem:$0x0]  }
0x69: {  	_ =	swait.ge [sflag:s19], $0x2800  }
0x6a: {  	[sflag:s19] =	ssyncset.done $0x0  }
0x6b: {  	s20 =	simm.s32 $0x14380;
	[sflag:s19] =	ssyncadd.s32 $0xFFFFD800  }
0x6c: {  	[tilespmem:s2], [sflag:$0x4] =	stream.indirect.gather [hbm4b:s10+s24], $0x80, s20, s24, $0xb8;
	v63 =	vld [tilespmem:$0x0]  }
0x6d: {  	_ =	swait.ge [sflag:s4], $0x2800  }
0x6e: {  	[sflag:s4] =	ssyncset.done $0x0  }
0x6f: {  	s9 =	simm.s32 $0x15280;
	[sflag:s4] =	ssyncadd.s32 $0xFFFFD800  }
0x70: {  	[spmem:s1] =	stream.indirect.scatter.add.f32 [tilespmem:s28], [sflag:$0x6], $0x80, s9, s24, $0xb8;
	v63 =	vld [tilespmem:$0x0]  }
0x71: {  	_ =	swait.ge [sflag:s8], $0x2800  }
0x72: {  	[sflag:s8] =	ssyncset.done $0x0  }
0x73: {  	s20 =	simm.s32 $0x14400;
	[sflag:s8] =	ssyncadd.s32 $0xFFFFD800  }
0x74: {  	[tilespmem:s25], [sflag:$0x1] =	stream.indirect.gather [hbm4b:s10+s24], $0x80, s20, s24, $0xb8;
	v63 =	vld [tilespmem:$0x0]  }
0x75: {  	_ =	swait.ge [sflag:s11], $0x2800  }
0x76: {  	[sflag:s11] =	ssyncset.done $0x0  }
0x77: {  	s9 =	simm.s32 $0x15300;
	[sflag:s11] =	ssyncadd.s32 $0xFFFFD800  }
0x78: {  	[spmem:s1] =	stream.indirect.scatter.add.f32 [tilespmem:s30], [sflag:$0x7], $0x80, s9, s24, $0xb8;
	v63 =	vld [tilespmem:$0x0]  }
0x79: {  	_ =	swait.ge [sflag:s7], $0x2800  }
0x7a: {  	[sflag:s7] =	ssyncset.done $0x0  }
0x7b: {  	s20 =	simm.s32 $0x14480;
	[sflag:s7] =	ssyncadd.s32 $0xFFFFD800  }
0x7c: {  	[tilespmem:s28], [sflag:$0x2] =	stream.indirect.gather [hbm4b:s10+s24], $0x80, s20, s24, $0xb8;
	v63 =	vld [tilespmem:$0x0]  }
0x7d: {  	_ =	swait.ge [sflag:s17], $0x2800  }
0x7e: {  	[sflag:s17] =	ssyncset.done $0x0  }
0x7f: {  	s9 =	simm.s32 $0x15380;
	[sflag:s17] =	ssyncadd.s32 $0xFFFFD800  }
0x80: {  	[spmem:s1] =	stream.indirect.scatter.add.f32 [tilespmem:s2], [sflag:$0x8], $0x80, s9, s24, $0xb8;
	v63 =	vld [tilespmem:$0x0]  }
0x81: {  	_ =	swait.ge [sflag:s26], $0x2800  }
0x82: {  	[sflag:s26] =	ssyncset.done $0x0  }
0x83: {  	s20 =	simm.s32 $0x14500;
	[sflag:s26] =	ssyncadd.s32 $0xFFFFD800  }
0x84: {  	[tilespmem:s30], [sflag:$0x3] =	stream.indirect.gather [hbm4b:s10+s24], $0x80, s20, s24, $0xb8;
	v63 =	vld [tilespmem:$0x0]  }
0x85: {  	_ =	swait.ge [sflag:s31], $0x2800  }
0x86: {  	[sflag:s31] =	ssyncset.done $0x0  }
0x87: {  	s9 =	simm.s32 $0x15400;
	[sflag:s31] =	ssyncadd.s32 $0xFFFFD800  }
0x88: {  	[spmem:s1] =	stream.indirect.scatter.add.f32 [tilespmem:s25], [sflag:$0x5], $0x80, s9, s24, $0xb8;
	v63 =	vld [tilespmem:$0x0]  }
0x89: {  	_ =	swait.ge [sflag:s19], $0x2800  }
0x8a: {  	[sflag:s19] =	ssyncset.done $0x0  }
0x8b: {  	s20 =	simm.s32 $0x14580;
	[sflag:s19] =	ssyncadd.s32 $0xFFFFD800  }
0x8c: {  	[tilespmem:s2], [sflag:$0x4] =	stream.indirect.gather [hbm4b:s10+s24], $0x80, s20, s24, $0xb8;
	v63 =	vld [tilespmem:$0x0]  }
0x8d: {  	_ =	swait.ge [sflag:s4], $0x2800  }
0x8e: {  	[sflag:s4] =	ssyncset.done $0x0  }
0x8f: {  	s9 =	simm.s32 $0x15480;
	[sflag:s4] =	ssyncadd.s32 $0xFFFFD800  }
0x90: {  	[spmem:s1] =	stream.indirect.scatter.add.f32 [tilespmem:s28], [sflag:$0x6], $0x80, s9, s24, $0xb8;
	v63 =	vld [tilespmem:$0x0]  }
0x91: {  	_ =	swait.ge [sflag:s8], $0x2800  }
0x92: {  	[sflag:s8] =	ssyncset.done $0x0  }
0x93: {  	s20 =	simm.s32 $0x14600;
	[sflag:s8] =	ssyncadd.s32 $0xFFFFD800  }
0x94: {  	[tilespmem:s25], [sflag:$0x1] =	stream.indirect.gather [hbm4b:s10+s24], $0x80, s20, s24, $0xb8;
	v63 =	vld [tilespmem:$0x0]  }
0x95: {  	_ =	swait.ge [sflag:s11], $0x2800  }
0x96: {  	[sflag:s11] =	ssyncset.done $0x0  }
0x97: {  	s9 =	simm.s32 $0x15500;
	[sflag:s11] =	ssyncadd.s32 $0xFFFFD800  }
0x98: {  	[spmem:s1] =	stream.indirect.scatter.add.f32 [tilespmem:s30], [sflag:$0x7], $0x80, s9, s24, $0xb8;
	v63 =	vld [tilespmem:$0x0]  }
0x99: {  	_ =	swait.ge [sflag:s7], $0x2800  }
0x9a: {  	[sflag:s7] =	ssyncset.done $0x0  }
0x9b: {  	s20 =	simm.s32 $0x14680;
	[sflag:s7] =	ssyncadd.s32 $0xFFFFD800  }
0x9c: {  	[tilespmem:s28], [sflag:$0x2] =	stream.indirect.gather [hbm4b:s10+s24], $0x80, s20, s24, $0xb8;
	v63 =	vld [tilespmem:$0x0]  }
0x9d: {  	_ =	swait.ge [sflag:s17], $0x2800  }
0x9e: {  	[sflag:s17] =	ssyncset.done $0x0  }
0x9f: {  	s9 =	simm.s32 $0x15580;
	[sflag:s17] =	ssyncadd.s32 $0xFFFFD800  }
0xa0: {  	[spmem:s1] =	stream.indirect.scatter.add.f32 [tilespmem:s2], [sflag:$0x8], $0x80, s9, s24, $0xb8;
	v63 =	vld [tilespmem:$0x0]  }
0xa1: {  	_ =	swait.ge [sflag:s26], $0x2800  }
0xa2: {  	[sflag:s26] =	ssyncset.done $0x0  }
0xa3: {  	s20 =	simm.s32 $0x14700;
	[sflag:s26] =	ssyncadd.s32 $0xFFFFD800  }
0xa4: {  	[tilespmem:s30], [sflag:$0x3] =	stream.indirect.gather [hbm4b:s10+s24], $0x80, s20, s24, $0xb8;
	v63 =	vld [tilespmem:$0x0]  }
0xa5: {  	_ =	swait.ge [sflag:s31], $0x2800  }
0xa6: {  	[sflag:s31] =	ssyncset.done $0x0  }
0xa7: {  	s9 =	simm.s32 $0x15600;
	[sflag:s31] =	ssyncadd.s32 $0xFFFFD800  }
0xa8: {  	[spmem:s1] =	stream.indirect.scatter.add.f32 [tilespmem:s25], [sflag:$0x5], $0x80, s9, s24, $0xb8;
	v63 =	vld [tilespmem:$0x0]  }
0xa9: {  	_ =	swait.ge [sflag:s19], $0x2800  }
0xaa: {  	[sflag:s19] =	ssyncset.done $0x0  }
0xab: {  	s20 =	simm.s32 $0x14780;
	[sflag:s19] =	ssyncadd.s32 $0xFFFFD800  }
0xac: {  	[tilespmem:s2], [sflag:$0x4] =	stream.indirect.gather [hbm4b:s10+s24], $0x80, s20, s24, $0xb8;
	v63 =	vld [tilespmem:$0x0]  }
0xad: {  	_ =	swait.ge [sflag:s4], $0x2800  }
0xae: {  	[sflag:s4] =	ssyncset.done $0x0  }
0xaf: {  	s9 =	simm.s32 $0x15680;
	[sflag:s4] =	ssyncadd.s32 $0xFFFFD800  }
0xb0: {  	[spmem:s1] =	stream.indirect.scatter.add.f32 [tilespmem:s28], [sflag:$0x6], $0x80, s9, s24, $0xb8;
	v63 =	vld [tilespmem:$0x0]  }
0xb1: {  	_ =	swait.ge [sflag:s8], $0x2800  }
0xb2: {  	[sflag:s8] =	ssyncset.done $0x0  }
0xb3: {  	[sflag:s8] =	ssyncadd.s32 $0xFFFFD800  }
0xb4: {  	_ =	swait.ge [sflag:s11], $0x2800  }
0xb5: {  	[sflag:s11] =	ssyncset.done $0x0  }
0xb6: {  	s20 =	simm.s32 $0x15700;
	[sflag:s11] =	ssyncadd.s32 $0xFFFFD800  }
0xb7: {  	[spmem:s1] =	stream.indirect.scatter.add.f32 [tilespmem:s30], [sflag:$0x7], $0x80, s20, s24, $0xb8;
	v63 =	vld [tilespmem:$0x0]  }
0xb8: {  	_ =	swait.ge [sflag:s7], $0x2800  }
0xb9: {  	[sflag:s7] =	ssyncset.done $0x0  }
0xba: {  	[sflag:s7] =	ssyncadd.s32 $0xFFFFD800  }
0xbb: {  	_ =	swait.ge [sflag:s17], $0x2800  }
0xbc: {  	[sflag:s17] =	ssyncset.done $0x0  }
0xbd: {  	s9 =	simm.s32 $0x15780;
	[sflag:s17] =	ssyncadd.s32 $0xFFFFD800  }
0xbe: {  	[spmem:s1] =	stream.indirect.scatter.add.f32 [tilespmem:s2], [sflag:$0x8], $0x80, s9, s24, $0xb8;
	v63 =	vld [tilespmem:$0x0]  }
0xbf: {  	_ =	swait.ge [sflag:s26], $0x2800  }
0xc0: {  	[sflag:s26] =	ssyncset.done $0x0  }
0xc1: {  	[sflag:s26] =	ssyncadd.s32 $0xFFFFD800  }
0xc2: {  	p0 =	seq.s32 s0, $0xE00;
	_ =	swait.ge [sflag:s19], $0x2800  }
0xc3: {  	s6 =	simm.s32 @!p0 $0x0;
	[sflag:s19] =	ssyncset.done $0x0  }
0xc4: {  	s20 =	sadd.s32 @!p0 s0, s14;
	s9 =	simm.s32 @!p0 $0x14000;
	[sflag:s19] =	ssyncadd.s32 $0xFFFFD800  }
0xc5: {  	[tilespmem:s9], [sflag:$0x9] =	stream.linear.gather @!p0 [hbm4b:s20+s6], $0x800, $0x38;
	v63 =	vld [tilespmem:$0x0]  }
0xc6: {  	s9 =	sadd.s32 @!p0 s0, s13;
	s20 =	simm.s32 @!p0 $0x15000  }
0xc7: {  	[tilespmem:s20], [sflag:$0x9] =	stream.linear.gather @!p0 [hbm4b:s9+s6], $0x800, $0x38;
	v63 =	vld [tilespmem:$0x0]  }
0xc8: {  	_ =	swait.ge [sflag:s5], $0x800  }
0xc9: {  	[sflag:s5] =	ssyncset.done $0x0  }
0xca: {  	[sflag:s5] =	ssyncadd.s32 $0xFFFFF800  }
0xcb: {  	_ =	swait.ge [sflag:s5], $0x800  }
0xcc: {  	[sflag:s5] =	ssyncset.done $0x0  }
0xcd: {  	[sflag:s5] =	ssyncadd.s32 $0xFFFFF800  }
0xce: {  	[tilespmem:s25], [sflag:$0x1] =	stream.indirect.gather [hbm4b:s10+s24], $0x80, s21, s24, $0xb8;
	v63 =	vld [tilespmem:$0x0]  }
0xcf: {  	s20 =	simm.s32 $0x14880  }
0xd0: {  	[tilespmem:s28], [sflag:$0x2] =	stream.indirect.gather [hbm4b:s10+s24], $0x80, s20, s24, $0xb8;
	v63 =	vld [tilespmem:$0x0]  }
0xd1: {  	s9 =	simm.s32 $0x14900  }
0xd2: {  	[tilespmem:s30], [sflag:$0x3] =	stream.indirect.gather [hbm4b:s10+s24], $0x80, s9, s24, $0xb8;
	v63 =	vld [tilespmem:$0x0]  }
0xd3: {  	_ =	swait.ge [sflag:s31], $0x2800  }
0xd4: {  	[sflag:s31] =	ssyncset.done $0x0  }
0xd5: {  	[sflag:s31] =	ssyncadd.s32 $0xFFFFD800  }
0xd6: {  	[spmem:s1] =	stream.indirect.scatter.add.f32 [tilespmem:s25], [sflag:$0x5], $0x80, s22, s24, $0xb8;
	v63 =	vld [tilespmem:$0x0]  }
0xd7: {  	s20 =	simm.s32 $0x14980  }
0xd8: {  	[tilespmem:s2], [sflag:$0x4] =	stream.indirect.gather [hbm4b:s10+s24], $0x80, s20, s24, $0xb8;
	v63 =	vld [tilespmem:$0x0]  }
0xd9: {  	_ =	swait.ge [sflag:s4], $0x2800  }
0xda: {  	[sflag:s4] =	ssyncset.done $0x0  }
0xdb: {  	s9 =	simm.s32 $0x15880;
	[sflag:s4] =	ssyncadd.s32 $0xFFFFD800  }
0xdc: {  	[spmem:s1] =	stream.indirect.scatter.add.f32 [tilespmem:s28], [sflag:$0x6], $0x80, s9, s24, $0xb8;
	v63 =	vld [tilespmem:$0x0]  }
0xdd: {  	_ =	swait.ge [sflag:s8], $0x2800  }
0xde: {  	[sflag:s8] =	ssyncset.done $0x0  }
0xdf: {  	s20 =	simm.s32 $0x14A00;
	[sflag:s8] =	ssyncadd.s32 $0xFFFFD800  }
0xe0: {  	[tilespmem:s25], [sflag:$0x1] =	stream.indirect.gather [hbm4b:s10+s24], $0x80, s20, s24, $0xb8;
	v63 =	vld [tilespmem:$0x0]  }
0xe1: {  	_ =	swait.ge [sflag:s11], $0x2800  }
0xe2: {  	[sflag:s11] =	ssyncset.done $0x0  }
0xe3: {  	s9 =	simm.s32 $0x15900;
	[sflag:s11] =	ssyncadd.s32 $0xFFFFD800  }
0xe4: {  	[spmem:s1] =	stream.indirect.scatter.add.f32 [tilespmem:s30], [sflag:$0x7], $0x80, s9, s24, $0xb8;
	v63 =	vld [tilespmem:$0x0]  }
0xe5: {  	_ =	swait.ge [sflag:s7], $0x2800  }
0xe6: {  	[sflag:s7] =	ssyncset.done $0x0  }
0xe7: {  	s20 =	simm.s32 $0x14A80;
	[sflag:s7] =	ssyncadd.s32 $0xFFFFD800  }
0xe8: {  	[tilespmem:s28], [sflag:$0x2] =	stream.indirect.gather [hbm4b:s10+s24], $0x80, s20, s24, $0xb8;
	v63 =	vld [tilespmem:$0x0]  }
0xe9: {  	_ =	swait.ge [sflag:s17], $0x2800  }
0xea: {  	[sflag:s17] =	ssyncset.done $0x0  }
0xeb: {  	s9 =	simm.s32 $0x15980;
	[sflag:s17] =	ssyncadd.s32 $0xFFFFD800  }
0xec: {  	[spmem:s1] =	stream.indirect.scatter.add.f32 [tilespmem:s2], [sflag:$0x8], $0x80, s9, s24, $0xb8;
	v63 =	vld [tilespmem:$0x0]  }
0xed: {  	_ =	swait.ge [sflag:s26], $0x2800  }
0xee: {  	[sflag:s26] =	ssyncset.done $0x0  }
0xef: {  	s20 =	simm.s32 $0x14B00;
	[sflag:s26] =	ssyncadd.s32 $0xFFFFD800  }
0xf0: {  	[tilespmem:s30], [sflag:$0x3] =	stream.indirect.gather [hbm4b:s10+s24], $0x80, s20, s24, $0xb8;
	v63 =	vld [tilespmem:$0x0]  }
0xf1: {  	_ =	swait.ge [sflag:s31], $0x2800  }
0xf2: {  	[sflag:s31] =	ssyncset.done $0x0  }
0xf3: {  	s9 =	simm.s32 $0x15A00;
	[sflag:s31] =	ssyncadd.s32 $0xFFFFD800  }
0xf4: {  	[spmem:s1] =	stream.indirect.scatter.add.f32 [tilespmem:s25], [sflag:$0x5], $0x80, s9, s24, $0xb8;
	v63 =	vld [tilespmem:$0x0]  }
0xf5: {  	_ =	swait.ge [sflag:s19], $0x2800  }
0xf6: {  	[sflag:s19] =	ssyncset.done $0x0  }
0xf7: {  	s20 =	simm.s32 $0x14B80;
	[sflag:s19] =	ssyncadd.s32 $0xFFFFD800  }
0xf8: {  	[tilespmem:s2], [sflag:$0x4] =	stream.indirect.gather [hbm4b:s10+s24], $0x80, s20, s24, $0xb8;
	v63 =	vld [tilespmem:$0x0]  }
0xf9: {  	_ =	swait.ge [sflag:s4], $0x2800  }
0xfa: {  	[sflag:s4] =	ssyncset.done $0x0  }
0xfb: {  	s9 =	simm.s32 $0x15A80;
	[sflag:s4] =	ssyncadd.s32 $0xFFFFD800  }
0xfc: {  	[spmem:s1] =	stream.indirect.scatter.add.f32 [tilespmem:s28], [sflag:$0x6], $0x80, s9, s24, $0xb8;
	v63 =	vld [tilespmem:$0x0]  }
0xfd: {  	_ =	swait.ge [sflag:s8], $0x2800  }
0xfe: {  	[sflag:s8] =	ssyncset.done $0x0  }
0xff: {  	s20 =	simm.s32 $0x14C00;
	[sflag:s8] =	ssyncadd.s32 $0xFFFFD800  }
0x100: {  	[tilespmem:s25], [sflag:$0x1] =	stream.indirect.gather [hbm4b:s10+s24], $0x80, s20, s24, $0xb8;
	v63 =	vld [tilespmem:$0x0]  }
0x101: {  	_ =	swait.ge [sflag:s11], $0x2800  }
0x102: {  	[sflag:s11] =	ssyncset.done $0x0  }
0x103: {  	s9 =	simm.s32 $0x15B00;
	[sflag:s11] =	ssyncadd.s32 $0xFFFFD800  }
0x104: {  	[spmem:s1] =	stream.indirect.scatter.add.f32 [tilespmem:s30], [sflag:$0x7], $0x80, s9, s24, $0xb8;
	v63 =	vld [tilespmem:$0x0]  }
0x105: {  	_ =	swait.ge [sflag:s7], $0x2800  }
0x106: {  	[sflag:s7] =	ssyncset.done $0x0  }
0x107: {  	s20 =	simm.s32 $0x14C80;
	[sflag:s7] =	ssyncadd.s32 $0xFFFFD800  }
0x108: {  	[tilespmem:s28], [sflag:$0x2] =	stream.indirect.gather [hbm4b:s10+s24], $0x80, s20, s24, $0xb8;
	v63 =	vld [tilespmem:$0x0]  }
0x109: {  	_ =	swait.ge [sflag:s17], $0x2800  }
0x10a: {  	[sflag:s17] =	ssyncset.done $0x0  }
0x10b: {  	s9 =	simm.s32 $0x15B80;
	[sflag:s17] =	ssyncadd.s32 $0xFFFFD800  }
0x10c: {  	[spmem:s1] =	stream.indirect.scatter.add.f32 [tilespmem:s2], [sflag:$0x8], $0x80, s9, s24, $0xb8;
	v63 =	vld [tilespmem:$0x0]  }
0x10d: {  	_ =	swait.ge [sflag:s26], $0x2800  }
0x10e: {  	[sflag:s26] =	ssyncset.done $0x0  }
0x10f: {  	s20 =	simm.s32 $0x14D00;
	[sflag:s26] =	ssyncadd.s32 $0xFFFFD800  }
0x110: {  	[tilespmem:s30], [sflag:$0x3] =	stream.indirect.gather [hbm4b:s10+s24], $0x80, s20, s24, $0xb8;
	v63 =	vld [tilespmem:$0x0]  }
0x111: {  	_ =	swait.ge [sflag:s31], $0x2800  }
0x112: {  	[sflag:s31] =	ssyncset.done $0x0  }
0x113: {  	s9 =	simm.s32 $0x15C00;
	[sflag:s31] =	ssyncadd.s32 $0xFFFFD800  }
0x114: {  	[spmem:s1] =	stream.indirect.scatter.add.f32 [tilespmem:s25], [sflag:$0x5], $0x80, s9, s24, $0xb8;
	v63 =	vld [tilespmem:$0x0]  }
0x115: {  	_ =	swait.ge [sflag:s19], $0x2800  }
0x116: {  	[sflag:s19] =	ssyncset.done $0x0  }
0x117: {  	s20 =	simm.s32 $0x14D80;
	[sflag:s19] =	ssyncadd.s32 $0xFFFFD800  }
0x118: {  	[tilespmem:s2], [sflag:$0x4] =	stream.indirect.gather [hbm4b:s10+s24], $0x80, s20, s24, $0xb8;
	v63 =	vld [tilespmem:$0x0]  }
0x119: {  	_ =	swait.ge [sflag:s4], $0x2800  }
0x11a: {  	[sflag:s4] =	ssyncset.done $0x0  }
0x11b: {  	s9 =	simm.s32 $0x15C80;
	[sflag:s4] =	ssyncadd.s32 $0xFFFFD800  }
0x11c: {  	[spmem:s1] =	stream.indirect.scatter.add.f32 [tilespmem:s28], [sflag:$0x6], $0x80, s9, s24, $0xb8;
	v63 =	vld [tilespmem:$0x0]  }
0x11d: {  	_ =	swait.ge [sflag:s8], $0x2800  }
0x11e: {  	[sflag:s8] =	ssyncset.done $0x0  }
0x11f: {  	s20 =	simm.s32 $0x14E00;
	[sflag:s8] =	ssyncadd.s32 $0xFFFFD800  }
0x120: {  	[tilespmem:s25], [sflag:$0x1] =	stream.indirect.gather [hbm4b:s10+s24], $0x80, s20, s24, $0xb8;
	v63 =	vld [tilespmem:$0x0]  }
0x121: {  	_ =	swait.ge [sflag:s11], $0x2800  }
0x122: {  	[sflag:s11] =	ssyncset.done $0x0  }
0x123: {  	s9 =	simm.s32 $0x15D00;
	[sflag:s11] =	ssyncadd.s32 $0xFFFFD800  }
0x124: {  	[spmem:s1] =	stream.indirect.scatter.add.f32 [tilespmem:s30], [sflag:$0x7], $0x80, s9, s24, $0xb8;
	v63 =	vld [tilespmem:$0x0]  }
0x125: {  	_ =	swait.ge [sflag:s7], $0x2800  }
0x126: {  	[sflag:s7] =	ssyncset.done $0x0  }
0x127: {  	s20 =	simm.s32 $0x14E80;
	[sflag:s7] =	ssyncadd.s32 $0xFFFFD800  }
0x128: {  	[tilespmem:s28], [sflag:$0x2] =	stream.indirect.gather [hbm4b:s10+s24], $0x80, s20, s24, $0xb8;
	v63 =	vld [tilespmem:$0x0]  }
0x129: {  	_ =	swait.ge [sflag:s17], $0x2800  }
0x12a: {  	[sflag:s17] =	ssyncset.done $0x0  }
0x12b: {  	s9 =	simm.s32 $0x15D80;
	[sflag:s17] =	ssyncadd.s32 $0xFFFFD800  }
0x12c: {  	[spmem:s1] =	stream.indirect.scatter.add.f32 [tilespmem:s2], [sflag:$0x8], $0x80, s9, s24, $0xb8;
	v63 =	vld [tilespmem:$0x0]  }
0x12d: {  	_ =	swait.ge [sflag:s26], $0x2800  }
0x12e: {  	[sflag:s26] =	ssyncset.done $0x0  }
0x12f: {  	s20 =	simm.s32 $0x14F00;
	[sflag:s26] =	ssyncadd.s32 $0xFFFFD800  }
0x130: {  	[tilespmem:s30], [sflag:$0x3] =	stream.indirect.gather [hbm4b:s10+s24], $0x80, s20, s24, $0xb8;
	v63 =	vld [tilespmem:$0x0]  }
0x131: {  	_ =	swait.ge [sflag:s31], $0x2800  }
0x132: {  	[sflag:s31] =	ssyncset.done $0x0  }
0x133: {  	s9 =	simm.s32 $0x15E00;
	[sflag:s31] =	ssyncadd.s32 $0xFFFFD800  }
0x134: {  	[spmem:s1] =	stream.indirect.scatter.add.f32 [tilespmem:s25], [sflag:$0x5], $0x80, s9, s24, $0xb8;
	v63 =	vld [tilespmem:$0x0]  }
0x135: {  	_ =	swait.ge [sflag:s19], $0x2800  }
0x136: {  	[sflag:s19] =	ssyncset.done $0x0  }
0x137: {  	s20 =	simm.s32 $0x14F80;
	[sflag:s19] =	ssyncadd.s32 $0xFFFFD800  }
0x138: {  	[tilespmem:s2], [sflag:$0x4] =	stream.indirect.gather [hbm4b:s10+s24], $0x80, s20, s24, $0xb8;
	v63 =	vld [tilespmem:$0x0]  }
0x139: {  	_ =	swait.ge [sflag:s4], $0x2800  }
0x13a: {  	[sflag:s4] =	ssyncset.done $0x0  }
0x13b: {  	[sflag:s4] =	ssyncadd.s32 $0xFFFFD800  }
0x13c: {  	[spmem:s1] =	stream.indirect.scatter.add.f32 [tilespmem:s28], [sflag:$0x6], $0x80, s12, s24, $0xb8;
	v63 =	vld [tilespmem:$0x0]  }
0x13d: {  	_ =	swait.ge [sflag:s8], $0x2800  }
0x13e: {  	[sflag:s8] =	ssyncset.done $0x0  }
0x13f: {  	[sflag:s8] =	ssyncadd.s32 $0xFFFFD800  }
0x140: {  	_ =	swait.ge [sflag:s11], $0x2800  }
0x141: {  	[sflag:s11] =	ssyncset.done $0x0  }
0x142: {  	[sflag:s11] =	ssyncadd.s32 $0xFFFFD800  }
0x143: {  	[spmem:s1] =	stream.indirect.scatter.add.f32 [tilespmem:s30], [sflag:$0x7], $0x80, s18, s24, $0xb8;
	v63 =	vld [tilespmem:$0x0]  }
0x144: {  	_ =	swait.ge [sflag:s7], $0x2800  }
0x145: {  	[sflag:s7] =	ssyncset.done $0x0  }
0x146: {  	[sflag:s7] =	ssyncadd.s32 $0xFFFFD800  }
0x147: {  	_ =	swait.ge [sflag:s17], $0x2800  }
0x148: {  	[sflag:s17] =	ssyncset.done $0x0  }
0x149: {  	[sflag:s17] =	ssyncadd.s32 $0xFFFFD800  }
0x14a: {  	[spmem:s1] =	stream.indirect.scatter.add.f32 [tilespmem:s2], [sflag:$0x8], $0x80, s29, s24, $0xb8;
	v63 =	vld [tilespmem:$0x0]  }
0x14b: {  	_ =	swait.ge [sflag:s26], $0x2800  }
.Ltmp2:
0x14c: {  	[sflag:s26] =	ssyncset.done $0x0;
	(pc) =	sbr.rel @p0 .LBB2_4-.Ltmp2, $4  }
0x14d: {  	[sflag:s26] =	ssyncadd.s32 $0xFFFFD800  }
0x14e: {  	_ =	swait.ge [sflag:s19], $0x2800  }
0x14f: {  	[sflag:s19] =	ssyncset.done $0x0  }
0x150: {  	[sflag:s19] =	ssyncadd.s32 $0xFFFFD800  }
.Ltmp3:
0x151: {  	(pc) =	sbr.rel .LBB2_2-.Ltmp3, $4  }
0x152: {  	s6 =	sadd.s32 s0, s16  }
0x153: {  	[tilespmem:s21], [sflag:$0xA] =	stream.linear.gather [hbm4b:s6+s3], $0x800, $0x38;
	v63 =	vld [tilespmem:$0x0]  }
0x154: {  	s20 =	sadd.s32 s0, s15;
	s0 =	sadd.s32 $0x200, s0  }
0x155: {  	[tilespmem:s22], [sflag:$0xA] =	stream.linear.gather [hbm4b:s20+s3], $0x800, $0x38;
	v63 =	vld [tilespmem:$0x0]  }
.LBB2_5:
0x156: {  	_ =	sfence.sel $0x180000  }
0x157: {  	[bflag:$0x0] =	sbarrier.arrive $0xFFFF  }
0x158: {  	_ =	strace $0x9000004A  }
0x159: {  	s0 =	stileid.u32;
	[bflag:$0x2] =	sbarrier.arrive $0xFFFF  }
0x15a: {  	p0 =	sne.s32 s0, $0x0;
	s0 =	rddreg [dreg:$0x3]  }
0x15b: {  	s0 =	sadd.s32 @!p0 $0x100000, s0  }
0x15c: {  	[sflag:s0] =	ssyncadd.tile.s32 @!p0 $0x1;
	_ =	shalt  }
.Lfunc_end2:
_tile_overlayer_lowered:
.L_overlay_start_2:
0x15d: {  	(tag) =	ssettag $0x2  }
0x15e: {  	s0 =	rddreg [dreg:$0x0];
	s2 =	stileid.u32  }
0x15f: {  	s1 =	rddreg [dreg:$0x1];
	p0 =	sne.s32 s2, $0x0  }
0x160: {  	s3 =	rddreg [dreg:$0x2];
	[bflag:$0x3] =	sbarrier.arrive $0xFFFF;
	s2 =	simm.s32 @!p0 $0x1C0B  }
0x161: {  	[timem:s3], [sflag:s2] =	dma.local @!p0 [hbm:s0], s1  }
0x162: {  	s0 =	simm.s32 @!p0 $0xB  }
0x163: {  	_ =	swait.ge @!p0 [sflag:s0], s1  }
0x164: {  	s1 =	ssub.s32 @!p0 $0x0, s1;
	[sflag:s0] =	ssyncset.done @!p0 $0x0  }
0x165: {  	[sflag:s0] =	ssyncadd.s32 @!p0 s1  }
0x166: {  	[bflag:$0x3] =	sbarrier.arrive $0xFFFF  }
0x167: {  	_ =	shalt  }

</sc_bundles>
